<compile_context>
chip_gen: v7x
topology: tpu7x:2x2x1
jax: 0.10.2.dev20260603
libtpu: 0.0.44.dev20260713+nightly
codegen_flags: <defaults>
</compile_context>

<pallas_src>
import functools

import jax
import jax.numpy as jnp
from jax import lax
from jax.experimental import pallas as pl
from jax.experimental.pallas import tpu as pltpu
from jax.experimental.pallas import tpu_sc as plsc

EMB = 768
NE = 8
TOPK = 2
FF = 768
S = 2048
EP = 128

TS = 512
NRT = S // TS

TM = 512
NT = (TOPK * S) // TM + NE
P = NT * TM

NW = 32
TOKW = S // NW



def _router_body(x_ref, rwt_ref, rb_ref, meta_ref, counts_ref, q0r_ref,
                 q1r_ref):
    x = x_ref[...]
    scores = jnp.dot(x, rwt_ref[...], preferred_element_type=jnp.float32)
    lane = lax.broadcasted_iota(jnp.int32, (TS, EP), 1)
    valid = lane < NE
    scores = scores + rb_ref[...]
    scores = jnp.where(valid, scores, -1e30)
    m = jnp.max(scores, axis=1, keepdims=True)
    ex = jnp.where(valid, jnp.exp(scores - m), 0.0)
    probs = ex / jnp.sum(ex, axis=1, keepdims=True)

    m1 = jnp.max(probs, axis=1, keepdims=True)
    a1 = jnp.min(jnp.where(probs == m1, lane, EP), axis=1, keepdims=True)
    oh1 = (lane == a1).astype(jnp.float32)
    probs2 = jnp.where(lane == a1, -1.0, probs)
    m2 = jnp.max(probs2, axis=1, keepdims=True)
    a2 = jnp.min(jnp.where(probs2 == m2, lane, EP), axis=1, keepdims=True)
    oh2 = (lane == a2).astype(jnp.float32)
    oh = oh1 + oh2

    counts_ref[...] = jnp.sum(oh, axis=0, keepdims=True)[None]

    r = lax.broadcasted_iota(jnp.int32, (TS, TS), 0)
    c = lax.broadcasted_iota(jnp.int32, (TS, TS), 1)
    tri = (c < r).astype(jnp.float32)
    cum = jnp.dot(tri, oh, preferred_element_type=jnp.float32)
    r1 = jnp.sum(cum * oh1, axis=1, keepdims=True)
    r2 = jnp.sum(cum * oh2, axis=1, keepdims=True)

    meta_ref[...] = (
        jnp.where(lane == 0, m1, 0.0)
        + jnp.where(lane == 1, m2, 0.0)
        + jnp.where(lane == 2, a1.astype(jnp.float32), 0.0)
        + jnp.where(lane == 3, a2.astype(jnp.float32), 0.0)
        + jnp.where(lane == 4, r1, 0.0)
        + jnp.where(lane == 5, r2, 0.0)
    )
    q0r_ref[...] = jnp.broadcast_to(m1, (TS, EP))
    q1r_ref[...] = jnp.broadcast_to(m2, (TS, EP))


def _router(xf, rwt, rbp):
    return pl.pallas_call(
        _router_body,
        grid=(NRT,),
        in_specs=[
            pl.BlockSpec((TS, EMB), lambda g: (g, 0)),
            pl.BlockSpec((EMB, EP), lambda g: (0, 0)),
            pl.BlockSpec((1, EP), lambda g: (0, 0)),
        ],
        out_specs=[
            pl.BlockSpec((TS, EP), lambda g: (g, 0)),
            pl.BlockSpec((1, 1, EP), lambda g: (g, 0, 0)),
            pl.BlockSpec((TS, EP), lambda g: (g, 0)),
            pl.BlockSpec((TS, EP), lambda g: (g, 0)),
        ],
        out_shape=[
            jax.ShapeDtypeStruct((S, EP), jnp.float32),
            jax.ShapeDtypeStruct((NRT, 1, EP), jnp.float32),
            jax.ShapeDtypeStruct((S, EP), jnp.float32),
            jax.ShapeDtypeStruct((S, EP), jnp.float32),
        ],
    )(xf, rwt, rbp)



def _dispatch_body(x_hbm, pos0_hbm, pos1_hbm, q0r_hbm, q1r_hbm, xs_hbm, sp_hbm,
                   rows_v, p0_v, p1_v, q0_v, q1_v, sem0, sem1, sem2, sem3):
    wid = lax.axis_index("s") * 2 + lax.axis_index("c")
    base = wid * TOKW
    pltpu.sync_copy(x_hbm.at[pl.ds(base, TOKW)], rows_v)
    pltpu.sync_copy(pos0_hbm.at[pl.ds(base, TOKW)], p0_v)
    pltpu.sync_copy(pos1_hbm.at[pl.ds(base, TOKW)], p1_v)
    pltpu.sync_copy(q0r_hbm.at[pl.ds(base, TOKW)], q0_v)
    pltpu.sync_copy(q1r_hbm.at[pl.ds(base, TOKW)], q1_v)
    c0 = pltpu.async_copy(rows_v, xs_hbm.at[p0_v], sem0)
    c1 = pltpu.async_copy(rows_v, xs_hbm.at[p1_v], sem1)
    c2 = pltpu.async_copy(q0_v, sp_hbm.at[p0_v], sem2)
    c3 = pltpu.async_copy(q1_v, sp_hbm.at[p1_v], sem3)
    c0.wait()
    c1.wait()
    c2.wait()
    c3.wait()


def _dispatch(xf, pos0, pos1, q0r, q1r):
    mesh = plsc.VectorSubcoreMesh(core_axis_name="c", subcore_axis_name="s")
    fn = functools.partial(
        pl.kernel,
        mesh=mesh,
        out_type=[
            jax.ShapeDtypeStruct((P, EMB), jnp.float32),
            jax.ShapeDtypeStruct((P, 128), jnp.float32),
        ],
        scratch_types=[
            pltpu.VMEM((TOKW, EMB), jnp.float32),
            pltpu.VMEM((TOKW,), jnp.int32),
            pltpu.VMEM((TOKW,), jnp.int32),
            pltpu.VMEM((TOKW, 128), jnp.float32),
            pltpu.VMEM((TOKW, 128), jnp.float32),
            pltpu.SemaphoreType.DMA,
            pltpu.SemaphoreType.DMA,
            pltpu.SemaphoreType.DMA,
            pltpu.SemaphoreType.DMA,
        ],
    )(_dispatch_body)
    return fn(xf, pos0, pos1, q0r, q1r)



def _ffn_body(ctl_ref,
              xs_ref, sp_ref, w1_hbm, b1_ref, ws_hbm, bs_ref, w2_hbm,
              b2_ref, ys_ref, w1b, wsb, w2b, sem1, sems, sem2):
    g = pl.program_id(0)
    e_cur = ctl_ref[g, 0]
    slot = ctl_ref[g, 2]

    def grp_copies(eidx, sl):
        return (
            pltpu.make_async_copy(w1_hbm.at[eidx], w1b.at[sl], sem1.at[sl]),
            pltpu.make_async_copy(ws_hbm.at[eidx], wsb.at[sl], sems.at[sl]),
            pltpu.make_async_copy(w2_hbm.at[eidx], w2b.at[sl], sem2.at[sl]),
        )

    @pl.when(g == 0)
    def _():
        for c in grp_copies(e_cur, 0):
            c.start()

    @pl.when(ctl_ref[g, 1] == 1)
    def _():
        for c in grp_copies(e_cur, slot):
            c.wait()

        @pl.when(ctl_ref[g, 3] == 1)
        def _():
            for c in grp_copies(ctl_ref[g, 4], 1 - slot):
                c.start()

    @pl.when(e_cur < NE)
    def _():
        xv = xs_ref[...]
        h1 = lax.dot_general(xv, w1b[slot], (((1,), (1,)), ((), ())),
                             preferred_element_type=jnp.float32,
                             precision=lax.Precision.DEFAULT)
        h1 = h1 + b1_ref[0]
        h2 = lax.dot_general(h1, wsb[slot], (((1,), (1,)), ((), ())),
                             preferred_element_type=jnp.float32,
                             precision=lax.Precision.DEFAULT)
        h2 = jnp.maximum(h2 + bs_ref[0], 0.0)
        y = lax.dot_general(h2, w2b[slot], (((1,), (1,)), ((), ())),
                            preferred_element_type=jnp.float32,
                            precision=lax.Precision.DEFAULT)
        ys_ref[...] = (y + b2_ref[0]) * sp_ref[:, 0:1]


def _ffn(ctl, xs, sp, W1, b1, Ws, bs, W2, b2):
    grid_spec = pltpu.PrefetchScalarGridSpec(
        num_scalar_prefetch=1,
        grid=(NT,),
        in_specs=[
            pl.BlockSpec((TM, EMB), lambda g, *pf: (g, 0)),
            pl.BlockSpec((TM, 128), lambda g, *pf: (g, 0)),
            pl.BlockSpec(memory_space=pltpu.MemorySpace.HBM),
            pl.BlockSpec((1, 1, FF),
                         lambda g, ctl: (jnp.minimum(ctl[g, 0], NE - 1), 0, 0)),
            pl.BlockSpec(memory_space=pltpu.MemorySpace.HBM),
            pl.BlockSpec((1, 1, FF),
                         lambda g, ctl: (jnp.minimum(ctl[g, 0], NE - 1), 0, 0)),
            pl.BlockSpec(memory_space=pltpu.MemorySpace.HBM),
            pl.BlockSpec((1, 1, EMB),
                         lambda g, ctl: (jnp.minimum(ctl[g, 0], NE - 1), 0, 0)),
        ],
        out_specs=pl.BlockSpec((TM, EMB), lambda g, *pf: (g, 0)),
        scratch_shapes=[
            pltpu.VMEM((2, FF, EMB), jnp.float32),
            pltpu.VMEM((2, FF, FF), jnp.float32),
            pltpu.VMEM((2, EMB, FF), jnp.float32),
            pltpu.SemaphoreType.DMA((2,)),
            pltpu.SemaphoreType.DMA((2,)),
            pltpu.SemaphoreType.DMA((2,)),
        ],
    )
    return pl.pallas_call(
        _ffn_body,
        grid_spec=grid_spec,
        out_shape=jax.ShapeDtypeStruct((P, EMB), jnp.float32),
    )(ctl, xs, sp, W1, b1[:, None], Ws, bs[:, None], W2, b2[:, None])



NCH = 4
CH = TOKW // NCH


def _combine_body(ys_hbm, pos0_hbm, pos1_hbm, out_hbm,
                  buf0, buf1, p0_v, p1_v, sem0, sem1, semw):
    wid = lax.axis_index("s") * 2 + lax.axis_index("c")
    base = wid * TOKW
    pltpu.sync_copy(pos0_hbm.at[pl.ds(base, TOKW)], p0_v)
    pltpu.sync_copy(pos1_hbm.at[pl.ds(base, TOKW)], p1_v)
    gathers = []
    for ch in range(NCH):
        sl = pl.ds(ch * CH, CH)
        gathers.append((
            pltpu.async_copy(ys_hbm.at[p0_v.at[sl]], buf0.at[sl], sem0),
            pltpu.async_copy(ys_hbm.at[p1_v.at[sl]], buf1.at[sl], sem1),
        ))
    writes = []
    for ch in range(NCH):
        c0, c1 = gathers[ch]
        c0.wait()
        c1.wait()

        def tok_body(i, _):
            def col_body(j, _):
                s = pl.ds(j * 16, 16)
                buf0[i, s] = buf0[i, s] + buf1[i, s]
                return 0

            return lax.fori_loop(0, EMB // 16, col_body, 0, unroll=8)

        lax.fori_loop(ch * CH, (ch + 1) * CH, tok_body, 0)
        writes.append(pltpu.async_copy(
            buf0.at[pl.ds(ch * CH, CH)],
            out_hbm.at[pl.ds(base + ch * CH, CH)], semw))
    for w in writes:
        w.wait()


def _combine(ys, pos0, pos1):
    mesh = plsc.VectorSubcoreMesh(core_axis_name="c", subcore_axis_name="s")
    fn = functools.partial(
        pl.kernel,
        mesh=mesh,
        out_type=jax.ShapeDtypeStruct((S, EMB), jnp.float32),
        scratch_types=[
            pltpu.VMEM((TOKW, EMB), jnp.float32),
            pltpu.VMEM((TOKW, EMB), jnp.float32),
            pltpu.VMEM((TOKW,), jnp.int32),
            pltpu.VMEM((TOKW,), jnp.int32),
            pltpu.SemaphoreType.DMA,
            pltpu.SemaphoreType.DMA,
            pltpu.SemaphoreType.DMA,
        ],
    )(_combine_body)
    return fn(ys, pos0, pos1)



def kernel(x, rW, rb, W1, b1, Ws, bs, W2, b2):
    xf = x.reshape(S, EMB)
    rwt = jnp.zeros((EMB, EP), jnp.float32).at[:, :NE].set(rW.T)
    rbp = jnp.zeros((1, EP), jnp.float32).at[0, :NE].set(rb)

    meta, counts_pad, q0r, q1r = _router(xf, rwt, rbp)

    counts = counts_pad[:, 0, :NE].astype(jnp.int32)
    total = jnp.sum(counts, axis=0)
    ntiles_e = (total + TM - 1) // TM
    off = jnp.concatenate(
        [jnp.zeros((1,), jnp.int32), jnp.cumsum(ntiles_e * TM)[:-1]])
    base = jnp.concatenate(
        [jnp.zeros((1, NE), jnp.int32), jnp.cumsum(counts, axis=0)[:-1]], axis=0)

    e01 = meta[:, 2:4].astype(jnp.int32)
    r01 = meta[:, 4:6].astype(jnp.int32)
    base_rep = jnp.broadcast_to(base[:, None, :], (NRT, TS, NE)).reshape(S, NE)
    offb = off[None, :] + base_rep
    oh01 = e01[:, :, None] == jnp.arange(NE, dtype=jnp.int32)[None, None, :]
    pos = jnp.sum(jnp.where(oh01, offb[:, None, :], 0), axis=-1) + r01
    pos0 = pos[:, 0]
    pos1 = pos[:, 1]

    tile_starts = jnp.cumsum(ntiles_e)
    g = jnp.arange(NT, dtype=jnp.int32)
    te = jnp.sum((g[:, None] >= tile_starts[None, :]).astype(jnp.int32),
                 axis=1).astype(jnp.int32)

    first = ((te != jnp.concatenate([jnp.full((1,), -1, jnp.int32), te[:-1]]))
             & (te < NE)).astype(jnp.int32)
    slot = ((jnp.cumsum(first) - 1) % 2).astype(jnp.int32)
    ee = jnp.arange(NE, dtype=jnp.int32)
    nxt = jnp.min(jnp.where((ee[None, :] > ee[:, None]) & (ntiles_e[None, :] > 0),
                            ee[None, :], NE), axis=1).astype(jnp.int32)
    nxtp = jnp.concatenate([nxt, jnp.full((1,), NE, jnp.int32)])
    eep = jnp.arange(NE + 1, dtype=jnp.int32)
    nxt2 = jnp.sum(jnp.where(nxtp[:, None] == eep[None, :], nxtp[None, :], 0),
                   axis=1).astype(jnp.int32)
    nexte = jnp.sum(jnp.where(te[:, None] == ee[None, :], nxt[None, :], 0),
                    axis=1).astype(jnp.int32)
    nexte2 = jnp.sum(jnp.where(te[:, None] == ee[None, :], nxt2[None, :NE], 0),
                     axis=1).astype(jnp.int32)
    dopf = ((first == 1) & (nexte < NE)).astype(jnp.int32)
    dopf2 = ((first == 1) & (nexte2 < NE)).astype(jnp.int32)
    ctl = jnp.stack([te, first, slot, dopf, nexte, dopf2, nexte2], axis=1)

    xs, sp = _dispatch(xf, pos0, pos1, q0r, q1r)
    ys = _ffn(ctl, xs, sp, W1, b1, Ws, bs, W2, b2)
    out = _combine(ys, pos0, pos1)
    return out.reshape(1, S, EMB)

# --- scband reference (transcript-rebuilt; emitter-appended) ---
"""Pipeline reference for scband-mo-e-23476291240448 (READ-ONLY COPY).

The authoritative reference and input builder live on the scoring server;
editing this copy changes nothing except your own understanding.
"""

import jax, jax.numpy as jnp
import numpy as np

EMB = 768
NUM_EXPERTS = 8
TOP_K = 2
EXPERT_DIM = 768
B, S = 1, 2048

def setup_inputs(seed: int = 0) -> dict:
    key = jax.random.key(seed)
    ks = jax.random.split(key, 9)
    x = jax.random.normal(ks[0], (B, S, EMB), dtype=jnp.float32)
    rW = jax.random.normal(ks[1], (NUM_EXPERTS, EMB), dtype=jnp.float32) * 0.02
    rb = jnp.zeros((NUM_EXPERTS,), dtype=jnp.float32)
    W1 = jax.random.normal(ks[2], (NUM_EXPERTS, EXPERT_DIM, EMB), dtype=jnp.float32) * 0.02
    b1 = jnp.zeros((NUM_EXPERTS, EXPERT_DIM), dtype=jnp.float32)
    Ws = jax.random.normal(ks[3], (NUM_EXPERTS, EXPERT_DIM, EXPERT_DIM), dtype=jnp.float32) * 0.02
    bs = jnp.zeros((NUM_EXPERTS, EXPERT_DIM), dtype=jnp.float32)
    W2 = jax.random.normal(ks[4], (NUM_EXPERTS, EMB, EXPERT_DIM), dtype=jnp.float32) * 0.02
    b2 = jnp.zeros((NUM_EXPERTS, EMB), dtype=jnp.float32)
    return {"x": x, "rW": rW, "rb": rb, "W1": W1, "b1": b1, "Ws": Ws, "bs": bs, "W2": W2, "b2": b2}

def reference(x, rW, rb, W1, b1, Ws, bs, W2, b2):
    # Router: linear -> softmax -> top-k (matches torch.topk over softmax probs)
    scores = jnp.einsum('bsd,ed->bse', x, rW) + rb
    probs = jax.nn.softmax(scores, axis=-1)
    top_k_probs, top_k_indices = jax.lax.top_k(probs, TOP_K)  # [B,S,K]
    # Expert: layer1 (Linear) -> SwiGLU (relu(Linear)) -> layer2 (Linear)
    # Computed densely for all experts, then gathered by top-k indices.
    h1 = jnp.einsum('bsd,efd->bsef', x, W1) + b1            # [B,S,E,F]
    h2 = jax.nn.relu(jnp.einsum('bsef,egf->bseg', h1, Ws) + bs)  # [B,S,E,F]
    y = jnp.einsum('bsef,edf->bsed', h2, W2) + b2           # [B,S,E,D]
    # Gather the selected experts' outputs per token (SparseCore-style gather)
    sel = jnp.take_along_axis(y, top_k_indices[..., None], axis=2)  # [B,S,K,D]
    out = jnp.sum(top_k_probs[..., None] * sel, axis=2)     # [B,S,D]
    return out

if __name__ == "__main__":
    import jax
    _d = setup_inputs()
    print(jax.jit(kernel)(*tuple(_d.values())))

</pallas_src>

<mosaic_0001>
#map = affine_map<(d0, d1) -> (0, 0)>
#map1 = affine_map<(d0, d1) -> (0)>
module attributes {stable_mosaic.version = 14 : i64} {
  func.func @_combine_body(%arg0: i32, %arg1: i32, %arg2: memref<8192x768xf32, #tpu.memory_space<hbm>>, %arg3: memref<2048xi32, #tpu.memory_space<hbm>>, %arg4: memref<2048xi32, #tpu.memory_space<hbm>>, %arg5: memref<2048x768xf32, #tpu.memory_space<hbm>>, %arg6: memref<64x768xf32, #tpu.memory_space<vmem>>, %arg7: memref<64x768xf32, #tpu.memory_space<vmem>>, %arg8: memref<64xi32, #tpu.memory_space<vmem>>, %arg9: memref<64xi32, #tpu.memory_space<vmem>>, %arg10: memref<!tpu.dma_semaphore, #tpu.memory_space<semaphore_mem>>, %arg11: memref<!tpu.dma_semaphore, #tpu.memory_space<semaphore_mem>>, %arg12: memref<!tpu.dma_semaphore, #tpu.memory_space<semaphore_mem>>) attributes {dimension_semantics = [#tpu.dimension_semantics<core_parallel>, #tpu.dimension_semantics<subcore_parallel>], iteration_bounds = array<i64: 2, 16>, scalar_prefetch = 0 : i64, scratch_operands = 7 : i64, tpu.core_type = #tpu.core_type<sc_vector_subcore>, window_params = [{transform_indices = #map}, {transform_indices = #map1}, {transform_indices = #map1}, {transform_indices = #map}]} {
    %mul3A = arith.constant 2 : i32
    %mul3A_0 = arith.muli %arg1, %mul3A : i32
    %add3A = arith.addi %mul3A_0, %arg0 : i32
    %mul3A_1 = arith.constant 64 : i32
    %mul3A_2 = arith.muli %add3A, %mul3A_1 : i32
    "tpu.region"() ({
      %run_scoped3A = tpu.sem_alloc : memref<!tpu.dma_semaphore, #tpu.memory_space<semaphore_mem>>
      %dma_start3A_244 = tpu.memref_slice %arg3[%mul3A_2] : memref<2048xi32, #tpu.memory_space<hbm>> -> memref<64xi32, #tpu.memory_space<hbm>>
      %dma_start3A_245 = tpu.memref_slice %arg3[%mul3A_2] : memref<2048xi32, #tpu.memory_space<hbm>> -> memref<64xi32, #tpu.memory_space<hbm>>
      tpu.enqueue_dma source(%dma_start3A_245 : memref<64xi32, #tpu.memory_space<hbm>>) target(%arg8 : memref<64xi32, #tpu.memory_space<vmem>>) target_semaphore(%run_scoped3A : memref<!tpu.dma_semaphore, #tpu.memory_space<semaphore_mem>>)
      %dma_wait3A_246 = tpu.memref_slice %arg3[%mul3A_2] : memref<2048xi32, #tpu.memory_space<hbm>> -> memref<64xi32, #tpu.memory_space<hbm>>
      %dma_wait3A_247 = tpu.memref_slice %arg3[%mul3A_2] : memref<2048xi32, #tpu.memory_space<hbm>> -> memref<64xi32, #tpu.memory_space<hbm>>
      tpu.wait_dma2 semaphore(%run_scoped3A : memref<!tpu.dma_semaphore, #tpu.memory_space<semaphore_mem>>) src(%dma_wait3A_247 : memref<64xi32, #tpu.memory_space<hbm>>) dst(%arg8 : memref<64xi32, #tpu.memory_space<vmem>>)
      tpu.yield
    }) : () -> ()
    "tpu.region"() ({
      %run_scoped3A = tpu.sem_alloc : memref<!tpu.dma_semaphore, #tpu.memory_space<semaphore_mem>>
      %dma_start3A_244 = tpu.memref_slice %arg4[%mul3A_2] : memref<2048xi32, #tpu.memory_space<hbm>> -> memref<64xi32, #tpu.memory_space<hbm>>
      %dma_start3A_245 = tpu.memref_slice %arg4[%mul3A_2] : memref<2048xi32, #tpu.memory_space<hbm>> -> memref<64xi32, #tpu.memory_space<hbm>>
      tpu.enqueue_dma source(%dma_start3A_245 : memref<64xi32, #tpu.memory_space<hbm>>) target(%arg9 : memref<64xi32, #tpu.memory_space<vmem>>) target_semaphore(%run_scoped3A : memref<!tpu.dma_semaphore, #tpu.memory_space<semaphore_mem>>)
      %dma_wait3A_246 = tpu.memref_slice %arg4[%mul3A_2] : memref<2048xi32, #tpu.memory_space<hbm>> -> memref<64xi32, #tpu.memory_space<hbm>>
      %dma_wait3A_247 = tpu.memref_slice %arg4[%mul3A_2] : memref<2048xi32, #tpu.memory_space<hbm>> -> memref<64xi32, #tpu.memory_space<hbm>>
      tpu.wait_dma2 semaphore(%run_scoped3A : memref<!tpu.dma_semaphore, #tpu.memory_space<semaphore_mem>>) src(%dma_wait3A_247 : memref<64xi32, #tpu.memory_space<hbm>>) dst(%arg9 : memref<64xi32, #tpu.memory_space<vmem>>)
      tpu.yield
    }) : () -> ()
    %dma_start3A = arith.constant 0 : i32
    %dma_start3A_3 = arith.constant 0 : i32
    %dma_start3A_4 = tpu.memref_slice %arg6[%dma_start3A, %dma_start3A_3] : memref<64x768xf32, #tpu.memory_space<vmem>> -> memref<16x768xf32, #tpu.memory_space<vmem>>
    %dma_start3A_5 = arith.constant 0 : i32
    %dma_start3A_6 = tpu.memref_slice %arg8[%dma_start3A_5] : memref<64xi32, #tpu.memory_space<vmem>> -> memref<16xi32, #tpu.memory_space<vmem>>
    %dma_start3A_7 = arith.constant 0 : i32
    %dma_start3A_8 = arith.constant 0 : i32
    %dma_start3A_9 = tpu.memref_slice %arg2[%dma_start3A_7, %dma_start3A_8] : memref<8192x768xf32, #tpu.memory_space<hbm>> -> memref<8192x768xf32, #tpu.memory_space<hbm>>
    tpu.enqueue_indirect_dma source(%dma_start3A_9 : memref<8192x768xf32, #tpu.memory_space<hbm>>) target(%dma_start3A_4 : memref<16x768xf32, #tpu.memory_space<vmem>>) offsets(%dma_start3A_6 : memref<16xi32, #tpu.memory_space<vmem>>) semaphore(%arg10 : memref<!tpu.dma_semaphore, #tpu.memory_space<semaphore_mem>>)
    %dma_start3A_10 = arith.constant 0 : i32
    %dma_start3A_11 = arith.constant 0 : i32
    %dma_start3A_12 = tpu.memref_slice %arg7[%dma_start3A_10, %dma_start3A_11] : memref<64x768xf32, #tpu.memory_space<vmem>> -> memref<16x768xf32, #tpu.memory_space<vmem>>
    %dma_start3A_13 = arith.constant 0 : i32
    %dma_start3A_14 = tpu.memref_slice %arg9[%dma_start3A_13] : memref<64xi32, #tpu.memory_space<vmem>> -> memref<16xi32, #tpu.memory_space<vmem>>
    %dma_start3A_15 = arith.constant 0 : i32
    %dma_start3A_16 = arith.constant 0 : i32
    %dma_start3A_17 = tpu.memref_slice %arg2[%dma_start3A_15, %dma_start3A_16] : memref<8192x768xf32, #tpu.memory_space<hbm>> -> memref<8192x768xf32, #tpu.memory_space<hbm>>
    tpu.enqueue_indirect_dma source(%dma_start3A_17 : memref<8192x768xf32, #tpu.memory_space<hbm>>) target(%dma_start3A_12 : memref<16x768xf32, #tpu.memory_space<vmem>>) offsets(%dma_start3A_14 : memref<16xi32, #tpu.memory_space<vmem>>) semaphore(%arg11 : memref<!tpu.dma_semaphore, #tpu.memory_space<semaphore_mem>>)
    %dma_start3A_18 = arith.constant 16 : i32
    %dma_start3A_19 = arith.constant 0 : i32
    %dma_start3A_20 = tpu.memref_slice %arg6[%dma_start3A_18, %dma_start3A_19] : memref<64x768xf32, #tpu.memory_space<vmem>> -> memref<16x768xf32, #tpu.memory_space<vmem>>
    %dma_start3A_21 = arith.constant 16 : i32
    %dma_start3A_22 = tpu.memref_slice %arg8[%dma_start3A_21] : memref<64xi32, #tpu.memory_space<vmem>> -> memref<16xi32, #tpu.memory_space<vmem>>
    %dma_start3A_23 = arith.constant 0 : i32
    %dma_start3A_24 = arith.constant 0 : i32
    %dma_start3A_25 = tpu.memref_slice %arg2[%dma_start3A_23, %dma_start3A_24] : memref<8192x768xf32, #tpu.memory_space<hbm>> -> memref<8192x768xf32, #tpu.memory_space<hbm>>
    tpu.enqueue_indirect_dma source(%dma_start3A_25 : memref<8192x768xf32, #tpu.memory_space<hbm>>) target(%dma_start3A_20 : memref<16x768xf32, #tpu.memory_space<vmem>>) offsets(%dma_start3A_22 : memref<16xi32, #tpu.memory_space<vmem>>) semaphore(%arg10 : memref<!tpu.dma_semaphore, #tpu.memory_space<semaphore_mem>>)
    %dma_start3A_26 = arith.constant 16 : i32
    %dma_start3A_27 = arith.constant 0 : i32
    %dma_start3A_28 = tpu.memref_slice %arg7[%dma_start3A_26, %dma_start3A_27] : memref<64x768xf32, #tpu.memory_space<vmem>> -> memref<16x768xf32, #tpu.memory_space<vmem>>
    %dma_start3A_29 = arith.constant 16 : i32
    %dma_start3A_30 = tpu.memref_slice %arg9[%dma_start3A_29] : memref<64xi32, #tpu.memory_space<vmem>> -> memref<16xi32, #tpu.memory_space<vmem>>
    %dma_start3A_31 = arith.constant 0 : i32
    %dma_start3A_32 = arith.constant 0 : i32
    %dma_start3A_33 = tpu.memref_slice %arg2[%dma_start3A_31, %dma_start3A_32] : memref<8192x768xf32, #tpu.memory_space<hbm>> -> memref<8192x768xf32, #tpu.memory_space<hbm>>
    tpu.enqueue_indirect_dma source(%dma_start3A_33 : memref<8192x768xf32, #tpu.memory_space<hbm>>) target(%dma_start3A_28 : memref<16x768xf32, #tpu.memory_space<vmem>>) offsets(%dma_start3A_30 : memref<16xi32, #tpu.memory_space<vmem>>) semaphore(%arg11 : memref<!tpu.dma_semaphore, #tpu.memory_space<semaphore_mem>>)
    %dma_start3A_34 = arith.constant 32 : i32
    %dma_start3A_35 = arith.constant 0 : i32
    %dma_start3A_36 = tpu.memref_slice %arg6[%dma_start3A_34, %dma_start3A_35] : memref<64x768xf32, #tpu.memory_space<vmem>> -> memref<16x768xf32, #tpu.memory_space<vmem>>
    %dma_start3A_37 = arith.constant 32 : i32
    %dma_start3A_38 = tpu.memref_slice %arg8[%dma_start3A_37] : memref<64xi32, #tpu.memory_space<vmem>> -> memref<16xi32, #tpu.memory_space<vmem>>
    %dma_start3A_39 = arith.constant 0 : i32
    %dma_start3A_40 = arith.constant 0 : i32
    %dma_start3A_41 = tpu.memref_slice %arg2[%dma_start3A_39, %dma_start3A_40] : memref<8192x768xf32, #tpu.memory_space<hbm>> -> memref<8192x768xf32, #tpu.memory_space<hbm>>
    tpu.enqueue_indirect_dma source(%dma_start3A_41 : memref<8192x768xf32, #tpu.memory_space<hbm>>) target(%dma_start3A_36 : memref<16x768xf32, #tpu.memory_space<vmem>>) offsets(%dma_start3A_38 : memref<16xi32, #tpu.memory_space<vmem>>) semaphore(%arg10 : memref<!tpu.dma_semaphore, #tpu.memory_space<semaphore_mem>>)
    %dma_start3A_42 = arith.constant 32 : i32
    %dma_start3A_43 = arith.constant 0 : i32
    %dma_start3A_44 = tpu.memref_slice %arg7[%dma_start3A_42, %dma_start3A_43] : memref<64x768xf32, #tpu.memory_space<vmem>> -> memref<16x768xf32, #tpu.memory_space<vmem>>
    %dma_start3A_45 = arith.constant 32 : i32
    %dma_start3A_46 = tpu.memref_slice %arg9[%dma_start3A_45] : memref<64xi32, #tpu.memory_space<vmem>> -> memref<16xi32, #tpu.memory_space<vmem>>
    %dma_start3A_47 = arith.constant 0 : i32
    %dma_start3A_48 = arith.constant 0 : i32
    %dma_start3A_49 = tpu.memref_slice %arg2[%dma_start3A_47, %dma_start3A_48] : memref<8192x768xf32, #tpu.memory_space<hbm>> -> memref<8192x768xf32, #tpu.memory_space<hbm>>
    tpu.enqueue_indirect_dma source(%dma_start3A_49 : memref<8192x768xf32, #tpu.memory_space<hbm>>) target(%dma_start3A_44 : memref<16x768xf32, #tpu.memory_space<vmem>>) offsets(%dma_start3A_46 : memref<16xi32, #tpu.memory_space<vmem>>) semaphore(%arg11 : memref<!tpu.dma_semaphore, #tpu.memory_space<semaphore_mem>>)
    %dma_start3A_50 = arith.constant 48 : i32
    %dma_start3A_51 = arith.constant 0 : i32
    %dma_start3A_52 = tpu.memref_slice %arg6[%dma_start3A_50, %dma_start3A_51] : memref<64x768xf32, #tpu.memory_space<vmem>> -> memref<16x768xf32, #tpu.memory_space<vmem>>
    %dma_start3A_53 = arith.constant 48 : i32
    %dma_start3A_54 = tpu.memref_slice %arg8[%dma_start3A_53] : memref<64xi32, #tpu.memory_space<vmem>> -> memref<16xi32, #tpu.memory_space<vmem>>
    %dma_start3A_55 = arith.constant 0 : i32
    %dma_start3A_56 = arith.constant 0 : i32
    %dma_start3A_57 = tpu.memref_slice %arg2[%dma_start3A_55, %dma_start3A_56] : memref<8192x768xf32, #tpu.memory_space<hbm>> -> memref<8192x768xf32, #tpu.memory_space<hbm>>
    tpu.enqueue_indirect_dma source(%dma_start3A_57 : memref<8192x768xf32, #tpu.memory_space<hbm>>) target(%dma_start3A_52 : memref<16x768xf32, #tpu.memory_space<vmem>>) offsets(%dma_start3A_54 : memref<16xi32, #tpu.memory_space<vmem>>) semaphore(%arg10 : memref<!tpu.dma_semaphore, #tpu.memory_space<semaphore_mem>>)
    %dma_start3A_58 = arith.constant 48 : i32
    %dma_start3A_59 = arith.constant 0 : i32
    %dma_start3A_60 = tpu.memref_slice %arg7[%dma_start3A_58, %dma_start3A_59] : memref<64x768xf32, #tpu.memory_space<vmem>> -> memref<16x768xf32, #tpu.memory_space<vmem>>
    %dma_start3A_61 = arith.constant 48 : i32
    %dma_start3A_62 = tpu.memref_slice %arg9[%dma_start3A_61] : memref<64xi32, #tpu.memory_space<vmem>> -> memref<16xi32, #tpu.memory_space<vmem>>
    %dma_start3A_63 = arith.constant 0 : i32
    %dma_start3A_64 = arith.constant 0 : i32
    %dma_start3A_65 = tpu.memref_slice %arg2[%dma_start3A_63, %dma_start3A_64] : memref<8192x768xf32, #tpu.memory_space<hbm>> -> memref<8192x768xf32, #tpu.memory_space<hbm>>
    tpu.enqueue_indirect_dma source(%dma_start3A_65 : memref<8192x768xf32, #tpu.memory_space<hbm>>) target(%dma_start3A_60 : memref<16x768xf32, #tpu.memory_space<vmem>>) offsets(%dma_start3A_62 : memref<16xi32, #tpu.memory_space<vmem>>) semaphore(%arg11 : memref<!tpu.dma_semaphore, #tpu.memory_space<semaphore_mem>>)
    %dma_wait3A = arith.constant 0 : i32
    %dma_wait3A_66 = arith.constant 0 : i32
    %dma_wait3A_67 = tpu.memref_slice %arg6[%dma_wait3A, %dma_wait3A_66] : memref<64x768xf32, #tpu.memory_space<vmem>> -> memref<16x768xf32, #tpu.memory_space<vmem>>
    %dma_wait3A_68 = arith.constant 0 : i32
    %dma_wait3A_69 = tpu.memref_slice %arg8[%dma_wait3A_68] : memref<64xi32, #tpu.memory_space<vmem>> -> memref<16xi32, #tpu.memory_space<vmem>>
    %dma_wait3A_70 = arith.constant 0 : i32
    %dma_wait3A_71 = arith.constant 0 : i32
    %dma_wait3A_72 = tpu.memref_slice %arg2[%dma_wait3A_70, %dma_wait3A_71] : memref<8192x768xf32, #tpu.memory_space<hbm>> -> memref<8192x768xf32, #tpu.memory_space<hbm>>
    tpu.wait_indirect_dma semaphore(%arg10 : memref<!tpu.dma_semaphore, #tpu.memory_space<semaphore_mem>>) src(%dma_wait3A_72 : memref<8192x768xf32, #tpu.memory_space<hbm>>) dst(%dma_wait3A_67 : memref<16x768xf32, #tpu.memory_space<vmem>>)
    %dma_wait3A_73 = arith.constant 0 : i32
    %dma_wait3A_74 = arith.constant 0 : i32
    %dma_wait3A_75 = tpu.memref_slice %arg7[%dma_wait3A_73, %dma_wait3A_74] : memref<64x768xf32, #tpu.memory_space<vmem>> -> memref<16x768xf32, #tpu.memory_space<vmem>>
    %dma_wait3A_76 = arith.constant 0 : i32
    %dma_wait3A_77 = tpu.memref_slice %arg9[%dma_wait3A_76] : memref<64xi32, #tpu.memory_space<vmem>> -> memref<16xi32, #tpu.memory_space<vmem>>
    %dma_wait3A_78 = arith.constant 0 : i32
    %dma_wait3A_79 = arith.constant 0 : i32
    %dma_wait3A_80 = tpu.memref_slice %arg2[%dma_wait3A_78, %dma_wait3A_79] : memref<8192x768xf32, #tpu.memory_space<hbm>> -> memref<8192x768xf32, #tpu.memory_space<hbm>>
    tpu.wait_indirect_dma semaphore(%arg11 : memref<!tpu.dma_semaphore, #tpu.memory_space<semaphore_mem>>) src(%dma_wait3A_80 : memref<8192x768xf32, #tpu.memory_space<hbm>>) dst(%dma_wait3A_75 : memref<16x768xf32, #tpu.memory_space<vmem>>)
    %scan3A = arith.constant 0 : i32
    %scan3A_81 = arith.constant 0 : i32
    %scan3A_82 = arith.constant 16 : i32
    %scan3A_83 = arith.addi %scan3A_81, %scan3A_82 : i32
    %scan3A_84 = arith.constant 1 : i32
    %scan3A_85 = scf.for %scan3A_244 = %scan3A_81 to %scan3A_83 step %scan3A_84 iter_args(%scan3A_245 = %scan3A) -> (i32)  : i32 {
      %scan3A_246 = arith.constant 0 : i32
      %scan3A_247 = arith.constant 0 : i32
      %scan3A_248 = arith.constant 48 : i32
      %scan3A_249 = arith.addi %scan3A_247, %scan3A_248 : i32
      %scan3A_250 = arith.constant 8 : i32
      %scan3A_251 = scf.for %scan3A_253 = %scan3A_247 to %scan3A_249 step %scan3A_250 iter_args(%scan3A_254 = %scan3A_246) -> (i32)  : i32 {
        %mul3A_255 = arith.constant 16 : i32
        %mul3A_256 = arith.muli %scan3A_253, %mul3A_255 : i32
        %get3A = arith.index_cast %scan3A_244 : i32 to index
        %get3A_257 = arith.index_cast %mul3A_256 : i32 to index
        %get3A_258 = tpu.vector_load %arg6[%get3A, %get3A_257] {strides = array<i32>} : memref<64x768xf32, #tpu.memory_space<vmem>>, vector<1x16xf32>,
        %get3A_259 = vector.shape_cast %get3A_258 : vector<1x16xf32> to vector<16xf32>
        %get3A_260 = arith.index_cast %scan3A_244 : i32 to index
        %get3A_261 = arith.index_cast %mul3A_256 : i32 to index
        %get3A_262 = tpu.vector_load %arg7[%get3A_260, %get3A_261] {strides = array<i32>} : memref<64x768xf32, #tpu.memory_space<vmem>>, vector<1x16xf32>,
        %get3A_263 = vector.shape_cast %get3A_262 : vector<1x16xf32> to vector<16xf32>
        %add3A_264 = arith.addf %get3A_259, %get3A_263 : vector<16xf32>
        %swap3A = arith.index_cast %scan3A_244 : i32 to index
        %swap3A_265 = arith.index_cast %mul3A_256 : i32 to index
        %swap3A_266 = tpu.vector_load %arg6[%swap3A, %swap3A_265] {strides = array<i32>} : memref<64x768xf32, #tpu.memory_space<vmem>>, vector<1x16xf32>,
        %swap3A_267 = vector.shape_cast %swap3A_266 : vector<1x16xf32> to vector<16xf32>
        %swap3A_268 = vector.shape_cast %add3A_264 : vector<16xf32> to vector<1x16xf32>
        tpu.vector_store %arg6[%swap3A, %swap3A_265], %swap3A_268 {strides = array<i32>} : memref<64x768xf32, #tpu.memory_space<vmem>>, vector<1x16xf32>,
        %scan3A_269 = arith.constant 0 : i32
        %scan3A_270 = arith.constant 1 : i32
        %scan3A_271 = arith.addi %scan3A_253, %scan3A_270 : i32
        %mul3A_272 = arith.constant 16 : i32
        %mul3A_273 = arith.muli %scan3A_271, %mul3A_272 : i32
        %get3A_274 = arith.index_cast %scan3A_244 : i32 to index
        %get3A_275 = arith.index_cast %mul3A_273 : i32 to index
        %get3A_276 = tpu.vector_load %arg6[%get3A_274, %get3A_275] {strides = array<i32>} : memref<64x768xf32, #tpu.memory_space<vmem>>, vector<1x16xf32>,
        %get3A_277 = vector.shape_cast %get3A_276 : vector<1x16xf32> to vector<16xf32>
        %get3A_278 = arith.index_cast %scan3A_244 : i32 to index
        %get3A_279 = arith.index_cast %mul3A_273 : i32 to index
        %get3A_280 = tpu.vector_load %arg7[%get3A_278, %get3A_279] {strides = array<i32>} : memref<64x768xf32, #tpu.memory_space<vmem>>, vector<1x16xf32>,
        %get3A_281 = vector.shape_cast %get3A_280 : vector<1x16xf32> to vector<16xf32>
        %add3A_282 = arith.addf %get3A_277, %get3A_281 : vector<16xf32>
        %swap3A_283 = arith.index_cast %scan3A_244 : i32 to index
        %swap3A_284 = arith.index_cast %mul3A_273 : i32 to index
        %swap3A_285 = tpu.vector_load %arg6[%swap3A_283, %swap3A_284] {strides = array<i32>} : memref<64x768xf32, #tpu.memory_space<vmem>>, vector<1x16xf32>,
        %swap3A_286 = vector.shape_cast %swap3A_285 : vector<1x16xf32> to vector<16xf32>
        %swap3A_287 = vector.shape_cast %add3A_282 : vector<16xf32> to vector<1x16xf32>
        tpu.vector_store %arg6[%swap3A_283, %swap3A_284], %swap3A_287 {strides = array<i32>} : memref<64x768xf32, #tpu.memory_space<vmem>>, vector<1x16xf32>,
        %scan3A_288 = arith.constant 0 : i32
        %scan3A_289 = arith.constant 2 : i32
        %scan3A_290 = arith.addi %scan3A_253, %scan3A_289 : i32
        %mul3A_291 = arith.constant 16 : i32
        %mul3A_292 = arith.muli %scan3A_290, %mul3A_291 : i32
        %get3A_293 = arith.index_cast %scan3A_244 : i32 to index
        %get3A_294 = arith.index_cast %mul3A_292 : i32 to index
        %get3A_295 = tpu.vector_load %arg6[%get3A_293, %get3A_294] {strides = array<i32>} : memref<64x768xf32, #tpu.memory_space<vmem>>, vector<1x16xf32>,
        %get3A_296 = vector.shape_cast %get3A_295 : vector<1x16xf32> to vector<16xf32>
        %get3A_297 = arith.index_cast %scan3A_244 : i32 to index
        %get3A_298 = arith.index_cast %mul3A_292 : i32 to index
        %get3A_299 = tpu.vector_load %arg7[%get3A_297, %get3A_298] {strides = array<i32>} : memref<64x768xf32, #tpu.memory_space<vmem>>, vector<1x16xf32>,
        %get3A_300 = vector.shape_cast %get3A_299 : vector<1x16xf32> to vector<16xf32>
        %add3A_301 = arith.addf %get3A_296, %get3A_300 : vector<16xf32>
        %swap3A_302 = arith.index_cast %scan3A_244 : i32 to index
        %swap3A_303 = arith.index_cast %mul3A_292 : i32 to index
        %swap3A_304 = tpu.vector_load %arg6[%swap3A_302, %swap3A_303] {strides = array<i32>} : memref<64x768xf32, #tpu.memory_space<vmem>>, vector<1x16xf32>,
        %swap3A_305 = vector.shape_cast %swap3A_304 : vector<1x16xf32> to vector<16xf32>
        %swap3A_306 = vector.shape_cast %add3A_301 : vector<16xf32> to vector<1x16xf32>
        tpu.vector_store %arg6[%swap3A_302, %swap3A_303], %swap3A_306 {strides = array<i32>} : memref<64x768xf32, #tpu.memory_space<vmem>>, vector<1x16xf32>,
        %scan3A_307 = arith.constant 0 : i32
        %scan3A_308 = arith.constant 3 : i32
        %scan3A_309 = arith.addi %scan3A_253, %scan3A_308 : i32
        %mul3A_310 = arith.constant 16 : i32
        %mul3A_311 = arith.muli %scan3A_309, %mul3A_310 : i32
        %get3A_312 = arith.index_cast %scan3A_244 : i32 to index
        %get3A_313 = arith.index_cast %mul3A_311 : i32 to index
        %get3A_314 = tpu.vector_load %arg6[%get3A_312, %get3A_313] {strides = array<i32>} : memref<64x768xf32, #tpu.memory_space<vmem>>, vector<1x16xf32>,
        %get3A_315 = vector.shape_cast %get3A_314 : vector<1x16xf32> to vector<16xf32>
        %get3A_316 = arith.index_cast %scan3A_244 : i32 to index
        %get3A_317 = arith.index_cast %mul3A_311 : i32 to index
        %get3A_318 = tpu.vector_load %arg7[%get3A_316, %get3A_317] {strides = array<i32>} : memref<64x768xf32, #tpu.memory_space<vmem>>, vector<1x16xf32>,
        %get3A_319 = vector.shape_cast %get3A_318 : vector<1x16xf32> to vector<16xf32>
        %add3A_320 = arith.addf %get3A_315, %get3A_319 : vector<16xf32>
        %swap3A_321 = arith.index_cast %scan3A_244 : i32 to index
        %swap3A_322 = arith.index_cast %mul3A_311 : i32 to index
        %swap3A_323 = tpu.vector_load %arg6[%swap3A_321, %swap3A_322] {strides = array<i32>} : memref<64x768xf32, #tpu.memory_space<vmem>>, vector<1x16xf32>,
        %swap3A_324 = vector.shape_cast %swap3A_323 : vector<1x16xf32> to vector<16xf32>
        %swap3A_325 = vector.shape_cast %add3A_320 : vector<16xf32> to vector<1x16xf32>
        tpu.vector_store %arg6[%swap3A_321, %swap3A_322], %swap3A_325 {strides = array<i32>} : memref<64x768xf32, #tpu.memory_space<vmem>>, vector<1x16xf32>,
        %scan3A_326 = arith.constant 0 : i32
        %scan3A_327 = arith.constant 4 : i32
        %scan3A_328 = arith.addi %scan3A_253, %scan3A_327 : i32
        %mul3A_329 = arith.constant 16 : i32
        %mul3A_330 = arith.muli %scan3A_328, %mul3A_329 : i32
        %get3A_331 = arith.index_cast %scan3A_244 : i32 to index
        %get3A_332 = arith.index_cast %mul3A_330 : i32 to index
        %get3A_333 = tpu.vector_load %arg6[%get3A_331, %get3A_332] {strides = array<i32>} : memref<64x768xf32, #tpu.memory_space<vmem>>, vector<1x16xf32>,
        %get3A_334 = vector.shape_cast %get3A_333 : vector<1x16xf32> to vector<16xf32>
        %get3A_335 = arith.index_cast %scan3A_244 : i32 to index
        %get3A_336 = arith.index_cast %mul3A_330 : i32 to index
        %get3A_337 = tpu.vector_load %arg7[%get3A_335, %get3A_336] {strides = array<i32>} : memref<64x768xf32, #tpu.memory_space<vmem>>, vector<1x16xf32>,
        %get3A_338 = vector.shape_cast %get3A_337 : vector<1x16xf32> to vector<16xf32>
        %add3A_339 = arith.addf %get3A_334, %get3A_338 : vector<16xf32>
        %swap3A_340 = arith.index_cast %scan3A_244 : i32 to index
        %swap3A_341 = arith.index_cast %mul3A_330 : i32 to index
        %swap3A_342 = tpu.vector_load %arg6[%swap3A_340, %swap3A_341] {strides = array<i32>} : memref<64x768xf32, #tpu.memory_space<vmem>>, vector<1x16xf32>,
        %swap3A_343 = vector.shape_cast %swap3A_342 : vector<1x16xf32> to vector<16xf32>
        %swap3A_344 = vector.shape_cast %add3A_339 : vector<16xf32> to vector<1x16xf32>
        tpu.vector_store %arg6[%swap3A_340, %swap3A_341], %swap3A_344 {strides = array<i32>} : memref<64x768xf32, #tpu.memory_space<vmem>>, vector<1x16xf32>,
        %scan3A_345 = arith.constant 0 : i32
        %scan3A_346 = arith.constant 5 : i32
        %scan3A_347 = arith.addi %scan3A_253, %scan3A_346 : i32
        %mul3A_348 = arith.constant 16 : i32
        %mul3A_349 = arith.muli %scan3A_347, %mul3A_348 : i32
        %get3A_350 = arith.index_cast %scan3A_244 : i32 to index
        %get3A_351 = arith.index_cast %mul3A_349 : i32 to index
        %get3A_352 = tpu.vector_load %arg6[%get3A_350, %get3A_351] {strides = array<i32>} : memref<64x768xf32, #tpu.memory_space<vmem>>, vector<1x16xf32>,
        %get3A_353 = vector.shape_cast %get3A_352 : vector<1x16xf32> to vector<16xf32>
        %get3A_354 = arith.index_cast %scan3A_244 : i32 to index
        %get3A_355 = arith.index_cast %mul3A_349 : i32 to index
        %get3A_356 = tpu.vector_load %arg7[%get3A_354, %get3A_355] {strides = array<i32>} : memref<64x768xf32, #tpu.memory_space<vmem>>, vector<1x16xf32>,
        %get3A_357 = vector.shape_cast %get3A_356 : vector<1x16xf32> to vector<16xf32>
        %add3A_358 = arith.addf %get3A_353, %get3A_357 : vector<16xf32>
        %swap3A_359 = arith.index_cast %scan3A_244 : i32 to index
        %swap3A_360 = arith.index_cast %mul3A_349 : i32 to index
        %swap3A_361 = tpu.vector_load %arg6[%swap3A_359, %swap3A_360] {strides = array<i32>} : memref<64x768xf32, #tpu.memory_space<vmem>>, vector<1x16xf32>,
        %swap3A_362 = vector.shape_cast %swap3A_361 : vector<1x16xf32> to vector<16xf32>
        %swap3A_363 = vector.shape_cast %add3A_358 : vector<16xf32> to vector<1x16xf32>
        tpu.vector_store %arg6[%swap3A_359, %swap3A_360], %swap3A_363 {strides = array<i32>} : memref<64x768xf32, #tpu.memory_space<vmem>>, vector<1x16xf32>,
        %scan3A_364 = arith.constant 0 : i32
        %scan3A_365 = arith.constant 6 : i32
        %scan3A_366 = arith.addi %scan3A_253, %scan3A_365 : i32
        %mul3A_367 = arith.constant 16 : i32
        %mul3A_368 = arith.muli %scan3A_366, %mul3A_367 : i32
        %get3A_369 = arith.index_cast %scan3A_244 : i32 to index
        %get3A_370 = arith.index_cast %mul3A_368 : i32 to index
        %get3A_371 = tpu.vector_load %arg6[%get3A_369, %get3A_370] {strides = array<i32>} : memref<64x768xf32, #tpu.memory_space<vmem>>, vector<1x16xf32>,
        %get3A_372 = vector.shape_cast %get3A_371 : vector<1x16xf32> to vector<16xf32>
        %get3A_373 = arith.index_cast %scan3A_244 : i32 to index
        %get3A_374 = arith.index_cast %mul3A_368 : i32 to index
        %get3A_375 = tpu.vector_load %arg7[%get3A_373, %get3A_374] {strides = array<i32>} : memref<64x768xf32, #tpu.memory_space<vmem>>, vector<1x16xf32>,
        %get3A_376 = vector.shape_cast %get3A_375 : vector<1x16xf32> to vector<16xf32>
        %add3A_377 = arith.addf %get3A_372, %get3A_376 : vector<16xf32>
        %swap3A_378 = arith.index_cast %scan3A_244 : i32 to index
        %swap3A_379 = arith.index_cast %mul3A_368 : i32 to index
        %swap3A_380 = tpu.vector_load %arg6[%swap3A_378, %swap3A_379] {strides = array<i32>} : memref<64x768xf32, #tpu.memory_space<vmem>>, vector<1x16xf32>,
        %swap3A_381 = vector.shape_cast %swap3A_380 : vector<1x16xf32> to vector<16xf32>
        %swap3A_382 = vector.shape_cast %add3A_377 : vector<16xf32> to vector<1x16xf32>
        tpu.vector_store %arg6[%swap3A_378, %swap3A_379], %swap3A_382 {strides = array<i32>} : memref<64x768xf32, #tpu.memory_space<vmem>>, vector<1x16xf32>,
        %scan3A_383 = arith.constant 0 : i32
        %scan3A_384 = arith.constant 7 : i32
        %scan3A_385 = arith.addi %scan3A_253, %scan3A_384 : i32
        %mul3A_386 = arith.constant 16 : i32
        %mul3A_387 = arith.muli %scan3A_385, %mul3A_386 : i32
        %get3A_388 = arith.index_cast %scan3A_244 : i32 to index
        %get3A_389 = arith.index_cast %mul3A_387 : i32 to index
        %get3A_390 = tpu.vector_load %arg6[%get3A_388, %get3A_389] {strides = array<i32>} : memref<64x768xf32, #tpu.memory_space<vmem>>, vector<1x16xf32>,
        %get3A_391 = vector.shape_cast %get3A_390 : vector<1x16xf32> to vector<16xf32>
        %get3A_392 = arith.index_cast %scan3A_244 : i32 to index
        %get3A_393 = arith.index_cast %mul3A_387 : i32 to index
        %get3A_394 = tpu.vector_load %arg7[%get3A_392, %get3A_393] {strides = array<i32>} : memref<64x768xf32, #tpu.memory_space<vmem>>, vector<1x16xf32>,
        %get3A_395 = vector.shape_cast %get3A_394 : vector<1x16xf32> to vector<16xf32>
        %add3A_396 = arith.addf %get3A_391, %get3A_395 : vector<16xf32>
        %swap3A_397 = arith.index_cast %scan3A_244 : i32 to index
        %swap3A_398 = arith.index_cast %mul3A_387 : i32 to index
        %swap3A_399 = tpu.vector_load %arg6[%swap3A_397, %swap3A_398] {strides = array<i32>} : memref<64x768xf32, #tpu.memory_space<vmem>>, vector<1x16xf32>,
        %swap3A_400 = vector.shape_cast %swap3A_399 : vector<1x16xf32> to vector<16xf32>
        %swap3A_401 = vector.shape_cast %add3A_396 : vector<16xf32> to vector<1x16xf32>
        tpu.vector_store %arg6[%swap3A_397, %swap3A_398], %swap3A_401 {strides = array<i32>} : memref<64x768xf32, #tpu.memory_space<vmem>>, vector<1x16xf32>,
        %scan3A_402 = arith.constant 0 : i32
        scf.yield %scan3A_402 : i32
      }
      %scan3A_252 = arith.constant 48 : i32
      scf.yield %scan3A_251 : i32
    }
    %scan3A_86 = arith.constant 16 : i32
    %add3A_87 = arith.constant 0 : i32
    %add3A_88 = arith.addi %mul3A_2, %add3A_87 : i32
    %dma_start3A_89 = arith.constant 0 : i32
    %dma_start3A_90 = arith.constant 0 : i32
    %dma_start3A_91 = tpu.memref_slice %arg6[%dma_start3A_89, %dma_start3A_90] : memref<64x768xf32, #tpu.memory_space<vmem>> -> memref<16x768xf32, #tpu.memory_space<vmem>>
    %dma_start3A_92 = arith.constant 0 : i32
    %dma_start3A_93 = tpu.memref_slice %arg5[%add3A_88, %dma_start3A_92] : memref<2048x768xf32, #tpu.memory_space<hbm>> -> memref<16x768xf32, #tpu.memory_space<hbm>>
    %dma_start3A_94 = arith.constant 0 : i32
    %dma_start3A_95 = tpu.memref_slice %arg5[%add3A_88, %dma_start3A_94] : memref<2048x768xf32, #tpu.memory_space<hbm>> -> memref<16x768xf32, #tpu.memory_space<hbm>>
    %dma_start3A_96 = arith.constant 0 : i32
    %dma_start3A_97 = arith.constant 0 : i32
    %dma_start3A_98 = tpu.memref_slice %arg6[%dma_start3A_96, %dma_start3A_97] : memref<64x768xf32, #tpu.memory_space<vmem>> -> memref<16x768xf32, #tpu.memory_space<vmem>>
    tpu.enqueue_dma source(%dma_start3A_98 : memref<16x768xf32, #tpu.memory_space<vmem>>) target(%dma_start3A_95 : memref<16x768xf32, #tpu.memory_space<hbm>>) target_semaphore(%arg12 : memref<!tpu.dma_semaphore, #tpu.memory_space<semaphore_mem>>)
    %dma_wait3A_99 = arith.constant 16 : i32
    %dma_wait3A_100 = arith.constant 0 : i32
    %dma_wait3A_101 = tpu.memref_slice %arg6[%dma_wait3A_99, %dma_wait3A_100] : memref<64x768xf32, #tpu.memory_space<vmem>> -> memref<16x768xf32, #tpu.memory_space<vmem>>
    %dma_wait3A_102 = arith.constant 16 : i32
    %dma_wait3A_103 = tpu.memref_slice %arg8[%dma_wait3A_102] : memref<64xi32, #tpu.memory_space<vmem>> -> memref<16xi32, #tpu.memory_space<vmem>>
    %dma_wait3A_104 = arith.constant 0 : i32
    %dma_wait3A_105 = arith.constant 0 : i32
    %dma_wait3A_106 = tpu.memref_slice %arg2[%dma_wait3A_104, %dma_wait3A_105] : memref<8192x768xf32, #tpu.memory_space<hbm>> -> memref<8192x768xf32, #tpu.memory_space<hbm>>
    tpu.wait_indirect_dma semaphore(%arg10 : memref<!tpu.dma_semaphore, #tpu.memory_space<semaphore_mem>>) src(%dma_wait3A_106 : memref<8192x768xf32, #tpu.memory_space<hbm>>) dst(%dma_wait3A_101 : memref<16x768xf32, #tpu.memory_space<vmem>>)
    %dma_wait3A_107 = arith.constant 16 : i32
    %dma_wait3A_108 = arith.constant 0 : i32
    %dma_wait3A_109 = tpu.memref_slice %arg7[%dma_wait3A_107, %dma_wait3A_108] : memref<64x768xf32, #tpu.memory_space<vmem>> -> memref<16x768xf32, #tpu.memory_space<vmem>>
    %dma_wait3A_110 = arith.constant 16 : i32
    %dma_wait3A_111 = tpu.memref_slice %arg9[%dma_wait3A_110] : memref<64xi32, #tpu.memory_space<vmem>> -> memref<16xi32, #tpu.memory_space<vmem>>
    %dma_wait3A_112 = arith.constant 0 : i32
    %dma_wait3A_113 = arith.constant 0 : i32
    %dma_wait3A_114 = tpu.memref_slice %arg2[%dma_wait3A_112, %dma_wait3A_113] : memref<8192x768xf32, #tpu.memory_space<hbm>> -> memref<8192x768xf32, #tpu.memory_space<hbm>>
    tpu.wait_indirect_dma semaphore(%arg11 : memref<!tpu.dma_semaphore, #tpu.memory_space<semaphore_mem>>) src(%dma_wait3A_114 : memref<8192x768xf32, #tpu.memory_space<hbm>>) dst(%dma_wait3A_109 : memref<16x768xf32, #tpu.memory_space<vmem>>)
    %scan3A_115 = arith.constant 0 : i32
    %scan3A_116 = arith.constant 16 : i32
    %scan3A_117 = arith.constant 16 : i32
    %scan3A_118 = arith.addi %scan3A_116, %scan3A_117 : i32
    %scan3A_119 = arith.constant 1 : i32
    %scan3A_120 = scf.for %scan3A_244 = %scan3A_116 to %scan3A_118 step %scan3A_119 iter_args(%scan3A_245 = %scan3A_115) -> (i32)  : i32 {
      %scan3A_246 = arith.constant 0 : i32
      %scan3A_247 = arith.constant 0 : i32
      %scan3A_248 = arith.constant 48 : i32
      %scan3A_249 = arith.addi %scan3A_247, %scan3A_248 : i32
      %scan3A_250 = arith.constant 8 : i32
      %scan3A_251 = scf.for %scan3A_253 = %scan3A_247 to %scan3A_249 step %scan3A_250 iter_args(%scan3A_254 = %scan3A_246) -> (i32)  : i32 {
        %mul3A_255 = arith.constant 16 : i32
        %mul3A_256 = arith.muli %scan3A_253, %mul3A_255 : i32
        %get3A = arith.index_cast %scan3A_244 : i32 to index
        %get3A_257 = arith.index_cast %mul3A_256 : i32 to index
        %get3A_258 = tpu.vector_load %arg6[%get3A, %get3A_257] {strides = array<i32>} : memref<64x768xf32, #tpu.memory_space<vmem>>, vector<1x16xf32>,
        %get3A_259 = vector.shape_cast %get3A_258 : vector<1x16xf32> to vector<16xf32>
        %get3A_260 = arith.index_cast %scan3A_244 : i32 to index
        %get3A_261 = arith.index_cast %mul3A_256 : i32 to index
        %get3A_262 = tpu.vector_load %arg7[%get3A_260, %get3A_261] {strides = array<i32>} : memref<64x768xf32, #tpu.memory_space<vmem>>, vector<1x16xf32>,
        %get3A_263 = vector.shape_cast %get3A_262 : vector<1x16xf32> to vector<16xf32>
        %add3A_264 = arith.addf %get3A_259, %get3A_263 : vector<16xf32>
        %swap3A = arith.index_cast %scan3A_244 : i32 to index
        %swap3A_265 = arith.index_cast %mul3A_256 : i32 to index
        %swap3A_266 = tpu.vector_load %arg6[%swap3A, %swap3A_265] {strides = array<i32>} : memref<64x768xf32, #tpu.memory_space<vmem>>, vector<1x16xf32>,
        %swap3A_267 = vector.shape_cast %swap3A_266 : vector<1x16xf32> to vector<16xf32>
        %swap3A_268 = vector.shape_cast %add3A_264 : vector<16xf32> to vector<1x16xf32>
        tpu.vector_store %arg6[%swap3A, %swap3A_265], %swap3A_268 {strides = array<i32>} : memref<64x768xf32, #tpu.memory_space<vmem>>, vector<1x16xf32>,
        %scan3A_269 = arith.constant 0 : i32
        %scan3A_270 = arith.constant 1 : i32
        %scan3A_271 = arith.addi %scan3A_253, %scan3A_270 : i32
        %mul3A_272 = arith.constant 16 : i32
        %mul3A_273 = arith.muli %scan3A_271, %mul3A_272 : i32
        %get3A_274 = arith.index_cast %scan3A_244 : i32 to index
        %get3A_275 = arith.index_cast %mul3A_273 : i32 to index
        %get3A_276 = tpu.vector_load %arg6[%get3A_274, %get3A_275] {strides = array<i32>} : memref<64x768xf32, #tpu.memory_space<vmem>>, vector<1x16xf32>,
        %get3A_277 = vector.shape_cast %get3A_276 : vector<1x16xf32> to vector<16xf32>
        %get3A_278 = arith.index_cast %scan3A_244 : i32 to index
        %get3A_279 = arith.index_cast %mul3A_273 : i32 to index
        %get3A_280 = tpu.vector_load %arg7[%get3A_278, %get3A_279] {strides = array<i32>} : memref<64x768xf32, #tpu.memory_space<vmem>>, vector<1x16xf32>,
        %get3A_281 = vector.shape_cast %get3A_280 : vector<1x16xf32> to vector<16xf32>
        %add3A_282 = arith.addf %get3A_277, %get3A_281 : vector<16xf32>
        %swap3A_283 = arith.index_cast %scan3A_244 : i32 to index
        %swap3A_284 = arith.index_cast %mul3A_273 : i32 to index
        %swap3A_285 = tpu.vector_load %arg6[%swap3A_283, %swap3A_284] {strides = array<i32>} : memref<64x768xf32, #tpu.memory_space<vmem>>, vector<1x16xf32>,
        %swap3A_286 = vector.shape_cast %swap3A_285 : vector<1x16xf32> to vector<16xf32>
        %swap3A_287 = vector.shape_cast %add3A_282 : vector<16xf32> to vector<1x16xf32>
        tpu.vector_store %arg6[%swap3A_283, %swap3A_284], %swap3A_287 {strides = array<i32>} : memref<64x768xf32, #tpu.memory_space<vmem>>, vector<1x16xf32>,
        %scan3A_288 = arith.constant 0 : i32
        %scan3A_289 = arith.constant 2 : i32
        %scan3A_290 = arith.addi %scan3A_253, %scan3A_289 : i32
        %mul3A_291 = arith.constant 16 : i32
        %mul3A_292 = arith.muli %scan3A_290, %mul3A_291 : i32
        %get3A_293 = arith.index_cast %scan3A_244 : i32 to index
        %get3A_294 = arith.index_cast %mul3A_292 : i32 to index
        %get3A_295 = tpu.vector_load %arg6[%get3A_293, %get3A_294] {strides = array<i32>} : memref<64x768xf32, #tpu.memory_space<vmem>>, vector<1x16xf32>,
        %get3A_296 = vector.shape_cast %get3A_295 : vector<1x16xf32> to vector<16xf32>
        %get3A_297 = arith.index_cast %scan3A_244 : i32 to index
        %get3A_298 = arith.index_cast %mul3A_292 : i32 to index
        %get3A_299 = tpu.vector_load %arg7[%get3A_297, %get3A_298] {strides = array<i32>} : memref<64x768xf32, #tpu.memory_space<vmem>>, vector<1x16xf32>,
        %get3A_300 = vector.shape_cast %get3A_299 : vector<1x16xf32> to vector<16xf32>
        %add3A_301 = arith.addf %get3A_296, %get3A_300 : vector<16xf32>
        %swap3A_302 = arith.index_cast %scan3A_244 : i32 to index
        %swap3A_303 = arith.index_cast %mul3A_292 : i32 to index
        %swap3A_304 = tpu.vector_load %arg6[%swap3A_302, %swap3A_303] {strides = array<i32>} : memref<64x768xf32, #tpu.memory_space<vmem>>, vector<1x16xf32>,
        %swap3A_305 = vector.shape_cast %swap3A_304 : vector<1x16xf32> to vector<16xf32>
        %swap3A_306 = vector.shape_cast %add3A_301 : vector<16xf32> to vector<1x16xf32>
        tpu.vector_store %arg6[%swap3A_302, %swap3A_303], %swap3A_306 {strides = array<i32>} : memref<64x768xf32, #tpu.memory_space<vmem>>, vector<1x16xf32>,
        %scan3A_307 = arith.constant 0 : i32
        %scan3A_308 = arith.constant 3 : i32
        %scan3A_309 = arith.addi %scan3A_253, %scan3A_308 : i32
        %mul3A_310 = arith.constant 16 : i32
        %mul3A_311 = arith.muli %scan3A_309, %mul3A_310 : i32
        %get3A_312 = arith.index_cast %scan3A_244 : i32 to index
        %get3A_313 = arith.index_cast %mul3A_311 : i32 to index
        %get3A_314 = tpu.vector_load %arg6[%get3A_312, %get3A_313] {strides = array<i32>} : memref<64x768xf32, #tpu.memory_space<vmem>>, vector<1x16xf32>,
        %get3A_315 = vector.shape_cast %get3A_314 : vector<1x16xf32> to vector<16xf32>
        %get3A_316 = arith.index_cast %scan3A_244 : i32 to index
        %get3A_317 = arith.index_cast %mul3A_311 : i32 to index
        %get3A_318 = tpu.vector_load %arg7[%get3A_316, %get3A_317] {strides = array<i32>} : memref<64x768xf32, #tpu.memory_space<vmem>>, vector<1x16xf32>,
        %get3A_319 = vector.shape_cast %get3A_318 : vector<1x16xf32> to vector<16xf32>
        %add3A_320 = arith.addf %get3A_315, %get3A_319 : vector<16xf32>
        %swap3A_321 = arith.index_cast %scan3A_244 : i32 to index
        %swap3A_322 = arith.index_cast %mul3A_311 : i32 to index
        %swap3A_323 = tpu.vector_load %arg6[%swap3A_321, %swap3A_322] {strides = array<i32>} : memref<64x768xf32, #tpu.memory_space<vmem>>, vector<1x16xf32>,
        %swap3A_324 = vector.shape_cast %swap3A_323 : vector<1x16xf32> to vector<16xf32>
        %swap3A_325 = vector.shape_cast %add3A_320 : vector<16xf32> to vector<1x16xf32>
        tpu.vector_store %arg6[%swap3A_321, %swap3A_322], %swap3A_325 {strides = array<i32>} : memref<64x768xf32, #tpu.memory_space<vmem>>, vector<1x16xf32>,
        %scan3A_326 = arith.constant 0 : i32
        %scan3A_327 = arith.constant 4 : i32
        %scan3A_328 = arith.addi %scan3A_253, %scan3A_327 : i32
        %mul3A_329 = arith.constant 16 : i32
        %mul3A_330 = arith.muli %scan3A_328, %mul3A_329 : i32
        %get3A_331 = arith.index_cast %scan3A_244 : i32 to index
        %get3A_332 = arith.index_cast %mul3A_330 : i32 to index
        %get3A_333 = tpu.vector_load %arg6[%get3A_331, %get3A_332] {strides = array<i32>} : memref<64x768xf32, #tpu.memory_space<vmem>>, vector<1x16xf32>,
        %get3A_334 = vector.shape_cast %get3A_333 : vector<1x16xf32> to vector<16xf32>
        %get3A_335 = arith.index_cast %scan3A_244 : i32 to index
        %get3A_336 = arith.index_cast %mul3A_330 : i32 to index
        %get3A_337 = tpu.vector_load %arg7[%get3A_335, %get3A_336] {strides = array<i32>} : memref<64x768xf32, #tpu.memory_space<vmem>>, vector<1x16xf32>,
        %get3A_338 = vector.shape_cast %get3A_337 : vector<1x16xf32> to vector<16xf32>
        %add3A_339 = arith.addf %get3A_334, %get3A_338 : vector<16xf32>
        %swap3A_340 = arith.index_cast %scan3A_244 : i32 to index
        %swap3A_341 = arith.index_cast %mul3A_330 : i32 to index
        %swap3A_342 = tpu.vector_load %arg6[%swap3A_340, %swap3A_341] {strides = array<i32>} : memref<64x768xf32, #tpu.memory_space<vmem>>, vector<1x16xf32>,
        %swap3A_343 = vector.shape_cast %swap3A_342 : vector<1x16xf32> to vector<16xf32>
        %swap3A_344 = vector.shape_cast %add3A_339 : vector<16xf32> to vector<1x16xf32>
        tpu.vector_store %arg6[%swap3A_340, %swap3A_341], %swap3A_344 {strides = array<i32>} : memref<64x768xf32, #tpu.memory_space<vmem>>, vector<1x16xf32>,
        %scan3A_345 = arith.constant 0 : i32
        %scan3A_346 = arith.constant 5 : i32
        %scan3A_347 = arith.addi %scan3A_253, %scan3A_346 : i32
        %mul3A_348 = arith.constant 16 : i32
        %mul3A_349 = arith.muli %scan3A_347, %mul3A_348 : i32
        %get3A_350 = arith.index_cast %scan3A_244 : i32 to index
        %get3A_351 = arith.index_cast %mul3A_349 : i32 to index
        %get3A_352 = tpu.vector_load %arg6[%get3A_350, %get3A_351] {strides = array<i32>} : memref<64x768xf32, #tpu.memory_space<vmem>>, vector<1x16xf32>,
        %get3A_353 = vector.shape_cast %get3A_352 : vector<1x16xf32> to vector<16xf32>
        %get3A_354 = arith.index_cast %scan3A_244 : i32 to index
        %get3A_355 = arith.index_cast %mul3A_349 : i32 to index
        %get3A_356 = tpu.vector_load %arg7[%get3A_354, %get3A_355] {strides = array<i32>} : memref<64x768xf32, #tpu.memory_space<vmem>>, vector<1x16xf32>,
        %get3A_357 = vector.shape_cast %get3A_356 : vector<1x16xf32> to vector<16xf32>
        %add3A_358 = arith.addf %get3A_353, %get3A_357 : vector<16xf32>
        %swap3A_359 = arith.index_cast %scan3A_244 : i32 to index
        %swap3A_360 = arith.index_cast %mul3A_349 : i32 to index
        %swap3A_361 = tpu.vector_load %arg6[%swap3A_359, %swap3A_360] {strides = array<i32>} : memref<64x768xf32, #tpu.memory_space<vmem>>, vector<1x16xf32>,
        %swap3A_362 = vector.shape_cast %swap3A_361 : vector<1x16xf32> to vector<16xf32>
        %swap3A_363 = vector.shape_cast %add3A_358 : vector<16xf32> to vector<1x16xf32>
        tpu.vector_store %arg6[%swap3A_359, %swap3A_360], %swap3A_363 {strides = array<i32>} : memref<64x768xf32, #tpu.memory_space<vmem>>, vector<1x16xf32>,
        %scan3A_364 = arith.constant 0 : i32
        %scan3A_365 = arith.constant 6 : i32
        %scan3A_366 = arith.addi %scan3A_253, %scan3A_365 : i32
        %mul3A_367 = arith.constant 16 : i32
        %mul3A_368 = arith.muli %scan3A_366, %mul3A_367 : i32
        %get3A_369 = arith.index_cast %scan3A_244 : i32 to index
        %get3A_370 = arith.index_cast %mul3A_368 : i32 to index
        %get3A_371 = tpu.vector_load %arg6[%get3A_369, %get3A_370] {strides = array<i32>} : memref<64x768xf32, #tpu.memory_space<vmem>>, vector<1x16xf32>,
        %get3A_372 = vector.shape_cast %get3A_371 : vector<1x16xf32> to vector<16xf32>
        %get3A_373 = arith.index_cast %scan3A_244 : i32 to index
        %get3A_374 = arith.index_cast %mul3A_368 : i32 to index
        %get3A_375 = tpu.vector_load %arg7[%get3A_373, %get3A_374] {strides = array<i32>} : memref<64x768xf32, #tpu.memory_space<vmem>>, vector<1x16xf32>,
        %get3A_376 = vector.shape_cast %get3A_375 : vector<1x16xf32> to vector<16xf32>
        %add3A_377 = arith.addf %get3A_372, %get3A_376 : vector<16xf32>
        %swap3A_378 = arith.index_cast %scan3A_244 : i32 to index
        %swap3A_379 = arith.index_cast %mul3A_368 : i32 to index
        %swap3A_380 = tpu.vector_load %arg6[%swap3A_378, %swap3A_379] {strides = array<i32>} : memref<64x768xf32, #tpu.memory_space<vmem>>, vector<1x16xf32>,
        %swap3A_381 = vector.shape_cast %swap3A_380 : vector<1x16xf32> to vector<16xf32>
        %swap3A_382 = vector.shape_cast %add3A_377 : vector<16xf32> to vector<1x16xf32>
        tpu.vector_store %arg6[%swap3A_378, %swap3A_379], %swap3A_382 {strides = array<i32>} : memref<64x768xf32, #tpu.memory_space<vmem>>, vector<1x16xf32>,
        %scan3A_383 = arith.constant 0 : i32
        %scan3A_384 = arith.constant 7 : i32
        %scan3A_385 = arith.addi %scan3A_253, %scan3A_384 : i32
        %mul3A_386 = arith.constant 16 : i32
        %mul3A_387 = arith.muli %scan3A_385, %mul3A_386 : i32
        %get3A_388 = arith.index_cast %scan3A_244 : i32 to index
        %get3A_389 = arith.index_cast %mul3A_387 : i32 to index
        %get3A_390 = tpu.vector_load %arg6[%get3A_388, %get3A_389] {strides = array<i32>} : memref<64x768xf32, #tpu.memory_space<vmem>>, vector<1x16xf32>,
        %get3A_391 = vector.shape_cast %get3A_390 : vector<1x16xf32> to vector<16xf32>
        %get3A_392 = arith.index_cast %scan3A_244 : i32 to index
        %get3A_393 = arith.index_cast %mul3A_387 : i32 to index
        %get3A_394 = tpu.vector_load %arg7[%get3A_392, %get3A_393] {strides = array<i32>} : memref<64x768xf32, #tpu.memory_space<vmem>>, vector<1x16xf32>,
        %get3A_395 = vector.shape_cast %get3A_394 : vector<1x16xf32> to vector<16xf32>
        %add3A_396 = arith.addf %get3A_391, %get3A_395 : vector<16xf32>
        %swap3A_397 = arith.index_cast %scan3A_244 : i32 to index
        %swap3A_398 = arith.index_cast %mul3A_387 : i32 to index
        %swap3A_399 = tpu.vector_load %arg6[%swap3A_397, %swap3A_398] {strides = array<i32>} : memref<64x768xf32, #tpu.memory_space<vmem>>, vector<1x16xf32>,
        %swap3A_400 = vector.shape_cast %swap3A_399 : vector<1x16xf32> to vector<16xf32>
        %swap3A_401 = vector.shape_cast %add3A_396 : vector<16xf32> to vector<1x16xf32>
        tpu.vector_store %arg6[%swap3A_397, %swap3A_398], %swap3A_401 {strides = array<i32>} : memref<64x768xf32, #tpu.memory_space<vmem>>, vector<1x16xf32>,
        %scan3A_402 = arith.constant 0 : i32
        scf.yield %scan3A_402 : i32
      }
      %scan3A_252 = arith.constant 48 : i32
      scf.yield %scan3A_251 : i32
    }
    %scan3A_121 = arith.constant 16 : i32
    %add3A_122 = arith.constant 16 : i32
    %add3A_123 = arith.addi %mul3A_2, %add3A_122 : i32
    %dma_start3A_124 = arith.constant 16 : i32
    %dma_start3A_125 = arith.constant 0 : i32
    %dma_start3A_126 = tpu.memref_slice %arg6[%dma_start3A_124, %dma_start3A_125] : memref<64x768xf32, #tpu.memory_space<vmem>> -> memref<16x768xf32, #tpu.memory_space<vmem>>
    %dma_start3A_127 = arith.constant 0 : i32
    %dma_start3A_128 = tpu.memref_slice %arg5[%add3A_123, %dma_start3A_127] : memref<2048x768xf32, #tpu.memory_space<hbm>> -> memref<16x768xf32, #tpu.memory_space<hbm>>
    %dma_start3A_129 = arith.constant 0 : i32
    %dma_start3A_130 = tpu.memref_slice %arg5[%add3A_123, %dma_start3A_129] : memref<2048x768xf32, #tpu.memory_space<hbm>> -> memref<16x768xf32, #tpu.memory_space<hbm>>
    %dma_start3A_131 = arith.constant 16 : i32
    %dma_start3A_132 = arith.constant 0 : i32
    %dma_start3A_133 = tpu.memref_slice %arg6[%dma_start3A_131, %dma_start3A_132] : memref<64x768xf32, #tpu.memory_space<vmem>> -> memref<16x768xf32, #tpu.memory_space<vmem>>
    tpu.enqueue_dma source(%dma_start3A_133 : memref<16x768xf32, #tpu.memory_space<vmem>>) target(%dma_start3A_130 : memref<16x768xf32, #tpu.memory_space<hbm>>) target_semaphore(%arg12 : memref<!tpu.dma_semaphore, #tpu.memory_space<semaphore_mem>>)
    %dma_wait3A_134 = arith.constant 32 : i32
    %dma_wait3A_135 = arith.constant 0 : i32
    %dma_wait3A_136 = tpu.memref_slice %arg6[%dma_wait3A_134, %dma_wait3A_135] : memref<64x768xf32, #tpu.memory_space<vmem>> -> memref<16x768xf32, #tpu.memory_space<vmem>>
    %dma_wait3A_137 = arith.constant 32 : i32
    %dma_wait3A_138 = tpu.memref_slice %arg8[%dma_wait3A_137] : memref<64xi32, #tpu.memory_space<vmem>> -> memref<16xi32, #tpu.memory_space<vmem>>
    %dma_wait3A_139 = arith.constant 0 : i32
    %dma_wait3A_140 = arith.constant 0 : i32
    %dma_wait3A_141 = tpu.memref_slice %arg2[%dma_wait3A_139, %dma_wait3A_140] : memref<8192x768xf32, #tpu.memory_space<hbm>> -> memref<8192x768xf32, #tpu.memory_space<hbm>>
    tpu.wait_indirect_dma semaphore(%arg10 : memref<!tpu.dma_semaphore, #tpu.memory_space<semaphore_mem>>) src(%dma_wait3A_141 : memref<8192x768xf32, #tpu.memory_space<hbm>>) dst(%dma_wait3A_136 : memref<16x768xf32, #tpu.memory_space<vmem>>)
    %dma_wait3A_142 = arith.constant 32 : i32
    %dma_wait3A_143 = arith.constant 0 : i32
    %dma_wait3A_144 = tpu.memref_slice %arg7[%dma_wait3A_142, %dma_wait3A_143] : memref<64x768xf32, #tpu.memory_space<vmem>> -> memref<16x768xf32, #tpu.memory_space<vmem>>
    %dma_wait3A_145 = arith.constant 32 : i32
    %dma_wait3A_146 = tpu.memref_slice %arg9[%dma_wait3A_145] : memref<64xi32, #tpu.memory_space<vmem>> -> memref<16xi32, #tpu.memory_space<vmem>>
    %dma_wait3A_147 = arith.constant 0 : i32
    %dma_wait3A_148 = arith.constant 0 : i32
    %dma_wait3A_149 = tpu.memref_slice %arg2[%dma_wait3A_147, %dma_wait3A_148] : memref<8192x768xf32, #tpu.memory_space<hbm>> -> memref<8192x768xf32, #tpu.memory_space<hbm>>
    tpu.wait_indirect_dma semaphore(%arg11 : memref<!tpu.dma_semaphore, #tpu.memory_space<semaphore_mem>>) src(%dma_wait3A_149 : memref<8192x768xf32, #tpu.memory_space<hbm>>) dst(%dma_wait3A_144 : memref<16x768xf32, #tpu.memory_space<vmem>>)
    %scan3A_150 = arith.constant 0 : i32
    %scan3A_151 = arith.constant 32 : i32
    %scan3A_152 = arith.constant 16 : i32
    %scan3A_153 = arith.addi %scan3A_151, %scan3A_152 : i32
    %scan3A_154 = arith.constant 1 : i32
    %scan3A_155 = scf.for %scan3A_244 = %scan3A_151 to %scan3A_153 step %scan3A_154 iter_args(%scan3A_245 = %scan3A_150) -> (i32)  : i32 {
      %scan3A_246 = arith.constant 0 : i32
      %scan3A_247 = arith.constant 0 : i32
      %scan3A_248 = arith.constant 48 : i32
      %scan3A_249 = arith.addi %scan3A_247, %scan3A_248 : i32
      %scan3A_250 = arith.constant 8 : i32
      %scan3A_251 = scf.for %scan3A_253 = %scan3A_247 to %scan3A_249 step %scan3A_250 iter_args(%scan3A_254 = %scan3A_246) -> (i32)  : i32 {
        %mul3A_255 = arith.constant 16 : i32
        %mul3A_256 = arith.muli %scan3A_253, %mul3A_255 : i32
        %get3A = arith.index_cast %scan3A_244 : i32 to index
        %get3A_257 = arith.index_cast %mul3A_256 : i32 to index
        %get3A_258 = tpu.vector_load %arg6[%get3A, %get3A_257] {strides = array<i32>} : memref<64x768xf32, #tpu.memory_space<vmem>>, vector<1x16xf32>,
        %get3A_259 = vector.shape_cast %get3A_258 : vector<1x16xf32> to vector<16xf32>
        %get3A_260 = arith.index_cast %scan3A_244 : i32 to index
        %get3A_261 = arith.index_cast %mul3A_256 : i32 to index
        %get3A_262 = tpu.vector_load %arg7[%get3A_260, %get3A_261] {strides = array<i32>} : memref<64x768xf32, #tpu.memory_space<vmem>>, vector<1x16xf32>,
        %get3A_263 = vector.shape_cast %get3A_262 : vector<1x16xf32> to vector<16xf32>
        %add3A_264 = arith.addf %get3A_259, %get3A_263 : vector<16xf32>
        %swap3A = arith.index_cast %scan3A_244 : i32 to index
        %swap3A_265 = arith.index_cast %mul3A_256 : i32 to index
        %swap3A_266 = tpu.vector_load %arg6[%swap3A, %swap3A_265] {strides = array<i32>} : memref<64x768xf32, #tpu.memory_space<vmem>>, vector<1x16xf32>,
        %swap3A_267 = vector.shape_cast %swap3A_266 : vector<1x16xf32> to vector<16xf32>
        %swap3A_268 = vector.shape_cast %add3A_264 : vector<16xf32> to vector<1x16xf32>
        tpu.vector_store %arg6[%swap3A, %swap3A_265], %swap3A_268 {strides = array<i32>} : memref<64x768xf32, #tpu.memory_space<vmem>>, vector<1x16xf32>,
        %scan3A_269 = arith.constant 0 : i32
        %scan3A_270 = arith.constant 1 : i32
        %scan3A_271 = arith.addi %scan3A_253, %scan3A_270 : i32
        %mul3A_272 = arith.constant 16 : i32
        %mul3A_273 = arith.muli %scan3A_271, %mul3A_272 : i32
        %get3A_274 = arith.index_cast %scan3A_244 : i32 to index
        %get3A_275 = arith.index_cast %mul3A_273 : i32 to index
        %get3A_276 = tpu.vector_load %arg6[%get3A_274, %get3A_275] {strides = array<i32>} : memref<64x768xf32, #tpu.memory_space<vmem>>, vector<1x16xf32>,
        %get3A_277 = vector.shape_cast %get3A_276 : vector<1x16xf32> to vector<16xf32>
        %get3A_278 = arith.index_cast %scan3A_244 : i32 to index
        %get3A_279 = arith.index_cast %mul3A_273 : i32 to index
        %get3A_280 = tpu.vector_load %arg7[%get3A_278, %get3A_279] {strides = array<i32>} : memref<64x768xf32, #tpu.memory_space<vmem>>, vector<1x16xf32>,
        %get3A_281 = vector.shape_cast %get3A_280 : vector<1x16xf32> to vector<16xf32>
        %add3A_282 = arith.addf %get3A_277, %get3A_281 : vector<16xf32>
        %swap3A_283 = arith.index_cast %scan3A_244 : i32 to index
        %swap3A_284 = arith.index_cast %mul3A_273 : i32 to index
        %swap3A_285 = tpu.vector_load %arg6[%swap3A_283, %swap3A_284] {strides = array<i32>} : memref<64x768xf32, #tpu.memory_space<vmem>>, vector<1x16xf32>,
        %swap3A_286 = vector.shape_cast %swap3A_285 : vector<1x16xf32> to vector<16xf32>
        %swap3A_287 = vector.shape_cast %add3A_282 : vector<16xf32> to vector<1x16xf32>
        tpu.vector_store %arg6[%swap3A_283, %swap3A_284], %swap3A_287 {strides = array<i32>} : memref<64x768xf32, #tpu.memory_space<vmem>>, vector<1x16xf32>,
        %scan3A_288 = arith.constant 0 : i32
        %scan3A_289 = arith.constant 2 : i32
        %scan3A_290 = arith.addi %scan3A_253, %scan3A_289 : i32
        %mul3A_291 = arith.constant 16 : i32
        %mul3A_292 = arith.muli %scan3A_290, %mul3A_291 : i32
        %get3A_293 = arith.index_cast %scan3A_244 : i32 to index
        %get3A_294 = arith.index_cast %mul3A_292 : i32 to index
        %get3A_295 = tpu.vector_load %arg6[%get3A_293, %get3A_294] {strides = array<i32>} : memref<64x768xf32, #tpu.memory_space<vmem>>, vector<1x16xf32>,
        %get3A_296 = vector.shape_cast %get3A_295 : vector<1x16xf32> to vector<16xf32>
        %get3A_297 = arith.index_cast %scan3A_244 : i32 to index
        %get3A_298 = arith.index_cast %mul3A_292 : i32 to index
        %get3A_299 = tpu.vector_load %arg7[%get3A_297, %get3A_298] {strides = array<i32>} : memref<64x768xf32, #tpu.memory_space<vmem>>, vector<1x16xf32>,
        %get3A_300 = vector.shape_cast %get3A_299 : vector<1x16xf32> to vector<16xf32>
        %add3A_301 = arith.addf %get3A_296, %get3A_300 : vector<16xf32>
        %swap3A_302 = arith.index_cast %scan3A_244 : i32 to index
        %swap3A_303 = arith.index_cast %mul3A_292 : i32 to index
        %swap3A_304 = tpu.vector_load %arg6[%swap3A_302, %swap3A_303] {strides = array<i32>} : memref<64x768xf32, #tpu.memory_space<vmem>>, vector<1x16xf32>,
        %swap3A_305 = vector.shape_cast %swap3A_304 : vector<1x16xf32> to vector<16xf32>
        %swap3A_306 = vector.shape_cast %add3A_301 : vector<16xf32> to vector<1x16xf32>
        tpu.vector_store %arg6[%swap3A_302, %swap3A_303], %swap3A_306 {strides = array<i32>} : memref<64x768xf32, #tpu.memory_space<vmem>>, vector<1x16xf32>,
        %scan3A_307 = arith.constant 0 : i32
        %scan3A_308 = arith.constant 3 : i32
        %scan3A_309 = arith.addi %scan3A_253, %scan3A_308 : i32
        %mul3A_310 = arith.constant 16 : i32
        %mul3A_311 = arith.muli %scan3A_309, %mul3A_310 : i32
        %get3A_312 = arith.index_cast %scan3A_244 : i32 to index
        %get3A_313 = arith.index_cast %mul3A_311 : i32 to index
        %get3A_314 = tpu.vector_load %arg6[%get3A_312, %get3A_313] {strides = array<i32>} : memref<64x768xf32, #tpu.memory_space<vmem>>, vector<1x16xf32>,
        %get3A_315 = vector.shape_cast %get3A_314 : vector<1x16xf32> to vector<16xf32>
        %get3A_316 = arith.index_cast %scan3A_244 : i32 to index
        %get3A_317 = arith.index_cast %mul3A_311 : i32 to index
        %get3A_318 = tpu.vector_load %arg7[%get3A_316, %get3A_317] {strides = array<i32>} : memref<64x768xf32, #tpu.memory_space<vmem>>, vector<1x16xf32>,
        %get3A_319 = vector.shape_cast %get3A_318 : vector<1x16xf32> to vector<16xf32>
        %add3A_320 = arith.addf %get3A_315, %get3A_319 : vector<16xf32>
        %swap3A_321 = arith.index_cast %scan3A_244 : i32 to index
        %swap3A_322 = arith.index_cast %mul3A_311 : i32 to index
        %swap3A_323 = tpu.vector_load %arg6[%swap3A_321, %swap3A_322] {strides = array<i32>} : memref<64x768xf32, #tpu.memory_space<vmem>>, vector<1x16xf32>,
        %swap3A_324 = vector.shape_cast %swap3A_323 : vector<1x16xf32> to vector<16xf32>
        %swap3A_325 = vector.shape_cast %add3A_320 : vector<16xf32> to vector<1x16xf32>
        tpu.vector_store %arg6[%swap3A_321, %swap3A_322], %swap3A_325 {strides = array<i32>} : memref<64x768xf32, #tpu.memory_space<vmem>>, vector<1x16xf32>,
        %scan3A_326 = arith.constant 0 : i32
        %scan3A_327 = arith.constant 4 : i32
        %scan3A_328 = arith.addi %scan3A_253, %scan3A_327 : i32
        %mul3A_329 = arith.constant 16 : i32
        %mul3A_330 = arith.muli %scan3A_328, %mul3A_329 : i32
        %get3A_331 = arith.index_cast %scan3A_244 : i32 to index
        %get3A_332 = arith.index_cast %mul3A_330 : i32 to index
        %get3A_333 = tpu.vector_load %arg6[%get3A_331, %get3A_332] {strides = array<i32>} : memref<64x768xf32, #tpu.memory_space<vmem>>, vector<1x16xf32>,
        %get3A_334 = vector.shape_cast %get3A_333 : vector<1x16xf32> to vector<16xf32>
        %get3A_335 = arith.index_cast %scan3A_244 : i32 to index
        %get3A_336 = arith.index_cast %mul3A_330 : i32 to index
        %get3A_337 = tpu.vector_load %arg7[%get3A_335, %get3A_336] {strides = array<i32>} : memref<64x768xf32, #tpu.memory_space<vmem>>, vector<1x16xf32>,
        %get3A_338 = vector.shape_cast %get3A_337 : vector<1x16xf32> to vector<16xf32>
        %add3A_339 = arith.addf %get3A_334, %get3A_338 : vector<16xf32>
        %swap3A_340 = arith.index_cast %scan3A_244 : i32 to index
        %swap3A_341 = arith.index_cast %mul3A_330 : i32 to index
        %swap3A_342 = tpu.vector_load %arg6[%swap3A_340, %swap3A_341] {strides = array<i32>} : memref<64x768xf32, #tpu.memory_space<vmem>>, vector<1x16xf32>,
        %swap3A_343 = vector.shape_cast %swap3A_342 : vector<1x16xf32> to vector<16xf32>
        %swap3A_344 = vector.shape_cast %add3A_339 : vector<16xf32> to vector<1x16xf32>
        tpu.vector_store %arg6[%swap3A_340, %swap3A_341], %swap3A_344 {strides = array<i32>} : memref<64x768xf32, #tpu.memory_space<vmem>>, vector<1x16xf32>,
        %scan3A_345 = arith.constant 0 : i32
        %scan3A_346 = arith.constant 5 : i32
        %scan3A_347 = arith.addi %scan3A_253, %scan3A_346 : i32
        %mul3A_348 = arith.constant 16 : i32
        %mul3A_349 = arith.muli %scan3A_347, %mul3A_348 : i32
        %get3A_350 = arith.index_cast %scan3A_244 : i32 to index
        %get3A_351 = arith.index_cast %mul3A_349 : i32 to index
        %get3A_352 = tpu.vector_load %arg6[%get3A_350, %get3A_351] {strides = array<i32>} : memref<64x768xf32, #tpu.memory_space<vmem>>, vector<1x16xf32>,
        %get3A_353 = vector.shape_cast %get3A_352 : vector<1x16xf32> to vector<16xf32>
        %get3A_354 = arith.index_cast %scan3A_244 : i32 to index
        %get3A_355 = arith.index_cast %mul3A_349 : i32 to index
        %get3A_356 = tpu.vector_load %arg7[%get3A_354, %get3A_355] {strides = array<i32>} : memref<64x768xf32, #tpu.memory_space<vmem>>, vector<1x16xf32>,
        %get3A_357 = vector.shape_cast %get3A_356 : vector<1x16xf32> to vector<16xf32>
        %add3A_358 = arith.addf %get3A_353, %get3A_357 : vector<16xf32>
        %swap3A_359 = arith.index_cast %scan3A_244 : i32 to index
        %swap3A_360 = arith.index_cast %mul3A_349 : i32 to index
        %swap3A_361 = tpu.vector_load %arg6[%swap3A_359, %swap3A_360] {strides = array<i32>} : memref<64x768xf32, #tpu.memory_space<vmem>>, vector<1x16xf32>,
        %swap3A_362 = vector.shape_cast %swap3A_361 : vector<1x16xf32> to vector<16xf32>
        %swap3A_363 = vector.shape_cast %add3A_358 : vector<16xf32> to vector<1x16xf32>
        tpu.vector_store %arg6[%swap3A_359, %swap3A_360], %swap3A_363 {strides = array<i32>} : memref<64x768xf32, #tpu.memory_space<vmem>>, vector<1x16xf32>,
        %scan3A_364 = arith.constant 0 : i32
        %scan3A_365 = arith.constant 6 : i32
        %scan3A_366 = arith.addi %scan3A_253, %scan3A_365 : i32
        %mul3A_367 = arith.constant 16 : i32
        %mul3A_368 = arith.muli %scan3A_366, %mul3A_367 : i32
        %get3A_369 = arith.index_cast %scan3A_244 : i32 to index
        %get3A_370 = arith.index_cast %mul3A_368 : i32 to index
        %get3A_371 = tpu.vector_load %arg6[%get3A_369, %get3A_370] {strides = array<i32>} : memref<64x768xf32, #tpu.memory_space<vmem>>, vector<1x16xf32>,
        %get3A_372 = vector.shape_cast %get3A_371 : vector<1x16xf32> to vector<16xf32>
        %get3A_373 = arith.index_cast %scan3A_244 : i32 to index
        %get3A_374 = arith.index_cast %mul3A_368 : i32 to index
        %get3A_375 = tpu.vector_load %arg7[%get3A_373, %get3A_374] {strides = array<i32>} : memref<64x768xf32, #tpu.memory_space<vmem>>, vector<1x16xf32>,
        %get3A_376 = vector.shape_cast %get3A_375 : vector<1x16xf32> to vector<16xf32>
        %add3A_377 = arith.addf %get3A_372, %get3A_376 : vector<16xf32>
        %swap3A_378 = arith.index_cast %scan3A_244 : i32 to index
        %swap3A_379 = arith.index_cast %mul3A_368 : i32 to index
        %swap3A_380 = tpu.vector_load %arg6[%swap3A_378, %swap3A_379] {strides = array<i32>} : memref<64x768xf32, #tpu.memory_space<vmem>>, vector<1x16xf32>,
        %swap3A_381 = vector.shape_cast %swap3A_380 : vector<1x16xf32> to vector<16xf32>
        %swap3A_382 = vector.shape_cast %add3A_377 : vector<16xf32> to vector<1x16xf32>
        tpu.vector_store %arg6[%swap3A_378, %swap3A_379], %swap3A_382 {strides = array<i32>} : memref<64x768xf32, #tpu.memory_space<vmem>>, vector<1x16xf32>,
        %scan3A_383 = arith.constant 0 : i32
        %scan3A_384 = arith.constant 7 : i32
        %scan3A_385 = arith.addi %scan3A_253, %scan3A_384 : i32
        %mul3A_386 = arith.constant 16 : i32
        %mul3A_387 = arith.muli %scan3A_385, %mul3A_386 : i32
        %get3A_388 = arith.index_cast %scan3A_244 : i32 to index
        %get3A_389 = arith.index_cast %mul3A_387 : i32 to index
        %get3A_390 = tpu.vector_load %arg6[%get3A_388, %get3A_389] {strides = array<i32>} : memref<64x768xf32, #tpu.memory_space<vmem>>, vector<1x16xf32>,
        %get3A_391 = vector.shape_cast %get3A_390 : vector<1x16xf32> to vector<16xf32>
        %get3A_392 = arith.index_cast %scan3A_244 : i32 to index
        %get3A_393 = arith.index_cast %mul3A_387 : i32 to index
        %get3A_394 = tpu.vector_load %arg7[%get3A_392, %get3A_393] {strides = array<i32>} : memref<64x768xf32, #tpu.memory_space<vmem>>, vector<1x16xf32>,
        %get3A_395 = vector.shape_cast %get3A_394 : vector<1x16xf32> to vector<16xf32>
        %add3A_396 = arith.addf %get3A_391, %get3A_395 : vector<16xf32>
        %swap3A_397 = arith.index_cast %scan3A_244 : i32 to index
        %swap3A_398 = arith.index_cast %mul3A_387 : i32 to index
        %swap3A_399 = tpu.vector_load %arg6[%swap3A_397, %swap3A_398] {strides = array<i32>} : memref<64x768xf32, #tpu.memory_space<vmem>>, vector<1x16xf32>,
        %swap3A_400 = vector.shape_cast %swap3A_399 : vector<1x16xf32> to vector<16xf32>
        %swap3A_401 = vector.shape_cast %add3A_396 : vector<16xf32> to vector<1x16xf32>
        tpu.vector_store %arg6[%swap3A_397, %swap3A_398], %swap3A_401 {strides = array<i32>} : memref<64x768xf32, #tpu.memory_space<vmem>>, vector<1x16xf32>,
        %scan3A_402 = arith.constant 0 : i32
        scf.yield %scan3A_402 : i32
      }
      %scan3A_252 = arith.constant 48 : i32
      scf.yield %scan3A_251 : i32
    }
    %scan3A_156 = arith.constant 16 : i32
    %add3A_157 = arith.constant 32 : i32
    %add3A_158 = arith.addi %mul3A_2, %add3A_157 : i32
    %dma_start3A_159 = arith.constant 32 : i32
    %dma_start3A_160 = arith.constant 0 : i32
    %dma_start3A_161 = tpu.memref_slice %arg6[%dma_start3A_159, %dma_start3A_160] : memref<64x768xf32, #tpu.memory_space<vmem>> -> memref<16x768xf32, #tpu.memory_space<vmem>>
    %dma_start3A_162 = arith.constant 0 : i32
    %dma_start3A_163 = tpu.memref_slice %arg5[%add3A_158, %dma_start3A_162] : memref<2048x768xf32, #tpu.memory_space<hbm>> -> memref<16x768xf32, #tpu.memory_space<hbm>>
    %dma_start3A_164 = arith.constant 0 : i32
    %dma_start3A_165 = tpu.memref_slice %arg5[%add3A_158, %dma_start3A_164] : memref<2048x768xf32, #tpu.memory_space<hbm>> -> memref<16x768xf32, #tpu.memory_space<hbm>>
    %dma_start3A_166 = arith.constant 32 : i32
    %dma_start3A_167 = arith.constant 0 : i32
    %dma_start3A_168 = tpu.memref_slice %arg6[%dma_start3A_166, %dma_start3A_167] : memref<64x768xf32, #tpu.memory_space<vmem>> -> memref<16x768xf32, #tpu.memory_space<vmem>>
    tpu.enqueue_dma source(%dma_start3A_168 : memref<16x768xf32, #tpu.memory_space<vmem>>) target(%dma_start3A_165 : memref<16x768xf32, #tpu.memory_space<hbm>>) target_semaphore(%arg12 : memref<!tpu.dma_semaphore, #tpu.memory_space<semaphore_mem>>)
    %dma_wait3A_169 = arith.constant 48 : i32
    %dma_wait3A_170 = arith.constant 0 : i32
    %dma_wait3A_171 = tpu.memref_slice %arg6[%dma_wait3A_169, %dma_wait3A_170] : memref<64x768xf32, #tpu.memory_space<vmem>> -> memref<16x768xf32, #tpu.memory_space<vmem>>
    %dma_wait3A_172 = arith.constant 48 : i32
    %dma_wait3A_173 = tpu.memref_slice %arg8[%dma_wait3A_172] : memref<64xi32, #tpu.memory_space<vmem>> -> memref<16xi32, #tpu.memory_space<vmem>>
    %dma_wait3A_174 = arith.constant 0 : i32
    %dma_wait3A_175 = arith.constant 0 : i32
    %dma_wait3A_176 = tpu.memref_slice %arg2[%dma_wait3A_174, %dma_wait3A_175] : memref<8192x768xf32, #tpu.memory_space<hbm>> -> memref<8192x768xf32, #tpu.memory_space<hbm>>
    tpu.wait_indirect_dma semaphore(%arg10 : memref<!tpu.dma_semaphore, #tpu.memory_space<semaphore_mem>>) src(%dma_wait3A_176 : memref<8192x768xf32, #tpu.memory_space<hbm>>) dst(%dma_wait3A_171 : memref<16x768xf32, #tpu.memory_space<vmem>>)
    %dma_wait3A_177 = arith.constant 48 : i32
    %dma_wait3A_178 = arith.constant 0 : i32
    %dma_wait3A_179 = tpu.memref_slice %arg7[%dma_wait3A_177, %dma_wait3A_178] : memref<64x768xf32, #tpu.memory_space<vmem>> -> memref<16x768xf32, #tpu.memory_space<vmem>>
    %dma_wait3A_180 = arith.constant 48 : i32
    %dma_wait3A_181 = tpu.memref_slice %arg9[%dma_wait3A_180] : memref<64xi32, #tpu.memory_space<vmem>> -> memref<16xi32, #tpu.memory_space<vmem>>
    %dma_wait3A_182 = arith.constant 0 : i32
    %dma_wait3A_183 = arith.constant 0 : i32
    %dma_wait3A_184 = tpu.memref_slice %arg2[%dma_wait3A_182, %dma_wait3A_183] : memref<8192x768xf32, #tpu.memory_space<hbm>> -> memref<8192x768xf32, #tpu.memory_space<hbm>>
    tpu.wait_indirect_dma semaphore(%arg11 : memref<!tpu.dma_semaphore, #tpu.memory_space<semaphore_mem>>) src(%dma_wait3A_184 : memref<8192x768xf32, #tpu.memory_space<hbm>>) dst(%dma_wait3A_179 : memref<16x768xf32, #tpu.memory_space<vmem>>)
    %scan3A_185 = arith.constant 0 : i32
    %scan3A_186 = arith.constant 48 : i32
    %scan3A_187 = arith.constant 16 : i32
    %scan3A_188 = arith.addi %scan3A_186, %scan3A_187 : i32
    %scan3A_189 = arith.constant 1 : i32
    %scan3A_190 = scf.for %scan3A_244 = %scan3A_186 to %scan3A_188 step %scan3A_189 iter_args(%scan3A_245 = %scan3A_185) -> (i32)  : i32 {
      %scan3A_246 = arith.constant 0 : i32
      %scan3A_247 = arith.constant 0 : i32
      %scan3A_248 = arith.constant 48 : i32
      %scan3A_249 = arith.addi %scan3A_247, %scan3A_248 : i32
      %scan3A_250 = arith.constant 8 : i32
      %scan3A_251 = scf.for %scan3A_253 = %scan3A_247 to %scan3A_249 step %scan3A_250 iter_args(%scan3A_254 = %scan3A_246) -> (i32)  : i32 {
        %mul3A_255 = arith.constant 16 : i32
        %mul3A_256 = arith.muli %scan3A_253, %mul3A_255 : i32
        %get3A = arith.index_cast %scan3A_244 : i32 to index
        %get3A_257 = arith.index_cast %mul3A_256 : i32 to index
        %get3A_258 = tpu.vector_load %arg6[%get3A, %get3A_257] {strides = array<i32>} : memref<64x768xf32, #tpu.memory_space<vmem>>, vector<1x16xf32>,
        %get3A_259 = vector.shape_cast %get3A_258 : vector<1x16xf32> to vector<16xf32>
        %get3A_260 = arith.index_cast %scan3A_244 : i32 to index
        %get3A_261 = arith.index_cast %mul3A_256 : i32 to index
        %get3A_262 = tpu.vector_load %arg7[%get3A_260, %get3A_261] {strides = array<i32>} : memref<64x768xf32, #tpu.memory_space<vmem>>, vector<1x16xf32>,
        %get3A_263 = vector.shape_cast %get3A_262 : vector<1x16xf32> to vector<16xf32>
        %add3A_264 = arith.addf %get3A_259, %get3A_263 : vector<16xf32>
        %swap3A = arith.index_cast %scan3A_244 : i32 to index
        %swap3A_265 = arith.index_cast %mul3A_256 : i32 to index
        %swap3A_266 = tpu.vector_load %arg6[%swap3A, %swap3A_265] {strides = array<i32>} : memref<64x768xf32, #tpu.memory_space<vmem>>, vector<1x16xf32>,
        %swap3A_267 = vector.shape_cast %swap3A_266 : vector<1x16xf32> to vector<16xf32>
        %swap3A_268 = vector.shape_cast %add3A_264 : vector<16xf32> to vector<1x16xf32>
        tpu.vector_store %arg6[%swap3A, %swap3A_265], %swap3A_268 {strides = array<i32>} : memref<64x768xf32, #tpu.memory_space<vmem>>, vector<1x16xf32>,
        %scan3A_269 = arith.constant 0 : i32
        %scan3A_270 = arith.constant 1 : i32
        %scan3A_271 = arith.addi %scan3A_253, %scan3A_270 : i32
        %mul3A_272 = arith.constant 16 : i32
        %mul3A_273 = arith.muli %scan3A_271, %mul3A_272 : i32
        %get3A_274 = arith.index_cast %scan3A_244 : i32 to index
        %get3A_275 = arith.index_cast %mul3A_273 : i32 to index
        %get3A_276 = tpu.vector_load %arg6[%get3A_274, %get3A_275] {strides = array<i32>} : memref<64x768xf32, #tpu.memory_space<vmem>>, vector<1x16xf32>,
        %get3A_277 = vector.shape_cast %get3A_276 : vector<1x16xf32> to vector<16xf32>
        %get3A_278 = arith.index_cast %scan3A_244 : i32 to index
        %get3A_279 = arith.index_cast %mul3A_273 : i32 to index
        %get3A_280 = tpu.vector_load %arg7[%get3A_278, %get3A_279] {strides = array<i32>} : memref<64x768xf32, #tpu.memory_space<vmem>>, vector<1x16xf32>,
        %get3A_281 = vector.shape_cast %get3A_280 : vector<1x16xf32> to vector<16xf32>
        %add3A_282 = arith.addf %get3A_277, %get3A_281 : vector<16xf32>
        %swap3A_283 = arith.index_cast %scan3A_244 : i32 to index
        %swap3A_284 = arith.index_cast %mul3A_273 : i32 to index
        %swap3A_285 = tpu.vector_load %arg6[%swap3A_283, %swap3A_284] {strides = array<i32>} : memref<64x768xf32, #tpu.memory_space<vmem>>, vector<1x16xf32>,
        %swap3A_286 = vector.shape_cast %swap3A_285 : vector<1x16xf32> to vector<16xf32>
        %swap3A_287 = vector.shape_cast %add3A_282 : vector<16xf32> to vector<1x16xf32>
        tpu.vector_store %arg6[%swap3A_283, %swap3A_284], %swap3A_287 {strides = array<i32>} : memref<64x768xf32, #tpu.memory_space<vmem>>, vector<1x16xf32>,
        %scan3A_288 = arith.constant 0 : i32
        %scan3A_289 = arith.constant 2 : i32
        %scan3A_290 = arith.addi %scan3A_253, %scan3A_289 : i32
        %mul3A_291 = arith.constant 16 : i32
        %mul3A_292 = arith.muli %scan3A_290, %mul3A_291 : i32
        %get3A_293 = arith.index_cast %scan3A_244 : i32 to index
        %get3A_294 = arith.index_cast %mul3A_292 : i32 to index
        %get3A_295 = tpu.vector_load %arg6[%get3A_293, %get3A_294] {strides = array<i32>} : memref<64x768xf32, #tpu.memory_space<vmem>>, vector<1x16xf32>,
        %get3A_296 = vector.shape_cast %get3A_295 : vector<1x16xf32> to vector<16xf32>
        %get3A_297 = arith.index_cast %scan3A_244 : i32 to index
        %get3A_298 = arith.index_cast %mul3A_292 : i32 to index
        %get3A_299 = tpu.vector_load %arg7[%get3A_297, %get3A_298] {strides = array<i32>} : memref<64x768xf32, #tpu.memory_space<vmem>>, vector<1x16xf32>,
        %get3A_300 = vector.shape_cast %get3A_299 : vector<1x16xf32> to vector<16xf32>
        %add3A_301 = arith.addf %get3A_296, %get3A_300 : vector<16xf32>
        %swap3A_302 = arith.index_cast %scan3A_244 : i32 to index
        %swap3A_303 = arith.index_cast %mul3A_292 : i32 to index
        %swap3A_304 = tpu.vector_load %arg6[%swap3A_302, %swap3A_303] {strides = array<i32>} : memref<64x768xf32, #tpu.memory_space<vmem>>, vector<1x16xf32>,
        %swap3A_305 = vector.shape_cast %swap3A_304 : vector<1x16xf32> to vector<16xf32>
        %swap3A_306 = vector.shape_cast %add3A_301 : vector<16xf32> to vector<1x16xf32>
        tpu.vector_store %arg6[%swap3A_302, %swap3A_303], %swap3A_306 {strides = array<i32>} : memref<64x768xf32, #tpu.memory_space<vmem>>, vector<1x16xf32>,
        %scan3A_307 = arith.constant 0 : i32
        %scan3A_308 = arith.constant 3 : i32
        %scan3A_309 = arith.addi %scan3A_253, %scan3A_308 : i32
        %mul3A_310 = arith.constant 16 : i32
        %mul3A_311 = arith.muli %scan3A_309, %mul3A_310 : i32
        %get3A_312 = arith.index_cast %scan3A_244 : i32 to index
        %get3A_313 = arith.index_cast %mul3A_311 : i32 to index
        %get3A_314 = tpu.vector_load %arg6[%get3A_312, %get3A_313] {strides = array<i32>} : memref<64x768xf32, #tpu.memory_space<vmem>>, vector<1x16xf32>,
        %get3A_315 = vector.shape_cast %get3A_314 : vector<1x16xf32> to vector<16xf32>
        %get3A_316 = arith.index_cast %scan3A_244 : i32 to index
        %get3A_317 = arith.index_cast %mul3A_311 : i32 to index
        %get3A_318 = tpu.vector_load %arg7[%get3A_316, %get3A_317] {strides = array<i32>} : memref<64x768xf32, #tpu.memory_space<vmem>>, vector<1x16xf32>,
        %get3A_319 = vector.shape_cast %get3A_318 : vector<1x16xf32> to vector<16xf32>
        %add3A_320 = arith.addf %get3A_315, %get3A_319 : vector<16xf32>
        %swap3A_321 = arith.index_cast %scan3A_244 : i32 to index
        %swap3A_322 = arith.index_cast %mul3A_311 : i32 to index
        %swap3A_323 = tpu.vector_load %arg6[%swap3A_321, %swap3A_322] {strides = array<i32>} : memref<64x768xf32, #tpu.memory_space<vmem>>, vector<1x16xf32>,
        %swap3A_324 = vector.shape_cast %swap3A_323 : vector<1x16xf32> to vector<16xf32>
        %swap3A_325 = vector.shape_cast %add3A_320 : vector<16xf32> to vector<1x16xf32>
        tpu.vector_store %arg6[%swap3A_321, %swap3A_322], %swap3A_325 {strides = array<i32>} : memref<64x768xf32, #tpu.memory_space<vmem>>, vector<1x16xf32>,
        %scan3A_326 = arith.constant 0 : i32
        %scan3A_327 = arith.constant 4 : i32
        %scan3A_328 = arith.addi %scan3A_253, %scan3A_327 : i32
        %mul3A_329 = arith.constant 16 : i32
        %mul3A_330 = arith.muli %scan3A_328, %mul3A_329 : i32
        %get3A_331 = arith.index_cast %scan3A_244 : i32 to index
        %get3A_332 = arith.index_cast %mul3A_330 : i32 to index
        %get3A_333 = tpu.vector_load %arg6[%get3A_331, %get3A_332] {strides = array<i32>} : memref<64x768xf32, #tpu.memory_space<vmem>>, vector<1x16xf32>,
        %get3A_334 = vector.shape_cast %get3A_333 : vector<1x16xf32> to vector<16xf32>
        %get3A_335 = arith.index_cast %scan3A_244 : i32 to index
        %get3A_336 = arith.index_cast %mul3A_330 : i32 to index
        %get3A_337 = tpu.vector_load %arg7[%get3A_335, %get3A_336] {strides = array<i32>} : memref<64x768xf32, #tpu.memory_space<vmem>>, vector<1x16xf32>,
        %get3A_338 = vector.shape_cast %get3A_337 : vector<1x16xf32> to vector<16xf32>
        %add3A_339 = arith.addf %get3A_334, %get3A_338 : vector<16xf32>
        %swap3A_340 = arith.index_cast %scan3A_244 : i32 to index
        %swap3A_341 = arith.index_cast %mul3A_330 : i32 to index
        %swap3A_342 = tpu.vector_load %arg6[%swap3A_340, %swap3A_341] {strides = array<i32>} : memref<64x768xf32, #tpu.memory_space<vmem>>, vector<1x16xf32>,
        %swap3A_343 = vector.shape_cast %swap3A_342 : vector<1x16xf32> to vector<16xf32>
        %swap3A_344 = vector.shape_cast %add3A_339 : vector<16xf32> to vector<1x16xf32>
        tpu.vector_store %arg6[%swap3A_340, %swap3A_341], %swap3A_344 {strides = array<i32>} : memref<64x768xf32, #tpu.memory_space<vmem>>, vector<1x16xf32>,
        %scan3A_345 = arith.constant 0 : i32
        %scan3A_346 = arith.constant 5 : i32
        %scan3A_347 = arith.addi %scan3A_253, %scan3A_346 : i32
        %mul3A_348 = arith.constant 16 : i32
        %mul3A_349 = arith.muli %scan3A_347, %mul3A_348 : i32
        %get3A_350 = arith.index_cast %scan3A_244 : i32 to index
        %get3A_351 = arith.index_cast %mul3A_349 : i32 to index
        %get3A_352 = tpu.vector_load %arg6[%get3A_350, %get3A_351] {strides = array<i32>} : memref<64x768xf32, #tpu.memory_space<vmem>>, vector<1x16xf32>,
        %get3A_353 = vector.shape_cast %get3A_352 : vector<1x16xf32> to vector<16xf32>
        %get3A_354 = arith.index_cast %scan3A_244 : i32 to index
        %get3A_355 = arith.index_cast %mul3A_349 : i32 to index
        %get3A_356 = tpu.vector_load %arg7[%get3A_354, %get3A_355] {strides = array<i32>} : memref<64x768xf32, #tpu.memory_space<vmem>>, vector<1x16xf32>,
        %get3A_357 = vector.shape_cast %get3A_356 : vector<1x16xf32> to vector<16xf32>
        %add3A_358 = arith.addf %get3A_353, %get3A_357 : vector<16xf32>
        %swap3A_359 = arith.index_cast %scan3A_244 : i32 to index
        %swap3A_360 = arith.index_cast %mul3A_349 : i32 to index
        %swap3A_361 = tpu.vector_load %arg6[%swap3A_359, %swap3A_360] {strides = array<i32>} : memref<64x768xf32, #tpu.memory_space<vmem>>, vector<1x16xf32>,
        %swap3A_362 = vector.shape_cast %swap3A_361 : vector<1x16xf32> to vector<16xf32>
        %swap3A_363 = vector.shape_cast %add3A_358 : vector<16xf32> to vector<1x16xf32>
        tpu.vector_store %arg6[%swap3A_359, %swap3A_360], %swap3A_363 {strides = array<i32>} : memref<64x768xf32, #tpu.memory_space<vmem>>, vector<1x16xf32>,
        %scan3A_364 = arith.constant 0 : i32
        %scan3A_365 = arith.constant 6 : i32
        %scan3A_366 = arith.addi %scan3A_253, %scan3A_365 : i32
        %mul3A_367 = arith.constant 16 : i32
        %mul3A_368 = arith.muli %scan3A_366, %mul3A_367 : i32
        %get3A_369 = arith.index_cast %scan3A_244 : i32 to index
        %get3A_370 = arith.index_cast %mul3A_368 : i32 to index
        %get3A_371 = tpu.vector_load %arg6[%get3A_369, %get3A_370] {strides = array<i32>} : memref<64x768xf32, #tpu.memory_space<vmem>>, vector<1x16xf32>,
        %get3A_372 = vector.shape_cast %get3A_371 : vector<1x16xf32> to vector<16xf32>
        %get3A_373 = arith.index_cast %scan3A_244 : i32 to index
        %get3A_374 = arith.index_cast %mul3A_368 : i32 to index
        %get3A_375 = tpu.vector_load %arg7[%get3A_373, %get3A_374] {strides = array<i32>} : memref<64x768xf32, #tpu.memory_space<vmem>>, vector<1x16xf32>,
        %get3A_376 = vector.shape_cast %get3A_375 : vector<1x16xf32> to vector<16xf32>
        %add3A_377 = arith.addf %get3A_372, %get3A_376 : vector<16xf32>
        %swap3A_378 = arith.index_cast %scan3A_244 : i32 to index
        %swap3A_379 = arith.index_cast %mul3A_368 : i32 to index
        %swap3A_380 = tpu.vector_load %arg6[%swap3A_378, %swap3A_379] {strides = array<i32>} : memref<64x768xf32, #tpu.memory_space<vmem>>, vector<1x16xf32>,
        %swap3A_381 = vector.shape_cast %swap3A_380 : vector<1x16xf32> to vector<16xf32>
        %swap3A_382 = vector.shape_cast %add3A_377 : vector<16xf32> to vector<1x16xf32>
        tpu.vector_store %arg6[%swap3A_378, %swap3A_379], %swap3A_382 {strides = array<i32>} : memref<64x768xf32, #tpu.memory_space<vmem>>, vector<1x16xf32>,
        %scan3A_383 = arith.constant 0 : i32
        %scan3A_384 = arith.constant 7 : i32
        %scan3A_385 = arith.addi %scan3A_253, %scan3A_384 : i32
        %mul3A_386 = arith.constant 16 : i32
        %mul3A_387 = arith.muli %scan3A_385, %mul3A_386 : i32
        %get3A_388 = arith.index_cast %scan3A_244 : i32 to index
        %get3A_389 = arith.index_cast %mul3A_387 : i32 to index
        %get3A_390 = tpu.vector_load %arg6[%get3A_388, %get3A_389] {strides = array<i32>} : memref<64x768xf32, #tpu.memory_space<vmem>>, vector<1x16xf32>,
        %get3A_391 = vector.shape_cast %get3A_390 : vector<1x16xf32> to vector<16xf32>
        %get3A_392 = arith.index_cast %scan3A_244 : i32 to index
        %get3A_393 = arith.index_cast %mul3A_387 : i32 to index
        %get3A_394 = tpu.vector_load %arg7[%get3A_392, %get3A_393] {strides = array<i32>} : memref<64x768xf32, #tpu.memory_space<vmem>>, vector<1x16xf32>,
        %get3A_395 = vector.shape_cast %get3A_394 : vector<1x16xf32> to vector<16xf32>
        %add3A_396 = arith.addf %get3A_391, %get3A_395 : vector<16xf32>
        %swap3A_397 = arith.index_cast %scan3A_244 : i32 to index
        %swap3A_398 = arith.index_cast %mul3A_387 : i32 to index
        %swap3A_399 = tpu.vector_load %arg6[%swap3A_397, %swap3A_398] {strides = array<i32>} : memref<64x768xf32, #tpu.memory_space<vmem>>, vector<1x16xf32>,
        %swap3A_400 = vector.shape_cast %swap3A_399 : vector<1x16xf32> to vector<16xf32>
        %swap3A_401 = vector.shape_cast %add3A_396 : vector<16xf32> to vector<1x16xf32>
        tpu.vector_store %arg6[%swap3A_397, %swap3A_398], %swap3A_401 {strides = array<i32>} : memref<64x768xf32, #tpu.memory_space<vmem>>, vector<1x16xf32>,
        %scan3A_402 = arith.constant 0 : i32
        scf.yield %scan3A_402 : i32
      }
      %scan3A_252 = arith.constant 48 : i32
      scf.yield %scan3A_251 : i32
    }
    %scan3A_191 = arith.constant 16 : i32
    %add3A_192 = arith.constant 48 : i32
    %add3A_193 = arith.addi %mul3A_2, %add3A_192 : i32
    %dma_start3A_194 = arith.constant 48 : i32
    %dma_start3A_195 = arith.constant 0 : i32
    %dma_start3A_196 = tpu.memref_slice %arg6[%dma_start3A_194, %dma_start3A_195] : memref<64x768xf32, #tpu.memory_space<vmem>> -> memref<16x768xf32, #tpu.memory_space<vmem>>
    %dma_start3A_197 = arith.constant 0 : i32
    %dma_start3A_198 = tpu.memref_slice %arg5[%add3A_193, %dma_start3A_197] : memref<2048x768xf32, #tpu.memory_space<hbm>> -> memref<16x768xf32, #tpu.memory_space<hbm>>
    %dma_start3A_199 = arith.constant 0 : i32
    %dma_start3A_200 = tpu.memref_slice %arg5[%add3A_193, %dma_start3A_199] : memref<2048x768xf32, #tpu.memory_space<hbm>> -> memref<16x768xf32, #tpu.memory_space<hbm>>
    %dma_start3A_201 = arith.constant 48 : i32
    %dma_start3A_202 = arith.constant 0 : i32
    %dma_start3A_203 = tpu.memref_slice %arg6[%dma_start3A_201, %dma_start3A_202] : memref<64x768xf32, #tpu.memory_space<vmem>> -> memref<16x768xf32, #tpu.memory_space<vmem>>
    tpu.enqueue_dma source(%dma_start3A_203 : memref<16x768xf32, #tpu.memory_space<vmem>>) target(%dma_start3A_200 : memref<16x768xf32, #tpu.memory_space<hbm>>) target_semaphore(%arg12 : memref<!tpu.dma_semaphore, #tpu.memory_space<semaphore_mem>>)
    %dma_wait3A_204 = arith.constant 0 : i32
    %dma_wait3A_205 = arith.constant 0 : i32
    %dma_wait3A_206 = tpu.memref_slice %arg6[%dma_wait3A_204, %dma_wait3A_205] : memref<64x768xf32, #tpu.memory_space<vmem>> -> memref<16x768xf32, #tpu.memory_space<vmem>>
    %dma_wait3A_207 = arith.constant 0 : i32
    %dma_wait3A_208 = tpu.memref_slice %arg5[%add3A_88, %dma_wait3A_207] : memref<2048x768xf32, #tpu.memory_space<hbm>> -> memref<16x768xf32, #tpu.memory_space<hbm>>
    %dma_wait3A_209 = arith.constant 0 : i32
    %dma_wait3A_210 = tpu.memref_slice %arg5[%add3A_88, %dma_wait3A_209] : memref<2048x768xf32, #tpu.memory_space<hbm>> -> memref<16x768xf32, #tpu.memory_space<hbm>>
    %dma_wait3A_211 = arith.constant 0 : i32
    %dma_wait3A_212 = arith.constant 0 : i32
    %dma_wait3A_213 = tpu.memref_slice %arg6[%dma_wait3A_211, %dma_wait3A_212] : memref<64x768xf32, #tpu.memory_space<vmem>> -> memref<16x768xf32, #tpu.memory_space<vmem>>
    tpu.wait_dma2 semaphore(%arg12 : memref<!tpu.dma_semaphore, #tpu.memory_space<semaphore_mem>>) src(%dma_wait3A_213 : memref<16x768xf32, #tpu.memory_space<vmem>>) dst(%dma_wait3A_210 : memref<16x768xf32, #tpu.memory_space<hbm>>)
    %dma_wait3A_214 = arith.constant 16 : i32
    %dma_wait3A_215 = arith.constant 0 : i32
    %dma_wait3A_216 = tpu.memref_slice %arg6[%dma_wait3A_214, %dma_wait3A_215] : memref<64x768xf32, #tpu.memory_space<vmem>> -> memref<16x768xf32, #tpu.memory_space<vmem>>
    %dma_wait3A_217 = arith.constant 0 : i32
    %dma_wait3A_218 = tpu.memref_slice %arg5[%add3A_123, %dma_wait3A_217] : memref<2048x768xf32, #tpu.memory_space<hbm>> -> memref<16x768xf32, #tpu.memory_space<hbm>>
    %dma_wait3A_219 = arith.constant 0 : i32
    %dma_wait3A_220 = tpu.memref_slice %arg5[%add3A_123, %dma_wait3A_219] : memref<2048x768xf32, #tpu.memory_space<hbm>> -> memref<16x768xf32, #tpu.memory_space<hbm>>
    %dma_wait3A_221 = arith.constant 16 : i32
    %dma_wait3A_222 = arith.constant 0 : i32
    %dma_wait3A_223 = tpu.memref_slice %arg6[%dma_wait3A_221, %dma_wait3A_222] : memref<64x768xf32, #tpu.memory_space<vmem>> -> memref<16x768xf32, #tpu.memory_space<vmem>>
    tpu.wait_dma2 semaphore(%arg12 : memref<!tpu.dma_semaphore, #tpu.memory_space<semaphore_mem>>) src(%dma_wait3A_223 : memref<16x768xf32, #tpu.memory_space<vmem>>) dst(%dma_wait3A_220 : memref<16x768xf32, #tpu.memory_space<hbm>>)
    %dma_wait3A_224 = arith.constant 32 : i32
    %dma_wait3A_225 = arith.constant 0 : i32
    %dma_wait3A_226 = tpu.memref_slice %arg6[%dma_wait3A_224, %dma_wait3A_225] : memref<64x768xf32, #tpu.memory_space<vmem>> -> memref<16x768xf32, #tpu.memory_space<vmem>>
    %dma_wait3A_227 = arith.constant 0 : i32
    %dma_wait3A_228 = tpu.memref_slice %arg5[%add3A_158, %dma_wait3A_227] : memref<2048x768xf32, #tpu.memory_space<hbm>> -> memref<16x768xf32, #tpu.memory_space<hbm>>
    %dma_wait3A_229 = arith.constant 0 : i32
    %dma_wait3A_230 = tpu.memref_slice %arg5[%add3A_158, %dma_wait3A_229] : memref<2048x768xf32, #tpu.memory_space<hbm>> -> memref<16x768xf32, #tpu.memory_space<hbm>>
    %dma_wait3A_231 = arith.constant 32 : i32
    %dma_wait3A_232 = arith.constant 0 : i32
    %dma_wait3A_233 = tpu.memref_slice %arg6[%dma_wait3A_231, %dma_wait3A_232] : memref<64x768xf32, #tpu.memory_space<vmem>> -> memref<16x768xf32, #tpu.memory_space<vmem>>
    tpu.wait_dma2 semaphore(%arg12 : memref<!tpu.dma_semaphore, #tpu.memory_space<semaphore_mem>>) src(%dma_wait3A_233 : memref<16x768xf32, #tpu.memory_space<vmem>>) dst(%dma_wait3A_230 : memref<16x768xf32, #tpu.memory_space<hbm>>)
    %dma_wait3A_234 = arith.constant 48 : i32
    %dma_wait3A_235 = arith.constant 0 : i32
    %dma_wait3A_236 = tpu.memref_slice %arg6[%dma_wait3A_234, %dma_wait3A_235] : memref<64x768xf32, #tpu.memory_space<vmem>> -> memref<16x768xf32, #tpu.memory_space<vmem>>
    %dma_wait3A_237 = arith.constant 0 : i32
    %dma_wait3A_238 = tpu.memref_slice %arg5[%add3A_193, %dma_wait3A_237] : memref<2048x768xf32, #tpu.memory_space<hbm>> -> memref<16x768xf32, #tpu.memory_space<hbm>>
    %dma_wait3A_239 = arith.constant 0 : i32
    %dma_wait3A_240 = tpu.memref_slice %arg5[%add3A_193, %dma_wait3A_239] : memref<2048x768xf32, #tpu.memory_space<hbm>> -> memref<16x768xf32, #tpu.memory_space<hbm>>
    %dma_wait3A_241 = arith.constant 48 : i32
    %dma_wait3A_242 = arith.constant 0 : i32
    %dma_wait3A_243 = tpu.memref_slice %arg6[%dma_wait3A_241, %dma_wait3A_242] : memref<64x768xf32, #tpu.memory_space<vmem>> -> memref<16x768xf32, #tpu.memory_space<vmem>>
    tpu.wait_dma2 semaphore(%arg12 : memref<!tpu.dma_semaphore, #tpu.memory_space<semaphore_mem>>) src(%dma_wait3A_243 : memref<16x768xf32, #tpu.memory_space<vmem>>) dst(%dma_wait3A_240 : memref<16x768xf32, #tpu.memory_space<hbm>>)
    return
  }
}

#map = affine_map<(d0, d1) -> (0, 0)>
#map1 = affine_map<(d0, d1) -> (0)>
module attributes {stable_mosaic.version = 14 : i64} {
  func.func @_dispatch_body(%arg0: i32, %arg1: i32, %arg2: memref<2048x768xf32, #tpu.memory_space<hbm>>, %arg3: memref<2048xi32, #tpu.memory_space<hbm>>, %arg4: memref<2048xi32, #tpu.memory_space<hbm>>, %arg5: memref<2048x128xf32, #tpu.memory_space<hbm>>, %arg6: memref<2048x128xf32, #tpu.memory_space<hbm>>, %arg7: memref<8192x768xf32, #tpu.memory_space<hbm>>, %arg8: memref<8192x128xf32, #tpu.memory_space<hbm>>, %arg9: memref<64x768xf32, #tpu.memory_space<vmem>>, %arg10: memref<64xi32, #tpu.memory_space<vmem>>, %arg11: memref<64xi32, #tpu.memory_space<vmem>>, %arg12: memref<64x128xf32, #tpu.memory_space<vmem>>, %arg13: memref<64x128xf32, #tpu.memory_space<vmem>>, %arg14: memref<!tpu.dma_semaphore, #tpu.memory_space<semaphore_mem>>, %arg15: memref<!tpu.dma_semaphore, #tpu.memory_space<semaphore_mem>>, %arg16: memref<!tpu.dma_semaphore, #tpu.memory_space<semaphore_mem>>, %arg17: memref<!tpu.dma_semaphore, #tpu.memory_space<semaphore_mem>>) attributes {dimension_semantics = [#tpu.dimension_semantics<core_parallel>, #tpu.dimension_semantics<subcore_parallel>], iteration_bounds = array<i64: 2, 16>, scalar_prefetch = 0 : i64, scratch_operands = 9 : i64, tpu.core_type = #tpu.core_type<sc_vector_subcore>, window_params = [{transform_indices = #map}, {transform_indices = #map1}, {transform_indices = #map1}, {transform_indices = #map}, {transform_indices = #map}, {transform_indices = #map}, {transform_indices = #map}]} {
    %mul3A = arith.constant 2 : i32
    %mul3A_0 = arith.muli %arg1, %mul3A : i32
    %add3A = arith.addi %mul3A_0, %arg0 : i32
    %mul3A_1 = arith.constant 64 : i32
    %mul3A_2 = arith.muli %add3A, %mul3A_1 : i32
    "tpu.region"() ({
      %run_scoped3A = tpu.sem_alloc : memref<!tpu.dma_semaphore, #tpu.memory_space<semaphore_mem>>
      %dma_start3A_25 = arith.constant 0 : i32
      %dma_start3A_26 = tpu.memref_slice %arg2[%mul3A_2, %dma_start3A_25] : memref<2048x768xf32, #tpu.memory_space<hbm>> -> memref<64x768xf32, #tpu.memory_space<hbm>>
      %dma_start3A_27 = arith.constant 0 : i32
      %dma_start3A_28 = tpu.memref_slice %arg2[%mul3A_2, %dma_start3A_27] : memref<2048x768xf32, #tpu.memory_space<hbm>> -> memref<64x768xf32, #tpu.memory_space<hbm>>
      tpu.enqueue_dma source(%dma_start3A_28 : memref<64x768xf32, #tpu.memory_space<hbm>>) target(%arg9 : memref<64x768xf32, #tpu.memory_space<vmem>>) target_semaphore(%run_scoped3A : memref<!tpu.dma_semaphore, #tpu.memory_space<semaphore_mem>>)
      %dma_wait3A_29 = arith.constant 0 : i32
      %dma_wait3A_30 = tpu.memref_slice %arg2[%mul3A_2, %dma_wait3A_29] : memref<2048x768xf32, #tpu.memory_space<hbm>> -> memref<64x768xf32, #tpu.memory_space<hbm>>
      %dma_wait3A_31 = arith.constant 0 : i32
      %dma_wait3A_32 = tpu.memref_slice %arg2[%mul3A_2, %dma_wait3A_31] : memref<2048x768xf32, #tpu.memory_space<hbm>> -> memref<64x768xf32, #tpu.memory_space<hbm>>
      tpu.wait_dma2 semaphore(%run_scoped3A : memref<!tpu.dma_semaphore, #tpu.memory_space<semaphore_mem>>) src(%dma_wait3A_32 : memref<64x768xf32, #tpu.memory_space<hbm>>) dst(%arg9 : memref<64x768xf32, #tpu.memory_space<vmem>>)
      tpu.yield
    }) : () -> ()
    "tpu.region"() ({
      %run_scoped3A = tpu.sem_alloc : memref<!tpu.dma_semaphore, #tpu.memory_space<semaphore_mem>>
      %dma_start3A_25 = tpu.memref_slice %arg3[%mul3A_2] : memref<2048xi32, #tpu.memory_space<hbm>> -> memref<64xi32, #tpu.memory_space<hbm>>
      %dma_start3A_26 = tpu.memref_slice %arg3[%mul3A_2] : memref<2048xi32, #tpu.memory_space<hbm>> -> memref<64xi32, #tpu.memory_space<hbm>>
      tpu.enqueue_dma source(%dma_start3A_26 : memref<64xi32, #tpu.memory_space<hbm>>) target(%arg10 : memref<64xi32, #tpu.memory_space<vmem>>) target_semaphore(%run_scoped3A : memref<!tpu.dma_semaphore, #tpu.memory_space<semaphore_mem>>)
      %dma_wait3A_27 = tpu.memref_slice %arg3[%mul3A_2] : memref<2048xi32, #tpu.memory_space<hbm>> -> memref<64xi32, #tpu.memory_space<hbm>>
      %dma_wait3A_28 = tpu.memref_slice %arg3[%mul3A_2] : memref<2048xi32, #tpu.memory_space<hbm>> -> memref<64xi32, #tpu.memory_space<hbm>>
      tpu.wait_dma2 semaphore(%run_scoped3A : memref<!tpu.dma_semaphore, #tpu.memory_space<semaphore_mem>>) src(%dma_wait3A_28 : memref<64xi32, #tpu.memory_space<hbm>>) dst(%arg10 : memref<64xi32, #tpu.memory_space<vmem>>)
      tpu.yield
    }) : () -> ()
    "tpu.region"() ({
      %run_scoped3A = tpu.sem_alloc : memref<!tpu.dma_semaphore, #tpu.memory_space<semaphore_mem>>
      %dma_start3A_25 = tpu.memref_slice %arg4[%mul3A_2] : memref<2048xi32, #tpu.memory_space<hbm>> -> memref<64xi32, #tpu.memory_space<hbm>>
      %dma_start3A_26 = tpu.memref_slice %arg4[%mul3A_2] : memref<2048xi32, #tpu.memory_space<hbm>> -> memref<64xi32, #tpu.memory_space<hbm>>
      tpu.enqueue_dma source(%dma_start3A_26 : memref<64xi32, #tpu.memory_space<hbm>>) target(%arg11 : memref<64xi32, #tpu.memory_space<vmem>>) target_semaphore(%run_scoped3A : memref<!tpu.dma_semaphore, #tpu.memory_space<semaphore_mem>>)
      %dma_wait3A_27 = tpu.memref_slice %arg4[%mul3A_2] : memref<2048xi32, #tpu.memory_space<hbm>> -> memref<64xi32, #tpu.memory_space<hbm>>
      %dma_wait3A_28 = tpu.memref_slice %arg4[%mul3A_2] : memref<2048xi32, #tpu.memory_space<hbm>> -> memref<64xi32, #tpu.memory_space<hbm>>
      tpu.wait_dma2 semaphore(%run_scoped3A : memref<!tpu.dma_semaphore, #tpu.memory_space<semaphore_mem>>) src(%dma_wait3A_28 : memref<64xi32, #tpu.memory_space<hbm>>) dst(%arg11 : memref<64xi32, #tpu.memory_space<vmem>>)
      tpu.yield
    }) : () -> ()
    "tpu.region"() ({
      %run_scoped3A = tpu.sem_alloc : memref<!tpu.dma_semaphore, #tpu.memory_space<semaphore_mem>>
      %dma_start3A_25 = arith.constant 0 : i32
      %dma_start3A_26 = tpu.memref_slice %arg5[%mul3A_2, %dma_start3A_25] : memref<2048x128xf32, #tpu.memory_space<hbm>> -> memref<64x128xf32, #tpu.memory_space<hbm>>
      %dma_start3A_27 = arith.constant 0 : i32
      %dma_start3A_28 = tpu.memref_slice %arg5[%mul3A_2, %dma_start3A_27] : memref<2048x128xf32, #tpu.memory_space<hbm>> -> memref<64x128xf32, #tpu.memory_space<hbm>>
      tpu.enqueue_dma source(%dma_start3A_28 : memref<64x128xf32, #tpu.memory_space<hbm>>) target(%arg12 : memref<64x128xf32, #tpu.memory_space<vmem>>) target_semaphore(%run_scoped3A : memref<!tpu.dma_semaphore, #tpu.memory_space<semaphore_mem>>)
      %dma_wait3A_29 = arith.constant 0 : i32
      %dma_wait3A_30 = tpu.memref_slice %arg5[%mul3A_2, %dma_wait3A_29] : memref<2048x128xf32, #tpu.memory_space<hbm>> -> memref<64x128xf32, #tpu.memory_space<hbm>>
      %dma_wait3A_31 = arith.constant 0 : i32
      %dma_wait3A_32 = tpu.memref_slice %arg5[%mul3A_2, %dma_wait3A_31] : memref<2048x128xf32, #tpu.memory_space<hbm>> -> memref<64x128xf32, #tpu.memory_space<hbm>>
      tpu.wait_dma2 semaphore(%run_scoped3A : memref<!tpu.dma_semaphore, #tpu.memory_space<semaphore_mem>>) src(%dma_wait3A_32 : memref<64x128xf32, #tpu.memory_space<hbm>>) dst(%arg12 : memref<64x128xf32, #tpu.memory_space<vmem>>)
      tpu.yield
    }) : () -> ()
    "tpu.region"() ({
      %run_scoped3A = tpu.sem_alloc : memref<!tpu.dma_semaphore, #tpu.memory_space<semaphore_mem>>
      %dma_start3A_25 = arith.constant 0 : i32
      %dma_start3A_26 = tpu.memref_slice %arg6[%mul3A_2, %dma_start3A_25] : memref<2048x128xf32, #tpu.memory_space<hbm>> -> memref<64x128xf32, #tpu.memory_space<hbm>>
      %dma_start3A_27 = arith.constant 0 : i32
      %dma_start3A_28 = tpu.memref_slice %arg6[%mul3A_2, %dma_start3A_27] : memref<2048x128xf32, #tpu.memory_space<hbm>> -> memref<64x128xf32, #tpu.memory_space<hbm>>
      tpu.enqueue_dma source(%dma_start3A_28 : memref<64x128xf32, #tpu.memory_space<hbm>>) target(%arg13 : memref<64x128xf32, #tpu.memory_space<vmem>>) target_semaphore(%run_scoped3A : memref<!tpu.dma_semaphore, #tpu.memory_space<semaphore_mem>>)
      %dma_wait3A_29 = arith.constant 0 : i32
      %dma_wait3A_30 = tpu.memref_slice %arg6[%mul3A_2, %dma_wait3A_29] : memref<2048x128xf32, #tpu.memory_space<hbm>> -> memref<64x128xf32, #tpu.memory_space<hbm>>
      %dma_wait3A_31 = arith.constant 0 : i32
      %dma_wait3A_32 = tpu.memref_slice %arg6[%mul3A_2, %dma_wait3A_31] : memref<2048x128xf32, #tpu.memory_space<hbm>> -> memref<64x128xf32, #tpu.memory_space<hbm>>
      tpu.wait_dma2 semaphore(%run_scoped3A : memref<!tpu.dma_semaphore, #tpu.memory_space<semaphore_mem>>) src(%dma_wait3A_32 : memref<64x128xf32, #tpu.memory_space<hbm>>) dst(%arg13 : memref<64x128xf32, #tpu.memory_space<vmem>>)
      tpu.yield
    }) : () -> ()
    %dma_start3A = arith.constant 0 : i32
    %dma_start3A_3 = arith.constant 0 : i32
    %dma_start3A_4 = tpu.memref_slice %arg7[%dma_start3A, %dma_start3A_3] : memref<8192x768xf32, #tpu.memory_space<hbm>> -> memref<8192x768xf32, #tpu.memory_space<hbm>>
    tpu.enqueue_indirect_dma source(%arg9 : memref<64x768xf32, #tpu.memory_space<vmem>>) target(%dma_start3A_4 : memref<8192x768xf32, #tpu.memory_space<hbm>>) offsets(%arg10 : memref<64xi32, #tpu.memory_space<vmem>>) semaphore(%arg14 : memref<!tpu.dma_semaphore, #tpu.memory_space<semaphore_mem>>)
    %dma_start3A_5 = arith.constant 0 : i32
    %dma_start3A_6 = arith.constant 0 : i32
    %dma_start3A_7 = tpu.memref_slice %arg7[%dma_start3A_5, %dma_start3A_6] : memref<8192x768xf32, #tpu.memory_space<hbm>> -> memref<8192x768xf32, #tpu.memory_space<hbm>>
    tpu.enqueue_indirect_dma source(%arg9 : memref<64x768xf32, #tpu.memory_space<vmem>>) target(%dma_start3A_7 : memref<8192x768xf32, #tpu.memory_space<hbm>>) offsets(%arg11 : memref<64xi32, #tpu.memory_space<vmem>>) semaphore(%arg15 : memref<!tpu.dma_semaphore, #tpu.memory_space<semaphore_mem>>)
    %dma_start3A_8 = arith.constant 0 : i32
    %dma_start3A_9 = arith.constant 0 : i32
    %dma_start3A_10 = tpu.memref_slice %arg8[%dma_start3A_8, %dma_start3A_9] : memref<8192x128xf32, #tpu.memory_space<hbm>> -> memref<8192x128xf32, #tpu.memory_space<hbm>>
    tpu.enqueue_indirect_dma source(%arg12 : memref<64x128xf32, #tpu.memory_space<vmem>>) target(%dma_start3A_10 : memref<8192x128xf32, #tpu.memory_space<hbm>>) offsets(%arg10 : memref<64xi32, #tpu.memory_space<vmem>>) semaphore(%arg16 : memref<!tpu.dma_semaphore, #tpu.memory_space<semaphore_mem>>)
    %dma_start3A_11 = arith.constant 0 : i32
    %dma_start3A_12 = arith.constant 0 : i32
    %dma_start3A_13 = tpu.memref_slice %arg8[%dma_start3A_11, %dma_start3A_12] : memref<8192x128xf32, #tpu.memory_space<hbm>> -> memref<8192x128xf32, #tpu.memory_space<hbm>>
    tpu.enqueue_indirect_dma source(%arg13 : memref<64x128xf32, #tpu.memory_space<vmem>>) target(%dma_start3A_13 : memref<8192x128xf32, #tpu.memory_space<hbm>>) offsets(%arg11 : memref<64xi32, #tpu.memory_space<vmem>>) semaphore(%arg17 : memref<!tpu.dma_semaphore, #tpu.memory_space<semaphore_mem>>)
    %dma_wait3A = arith.constant 0 : i32
    %dma_wait3A_14 = arith.constant 0 : i32
    %dma_wait3A_15 = tpu.memref_slice %arg7[%dma_wait3A, %dma_wait3A_14] : memref<8192x768xf32, #tpu.memory_space<hbm>> -> memref<8192x768xf32, #tpu.memory_space<hbm>>
    tpu.wait_indirect_dma semaphore(%arg14 : memref<!tpu.dma_semaphore, #tpu.memory_space<semaphore_mem>>) src(%arg9 : memref<64x768xf32, #tpu.memory_space<vmem>>) dst(%dma_wait3A_15 : memref<8192x768xf32, #tpu.memory_space<hbm>>)
    %dma_wait3A_16 = arith.constant 0 : i32
    %dma_wait3A_17 = arith.constant 0 : i32
    %dma_wait3A_18 = tpu.memref_slice %arg7[%dma_wait3A_16, %dma_wait3A_17] : memref<8192x768xf32, #tpu.memory_space<hbm>> -> memref<8192x768xf32, #tpu.memory_space<hbm>>
    tpu.wait_indirect_dma semaphore(%arg15 : memref<!tpu.dma_semaphore, #tpu.memory_space<semaphore_mem>>) src(%arg9 : memref<64x768xf32, #tpu.memory_space<vmem>>) dst(%dma_wait3A_18 : memref<8192x768xf32, #tpu.memory_space<hbm>>)
    %dma_wait3A_19 = arith.constant 0 : i32
    %dma_wait3A_20 = arith.constant 0 : i32
    %dma_wait3A_21 = tpu.memref_slice %arg8[%dma_wait3A_19, %dma_wait3A_20] : memref<8192x128xf32, #tpu.memory_space<hbm>> -> memref<8192x128xf32, #tpu.memory_space<hbm>>
    tpu.wait_indirect_dma semaphore(%arg16 : memref<!tpu.dma_semaphore, #tpu.memory_space<semaphore_mem>>) src(%arg12 : memref<64x128xf32, #tpu.memory_space<vmem>>) dst(%dma_wait3A_21 : memref<8192x128xf32, #tpu.memory_space<hbm>>)
    %dma_wait3A_22 = arith.constant 0 : i32
    %dma_wait3A_23 = arith.constant 0 : i32
    %dma_wait3A_24 = tpu.memref_slice %arg8[%dma_wait3A_22, %dma_wait3A_23] : memref<8192x128xf32, #tpu.memory_space<hbm>> -> memref<8192x128xf32, #tpu.memory_space<hbm>>
    tpu.wait_indirect_dma semaphore(%arg17 : memref<!tpu.dma_semaphore, #tpu.memory_space<semaphore_mem>>) src(%arg13 : memref<64x128xf32, #tpu.memory_space<vmem>>) dst(%dma_wait3A_24 : memref<8192x128xf32, #tpu.memory_space<hbm>>)
    return
  }
}

module attributes {stable_mosaic.version = 14 : i64} {
  func.func @_router_body(%arg0: i32, %arg1: memref<512x768xf32, #tpu.memory_space<vmem>>, %arg2: memref<768x128xf32, #tpu.memory_space<vmem>>, %arg3: memref<1x128xf32, #tpu.memory_space<vmem>>, %arg4: memref<512x128xf32, #tpu.memory_space<vmem>>, %arg5: memref<1x1x128xf32, #tpu.memory_space<vmem>>, %arg6: memref<512x128xf32, #tpu.memory_space<vmem>>, %arg7: memref<512x128xf32, #tpu.memory_space<vmem>>) attributes {dimension_semantics = [#tpu.dimension_semantics<arbitrary>], iteration_bounds = array<i64: 4>, scalar_prefetch = 0 : i64, scratch_operands = 0 : i64, tpu.core_type = #tpu.core_type<tc>, window_params = [{transform_indices = @transform_0, window_bounds = array<i64: 512, 768>}, {pipeline_mode = #tpu.pipeline_mode<synchronous>, transform_indices = @transform_1, window_bounds = array<i64: 768, 128>}, {pipeline_mode = #tpu.pipeline_mode<synchronous>, transform_indices = @transform_2, window_bounds = array<i64: 1, 128>}, {transform_indices = @transform_3, window_bounds = array<i64: 512, 128>}, {transform_indices = @transform_4, window_bounds = array<i64: 1, 1, 128>}, {transform_indices = @transform_5, window_bounds = array<i64: 512, 128>}, {transform_indices = @transform_6, window_bounds = array<i64: 512, 128>}]} {
    %get3A = arith.constant 0 : index
    %get3A_0 = arith.constant 0 : index
    %get3A_1 = vector.load %arg1[%get3A, %get3A_0] : memref<512x768xf32, #tpu.memory_space<vmem>>, vector<512x768xf32>
    %get3A_2 = arith.constant 0 : index
    %get3A_3 = arith.constant 0 : index
    %get3A_4 = vector.load %arg2[%get3A_2, %get3A_3] : memref<768x128xf32, #tpu.memory_space<vmem>>, vector<768x128xf32>
    %dot_general3A = arith.constant dense<0.000000e+00> : vector<512x128xf32>
    %dot_general3A_5 = tpu.matmul %get3A_1, %get3A_4, %dot_general3A {dimension_numbers = #tpu.dot_dimension_numbers<[1], [0], [0], [1], [0, 0, 1, 1], [], []>, transpose_lhs_hint = false} : vector<512x768xf32>, vector<768x128xf32>, vector<512x128xf32> -> vector<512x128xf32>
    %iota3A = tpu.iota {dimensions = array<i32: 1>} : vector<512x128xi32>
    %lt3A = arith.constant 8 : i32
    %lt3A_6 = vector.broadcast %lt3A : i32 to vector<512x128xi32>
    %lt3A_7 = arith.cmpi slt, %iota3A, %lt3A_6 : vector<512x128xi32>
    %get3A_8 = arith.constant 0 : index
    %get3A_9 = arith.constant 0 : index
    %get3A_10 = vector.load %arg3[%get3A_8, %get3A_9] : memref<1x128xf32, #tpu.memory_space<vmem>>, vector<1x128xf32>
    %add3A = vector.broadcast %get3A_10 : vector<1x128xf32> to vector<512x128xf32>
    %add3A_11 = arith.addf %dot_general3A_5, %add3A : vector<512x128xf32>
    %jit3A = arith.constant -1.000000e+30 : f32
    %broadcast_in_dim3A = vector.broadcast %jit3A : f32 to vector<512x128xf32>
    %select_n3A = arith.select %lt3A_7, %add3A_11, %broadcast_in_dim3A : vector<512x128xi1>, vector<512x128xf32>
    %reduce_max3A = arith.constant dense<0xFF800000> : vector<512xf32>
    %reduce_max3A_12 = vector.multi_reduction <maximumf>, %select_n3A, %reduce_max3A [1] : vector<512x128xf32> to vector<512xf32>
    %broadcast_in_dim3A_13 = vector.shape_cast %reduce_max3A_12 : vector<512xf32> to vector<512x1xf32>
    %sub3A = vector.broadcast %broadcast_in_dim3A_13 : vector<512x1xf32> to vector<512x128xf32>
    %sub3A_14 = arith.subf %select_n3A, %sub3A : vector<512x128xf32>
    %exp3A = math.exp %sub3A_14 : vector<512x128xf32>
    %jit3A_15 = arith.constant 0.000000e+00 : f32
    %broadcast_in_dim3A_16 = vector.broadcast %jit3A_15 : f32 to vector<512x128xf32>
    %select_n3A_17 = arith.select %lt3A_7, %exp3A, %broadcast_in_dim3A_16 : vector<512x128xi1>, vector<512x128xf32>
    %reduce_sum3A = arith.constant dense<0.000000e+00> : vector<512xf32>
    %reduce_sum3A_18 = vector.multi_reduction <add>, %select_n3A_17, %reduce_sum3A [1] : vector<512x128xf32> to vector<512xf32>
    %broadcast_in_dim3A_19 = vector.shape_cast %reduce_sum3A_18 : vector<512xf32> to vector<512x1xf32>
    %div3A = vector.broadcast %broadcast_in_dim3A_19 : vector<512x1xf32> to vector<512x128xf32>
    %div3A_20 = arith.divf %select_n3A_17, %div3A : vector<512x128xf32>
    %reduce_max3A_21 = arith.constant dense<0xFF800000> : vector<512xf32>
    %reduce_max3A_22 = vector.multi_reduction <maximumf>, %div3A_20, %reduce_max3A_21 [1] : vector<512x128xf32> to vector<512xf32>
    %broadcast_in_dim3A_23 = vector.shape_cast %reduce_max3A_22 : vector<512xf32> to vector<512x1xf32>
    %eq3A = vector.broadcast %broadcast_in_dim3A_23 : vector<512x1xf32> to vector<512x128xf32>
    %eq3A_24 = arith.cmpf oeq, %div3A_20, %eq3A : vector<512x128xf32>
    %jit3A_25 = arith.constant 128 : i32
    %broadcast_in_dim3A_26 = vector.broadcast %jit3A_25 : i32 to vector<512x128xi32>
    %select_n3A_27 = arith.select %eq3A_24, %iota3A, %broadcast_in_dim3A_26 : vector<512x128xi1>, vector<512x128xi32>
    %reduce_min3A = arith.constant dense<2147483647> : vector<512xi32>
    %reduce_min3A_28 = vector.multi_reduction <minsi>, %select_n3A_27, %reduce_min3A [1] : vector<512x128xi32> to vector<512xi32>
    %broadcast_in_dim3A_29 = vector.shape_cast %reduce_min3A_28 : vector<512xi32> to vector<512x1xi32>
    %eq3A_30 = vector.broadcast %broadcast_in_dim3A_29 : vector<512x1xi32> to vector<512x128xi32>
    %eq3A_31 = arith.cmpi eq, %iota3A, %eq3A_30 : vector<512x128xi32>
    %convert_element_type3A = arith.extui %eq3A_31 : vector<512x128xi1> to vector<512x128xi32>
    %convert_element_type3A_32 = arith.sitofp %convert_element_type3A : vector<512x128xi32> to vector<512x128xf32>
    %eq3A_33 = vector.broadcast %broadcast_in_dim3A_29 : vector<512x1xi32> to vector<512x128xi32>
    %eq3A_34 = arith.cmpi eq, %iota3A, %eq3A_33 : vector<512x128xi32>
    %jit3A_35 = arith.constant -1.000000e+00 : f32
    %broadcast_in_dim3A_36 = vector.broadcast %jit3A_35 : f32 to vector<512x128xf32>
    %select_n3A_37 = arith.select %eq3A_34, %broadcast_in_dim3A_36, %div3A_20 : vector<512x128xi1>, vector<512x128xf32>
    %reduce_max3A_38 = arith.constant dense<0xFF800000> : vector<512xf32>
    %reduce_max3A_39 = vector.multi_reduction <maximumf>, %select_n3A_37, %reduce_max3A_38 [1] : vector<512x128xf32> to vector<512xf32>
    %broadcast_in_dim3A_40 = vector.shape_cast %reduce_max3A_39 : vector<512xf32> to vector<512x1xf32>
    %eq3A_41 = vector.broadcast %broadcast_in_dim3A_40 : vector<512x1xf32> to vector<512x128xf32>
    %eq3A_42 = arith.cmpf oeq, %select_n3A_37, %eq3A_41 : vector<512x128xf32>
    %jit3A_43 = arith.constant 128 : i32
    %broadcast_in_dim3A_44 = vector.broadcast %jit3A_43 : i32 to vector<512x128xi32>
    %select_n3A_45 = arith.select %eq3A_42, %iota3A, %broadcast_in_dim3A_44 : vector<512x128xi1>, vector<512x128xi32>
    %reduce_min3A_46 = arith.constant dense<2147483647> : vector<512xi32>
    %reduce_min3A_47 = vector.multi_reduction <minsi>, %select_n3A_45, %reduce_min3A_46 [1] : vector<512x128xi32> to vector<512xi32>
    %broadcast_in_dim3A_48 = vector.shape_cast %reduce_min3A_47 : vector<512xi32> to vector<512x1xi32>
    %eq3A_49 = vector.broadcast %broadcast_in_dim3A_48 : vector<512x1xi32> to vector<512x128xi32>
    %eq3A_50 = arith.cmpi eq, %iota3A, %eq3A_49 : vector<512x128xi32>
    %convert_element_type3A_51 = arith.extui %eq3A_50 : vector<512x128xi1> to vector<512x128xi32>
    %convert_element_type3A_52 = arith.sitofp %convert_element_type3A_51 : vector<512x128xi32> to vector<512x128xf32>
    %add3A_53 = arith.addf %convert_element_type3A_32, %convert_element_type3A_52 : vector<512x128xf32>
    %reduce_sum3A_54 = arith.constant dense<0.000000e+00> : vector<128xf32>
    %reduce_sum3A_55 = vector.multi_reduction <add>, %add3A_53, %reduce_sum3A_54 [0] : vector<512x128xf32> to vector<128xf32>
    %broadcast_in_dim3A_56 = vector.shape_cast %reduce_sum3A_55 : vector<128xf32> to vector<1x128xf32>
    %broadcast_in_dim3A_57 = vector.shape_cast %broadcast_in_dim3A_56 : vector<1x128xf32> to vector<1x1x128xf32>
    %swap3A = arith.constant 0 : index
    %swap3A_58 = arith.constant 0 : index
    %swap3A_59 = arith.constant 0 : index
    %swap3A_60 = vector.load %arg5[%swap3A, %swap3A_58, %swap3A_59] : memref<1x1x128xf32, #tpu.memory_space<vmem>>, vector<1x1x128xf32>
    tpu.vector_store %arg5[%swap3A, %swap3A_58, %swap3A_59], %broadcast_in_dim3A_57 {strides = array<i32>} : memref<1x1x128xf32, #tpu.memory_space<vmem>>, vector<1x1x128xf32>,
    %iota3A_61 = tpu.iota {dimensions = array<i32: 0>} : vector<512x512xi32>
    %iota3A_62 = tpu.iota {dimensions = array<i32: 1>} : vector<512x512xi32>
    %lt3A_63 = arith.cmpi slt, %iota3A_62, %iota3A_61 : vector<512x512xi32>
    %convert_element_type3A_64 = arith.extui %lt3A_63 : vector<512x512xi1> to vector<512x512xi32>
    %convert_element_type3A_65 = arith.sitofp %convert_element_type3A_64 : vector<512x512xi32> to vector<512x512xf32>
    %dot_general3A_66 = arith.constant dense<0.000000e+00> : vector<512x128xf32>
    %dot_general3A_67 = tpu.matmul %convert_element_type3A_65, %add3A_53, %dot_general3A_66 {dimension_numbers = #tpu.dot_dimension_numbers<[1], [0], [0], [1], [0, 0, 1, 1], [], []>, transpose_lhs_hint = false} : vector<512x512xf32>, vector<512x128xf32>, vector<512x128xf32> -> vector<512x128xf32>
    %mul3A = arith.mulf %dot_general3A_67, %convert_element_type3A_32 : vector<512x128xf32>
    %reduce_sum3A_68 = arith.constant dense<0.000000e+00> : vector<512xf32>
    %reduce_sum3A_69 = vector.multi_reduction <add>, %mul3A, %reduce_sum3A_68 [1] : vector<512x128xf32> to vector<512xf32>
    %broadcast_in_dim3A_70 = vector.shape_cast %reduce_sum3A_69 : vector<512xf32> to vector<512x1xf32>
    %mul3A_71 = arith.mulf %dot_general3A_67, %convert_element_type3A_52 : vector<512x128xf32>
    %reduce_sum3A_72 = arith.constant dense<0.000000e+00> : vector<512xf32>
    %reduce_sum3A_73 = vector.multi_reduction <add>, %mul3A_71, %reduce_sum3A_72 [1] : vector<512x128xf32> to vector<512xf32>
    %broadcast_in_dim3A_74 = vector.shape_cast %reduce_sum3A_73 : vector<512xf32> to vector<512x1xf32>
    %eq3A_75 = arith.constant 0 : i32
    %eq3A_76 = vector.broadcast %eq3A_75 : i32 to vector<512x128xi32>
    %eq3A_77 = arith.cmpi eq, %iota3A, %eq3A_76 : vector<512x128xi32>
    %jit3A_78 = arith.constant 0.000000e+00 : f32
    %broadcast_in_dim3A_79 = vector.shape_cast %broadcast_in_dim3A_23 : vector<512x1xf32> to vector<512x1xf32>
    %broadcast_in_dim3A_80 = vector.broadcast %broadcast_in_dim3A_79 : vector<512x1xf32> to vector<512x128xf32>
    %broadcast_in_dim3A_81 = vector.broadcast %jit3A_78 : f32 to vector<512x128xf32>
    %select_n3A_82 = arith.select %eq3A_77, %broadcast_in_dim3A_80, %broadcast_in_dim3A_81 : vector<512x128xi1>, vector<512x128xf32>
    %eq3A_83 = arith.constant 1 : i32
    %eq3A_84 = vector.broadcast %eq3A_83 : i32 to vector<512x128xi32>
    %eq3A_85 = arith.cmpi eq, %iota3A, %eq3A_84 : vector<512x128xi32>
    %jit3A_86 = arith.constant 0.000000e+00 : f32
    %broadcast_in_dim3A_87 = vector.shape_cast %broadcast_in_dim3A_40 : vector<512x1xf32> to vector<512x1xf32>
    %broadcast_in_dim3A_88 = vector.broadcast %broadcast_in_dim3A_87 : vector<512x1xf32> to vector<512x128xf32>
    %broadcast_in_dim3A_89 = vector.broadcast %jit3A_86 : f32 to vector<512x128xf32>
    %select_n3A_90 = arith.select %eq3A_85, %broadcast_in_dim3A_88, %broadcast_in_dim3A_89 : vector<512x128xi1>, vector<512x128xf32>
    %add3A_91 = arith.addf %select_n3A_82, %select_n3A_90 : vector<512x128xf32>
    %eq3A_92 = arith.constant 2 : i32
    %eq3A_93 = vector.broadcast %eq3A_92 : i32 to vector<512x128xi32>
    %eq3A_94 = arith.cmpi eq, %iota3A, %eq3A_93 : vector<512x128xi32>
    %convert_element_type3A_95 = arith.sitofp %broadcast_in_dim3A_29 : vector<512x1xi32> to vector<512x1xf32>
    %jit3A_96 = arith.constant 0.000000e+00 : f32
    %broadcast_in_dim3A_97 = vector.shape_cast %convert_element_type3A_95 : vector<512x1xf32> to vector<512x1xf32>
    %broadcast_in_dim3A_98 = vector.broadcast %broadcast_in_dim3A_97 : vector<512x1xf32> to vector<512x128xf32>
    %broadcast_in_dim3A_99 = vector.broadcast %jit3A_96 : f32 to vector<512x128xf32>
    %select_n3A_100 = arith.select %eq3A_94, %broadcast_in_dim3A_98, %broadcast_in_dim3A_99 : vector<512x128xi1>, vector<512x128xf32>
    %add3A_101 = arith.addf %add3A_91, %select_n3A_100 : vector<512x128xf32>
    %eq3A_102 = arith.constant 3 : i32
    %eq3A_103 = vector.broadcast %eq3A_102 : i32 to vector<512x128xi32>
    %eq3A_104 = arith.cmpi eq, %iota3A, %eq3A_103 : vector<512x128xi32>
    %convert_element_type3A_105 = arith.sitofp %broadcast_in_dim3A_48 : vector<512x1xi32> to vector<512x1xf32>
    %jit3A_106 = arith.constant 0.000000e+00 : f32
    %broadcast_in_dim3A_107 = vector.shape_cast %convert_element_type3A_105 : vector<512x1xf32> to vector<512x1xf32>
    %broadcast_in_dim3A_108 = vector.broadcast %broadcast_in_dim3A_107 : vector<512x1xf32> to vector<512x128xf32>
    %broadcast_in_dim3A_109 = vector.broadcast %jit3A_106 : f32 to vector<512x128xf32>
    %select_n3A_110 = arith.select %eq3A_104, %broadcast_in_dim3A_108, %broadcast_in_dim3A_109 : vector<512x128xi1>, vector<512x128xf32>
    %add3A_111 = arith.addf %add3A_101, %select_n3A_110 : vector<512x128xf32>
    %eq3A_112 = arith.constant 4 : i32
    %eq3A_113 = vector.broadcast %eq3A_112 : i32 to vector<512x128xi32>
    %eq3A_114 = arith.cmpi eq, %iota3A, %eq3A_113 : vector<512x128xi32>
    %jit3A_115 = arith.constant 0.000000e+00 : f32
    %broadcast_in_dim3A_116 = vector.shape_cast %broadcast_in_dim3A_70 : vector<512x1xf32> to vector<512x1xf32>
    %broadcast_in_dim3A_117 = vector.broadcast %broadcast_in_dim3A_116 : vector<512x1xf32> to vector<512x128xf32>
    %broadcast_in_dim3A_118 = vector.broadcast %jit3A_115 : f32 to vector<512x128xf32>
    %select_n3A_119 = arith.select %eq3A_114, %broadcast_in_dim3A_117, %broadcast_in_dim3A_118 : vector<512x128xi1>, vector<512x128xf32>
    %add3A_120 = arith.addf %add3A_111, %select_n3A_119 : vector<512x128xf32>
    %eq3A_121 = arith.constant 5 : i32
    %eq3A_122 = vector.broadcast %eq3A_121 : i32 to vector<512x128xi32>
    %eq3A_123 = arith.cmpi eq, %iota3A, %eq3A_122 : vector<512x128xi32>
    %jit3A_124 = arith.constant 0.000000e+00 : f32
    %broadcast_in_dim3A_125 = vector.shape_cast %broadcast_in_dim3A_74 : vector<512x1xf32> to vector<512x1xf32>
    %broadcast_in_dim3A_126 = vector.broadcast %broadcast_in_dim3A_125 : vector<512x1xf32> to vector<512x128xf32>
    %broadcast_in_dim3A_127 = vector.broadcast %jit3A_124 : f32 to vector<512x128xf32>
    %select_n3A_128 = arith.select %eq3A_123, %broadcast_in_dim3A_126, %broadcast_in_dim3A_127 : vector<512x128xi1>, vector<512x128xf32>
    %add3A_129 = arith.addf %add3A_120, %select_n3A_128 : vector<512x128xf32>
    %swap3A_130 = arith.constant 0 : index
    %swap3A_131 = arith.constant 0 : index
    %swap3A_132 = vector.load %arg4[%swap3A_130, %swap3A_131] : memref<512x128xf32, #tpu.memory_space<vmem>>, vector<512x128xf32>
    tpu.vector_store %arg4[%swap3A_130, %swap3A_131], %add3A_129 {strides = array<i32>} : memref<512x128xf32, #tpu.memory_space<vmem>>, vector<512x128xf32>,
    %broadcast_in_dim3A_133 = vector.shape_cast %broadcast_in_dim3A_23 : vector<512x1xf32> to vector<512x1xf32>
    %broadcast_in_dim3A_134 = vector.broadcast %broadcast_in_dim3A_133 : vector<512x1xf32> to vector<512x128xf32>
    %swap3A_135 = arith.constant 0 : index
    %swap3A_136 = arith.constant 0 : index
    %swap3A_137 = vector.load %arg6[%swap3A_135, %swap3A_136] : memref<512x128xf32, #tpu.memory_space<vmem>>, vector<512x128xf32>
    tpu.vector_store %arg6[%swap3A_135, %swap3A_136], %broadcast_in_dim3A_134 {strides = array<i32>} : memref<512x128xf32, #tpu.memory_space<vmem>>, vector<512x128xf32>,
    %broadcast_in_dim3A_138 = vector.shape_cast %broadcast_in_dim3A_40 : vector<512x1xf32> to vector<512x1xf32>
    %broadcast_in_dim3A_139 = vector.broadcast %broadcast_in_dim3A_138 : vector<512x1xf32> to vector<512x128xf32>
    %swap3A_140 = arith.constant 0 : index
    %swap3A_141 = arith.constant 0 : index
    %swap3A_142 = vector.load %arg7[%swap3A_140, %swap3A_141] : memref<512x128xf32, #tpu.memory_space<vmem>>, vector<512x128xf32>
    tpu.vector_store %arg7[%swap3A_140, %swap3A_141], %broadcast_in_dim3A_139 {strides = array<i32>} : memref<512x128xf32, #tpu.memory_space<vmem>>, vector<512x128xf32>,
    return
  }
  func.func @transform_0(%arg0: i32) -> (i32, i32) {
    %c0_i32 = arith.constant 0 : i32
    %c0_i32_0 = arith.constant 0 : i32
    return %arg0, %c0_i32 : i32, i32
  }
  func.func @transform_1(%arg0: i32) -> (i32, i32) {
    %c0_i32 = arith.constant 0 : i32
    %c0_i32_0 = arith.constant 0 : i32
    %c0_i32_1 = arith.constant 0 : i32
    return %c0_i32, %c0_i32_0 : i32, i32
  }
  func.func @transform_2(%arg0: i32) -> (i32, i32) {
    %c0_i32 = arith.constant 0 : i32
    %c0_i32_0 = arith.constant 0 : i32
    %c0_i32_1 = arith.constant 0 : i32
    return %c0_i32, %c0_i32_0 : i32, i32
  }
  func.func @transform_3(%arg0: i32) -> (i32, i32) {
    %c0_i32 = arith.constant 0 : i32
    %c0_i32_0 = arith.constant 0 : i32
    return %arg0, %c0_i32 : i32, i32
  }
  func.func @transform_4(%arg0: i32) -> (i32, i32, i32) {
    %c0_i32 = arith.constant 0 : i32
    %c0_i32_0 = arith.constant 0 : i32
    %c0_i32_1 = arith.constant 0 : i32
    return %arg0, %c0_i32, %c0_i32_0 : i32, i32, i32
  }
  func.func @transform_5(%arg0: i32) -> (i32, i32) {
    %c0_i32 = arith.constant 0 : i32
    %c0_i32_0 = arith.constant 0 : i32
    return %arg0, %c0_i32 : i32, i32
  }
  func.func @transform_6(%arg0: i32) -> (i32, i32) {
    %c0_i32 = arith.constant 0 : i32
    %c0_i32_0 = arith.constant 0 : i32
    return %arg0, %c0_i32 : i32, i32
  }
}

module attributes {stable_mosaic.version = 14 : i64} {
  func.func @_ffn_body(%arg0: i32, %arg1: memref<16x7xi32, #tpu.memory_space<smem>>, %arg2: memref<512x768xf32, #tpu.memory_space<vmem>>, %arg3: memref<512x128xf32, #tpu.memory_space<vmem>>, %arg4: memref<8x768x768xf32, #tpu.memory_space<hbm>>, %arg5: memref<1x1x768xf32, #tpu.memory_space<vmem>>, %arg6: memref<8x768x768xf32, #tpu.memory_space<hbm>>, %arg7: memref<1x1x768xf32, #tpu.memory_space<vmem>>, %arg8: memref<8x768x768xf32, #tpu.memory_space<hbm>>, %arg9: memref<1x1x768xf32, #tpu.memory_space<vmem>>, %arg10: memref<512x768xf32, #tpu.memory_space<vmem>>, %arg11: memref<2x768x768xf32, #tpu.memory_space<vmem>>, %arg12: memref<2x768x768xf32, #tpu.memory_space<vmem>>, %arg13: memref<2x768x768xf32, #tpu.memory_space<vmem>>, %arg14: memref<2x!tpu.dma_semaphore, #tpu.memory_space<semaphore_mem>>, %arg15: memref<2x!tpu.dma_semaphore, #tpu.memory_space<semaphore_mem>>, %arg16: memref<2x!tpu.dma_semaphore, #tpu.memory_space<semaphore_mem>>) attributes {dimension_semantics = [#tpu.dimension_semantics<arbitrary>], iteration_bounds = array<i64: 16>, scalar_prefetch = 1 : i64, scratch_operands = 6 : i64, tpu.core_type = #tpu.core_type<tc>, window_params = [{transform_indices = @transform_0, window_bounds = array<i64: 512, 768>}, {transform_indices = @transform_1, window_bounds = array<i64: 512, 128>}, {}, {transform_indices = @transform_3, window_bounds = array<i64: 1, 1, 768>}, {}, {transform_indices = @transform_5, window_bounds = array<i64: 1, 1, 768>}, {}, {transform_indices = @transform_7, window_bounds = array<i64: 1, 1, 768>}, {transform_indices = @transform_8, window_bounds = array<i64: 512, 768>}]} {
    %get3A = arith.index_cast %arg0 : i32 to index
    %get3A_0 = arith.constant 0 : index
    %get3A_1 = memref.load %arg1[%get3A, %get3A_0] : memref<16x7xi32, #tpu.memory_space<smem>>
    %get3A_2 = arith.index_cast %arg0 : i32 to index
    %get3A_3 = arith.constant 2 : index
    %get3A_4 = memref.load %arg1[%get3A_2, %get3A_3] : memref<16x7xi32, #tpu.memory_space<smem>>
    %eq3A = arith.constant 0 : i32
    %eq3A_5 = arith.cmpi eq, %arg0, %eq3A : i32
    %convert_element_type3A = arith.extui %eq3A_5 : i1 to i32
    %cond3A = arith.constant 0 : i32
    %cond3A_6 = arith.cmpi ne, %convert_element_type3A, %cond3A : i32
    scf.if %cond3A_6 {
      %dma_start3A = arith.constant 0 : i32
      %dma_start3A_19 = arith.constant 0 : i32
      %dma_start3A_20 = tpu.memref_slice %arg14[%dma_start3A_19] : memref<2x!tpu.dma_semaphore, #tpu.memory_space<semaphore_mem>> -> memref<1x!tpu.dma_semaphore, #tpu.memory_space<semaphore_mem>>
      %dma_start3A_21 = tpu.memref_squeeze %dma_start3A_20 : memref<1x!tpu.dma_semaphore, #tpu.memory_space<semaphore_mem>> -> memref<!tpu.dma_semaphore, #tpu.memory_space<semaphore_mem>>
      %dma_start3A_22 = arith.constant 0 : i32
      %dma_start3A_23 = arith.constant 0 : i32
      %dma_start3A_24 = tpu.memref_slice %arg11[%dma_start3A, %dma_start3A_22, %dma_start3A_23] : memref<2x768x768xf32, #tpu.memory_space<vmem>> -> memref<1x768x768xf32, #tpu.memory_space<vmem>>
      %dma_start3A_25 = tpu.memref_squeeze %dma_start3A_24 : memref<1x768x768xf32, #tpu.memory_space<vmem>> -> memref<768x768xf32, #tpu.memory_space<vmem>>
      %dma_start3A_26 = arith.constant 0 : i32
      %dma_start3A_27 = arith.constant 0 : i32
      %dma_start3A_28 = tpu.memref_slice %arg4[%get3A_1, %dma_start3A_26, %dma_start3A_27] : memref<8x768x768xf32, #tpu.memory_space<hbm>> -> memref<1x768x768xf32, #tpu.memory_space<hbm>>
      %dma_start3A_29 = tpu.memref_squeeze %dma_start3A_28 : memref<1x768x768xf32, #tpu.memory_space<hbm>> -> memref<768x768xf32, #tpu.memory_space<hbm>>
      tpu.enqueue_dma source(%dma_start3A_29 : memref<768x768xf32, #tpu.memory_space<hbm>>) target(%dma_start3A_25 : memref<768x768xf32, #tpu.memory_space<vmem>>) target_semaphore(%dma_start3A_21 : memref<!tpu.dma_semaphore, #tpu.memory_space<semaphore_mem>>)
      %dma_start3A_30 = arith.constant 0 : i32
      %dma_start3A_31 = arith.constant 0 : i32
      %dma_start3A_32 = tpu.memref_slice %arg15[%dma_start3A_31] : memref<2x!tpu.dma_semaphore, #tpu.memory_space<semaphore_mem>> -> memref<1x!tpu.dma_semaphore, #tpu.memory_space<semaphore_mem>>
      %dma_start3A_33 = tpu.memref_squeeze %dma_start3A_32 : memref<1x!tpu.dma_semaphore, #tpu.memory_space<semaphore_mem>> -> memref<!tpu.dma_semaphore, #tpu.memory_space<semaphore_mem>>
      %dma_start3A_34 = arith.constant 0 : i32
      %dma_start3A_35 = arith.constant 0 : i32
      %dma_start3A_36 = tpu.memref_slice %arg12[%dma_start3A_30, %dma_start3A_34, %dma_start3A_35] : memref<2x768x768xf32, #tpu.memory_space<vmem>> -> memref<1x768x768xf32, #tpu.memory_space<vmem>>
      %dma_start3A_37 = tpu.memref_squeeze %dma_start3A_36 : memref<1x768x768xf32, #tpu.memory_space<vmem>> -> memref<768x768xf32, #tpu.memory_space<vmem>>
      %dma_start3A_38 = arith.constant 0 : i32
      %dma_start3A_39 = arith.constant 0 : i32
      %dma_start3A_40 = tpu.memref_slice %arg6[%get3A_1, %dma_start3A_38, %dma_start3A_39] : memref<8x768x768xf32, #tpu.memory_space<hbm>> -> memref<1x768x768xf32, #tpu.memory_space<hbm>>
      %dma_start3A_41 = tpu.memref_squeeze %dma_start3A_40 : memref<1x768x768xf32, #tpu.memory_space<hbm>> -> memref<768x768xf32, #tpu.memory_space<hbm>>
      tpu.enqueue_dma source(%dma_start3A_41 : memref<768x768xf32, #tpu.memory_space<hbm>>) target(%dma_start3A_37 : memref<768x768xf32, #tpu.memory_space<vmem>>) target_semaphore(%dma_start3A_33 : memref<!tpu.dma_semaphore, #tpu.memory_space<semaphore_mem>>)
      %dma_start3A_42 = arith.constant 0 : i32
      %dma_start3A_43 = arith.constant 0 : i32
      %dma_start3A_44 = tpu.memref_slice %arg16[%dma_start3A_43] : memref<2x!tpu.dma_semaphore, #tpu.memory_space<semaphore_mem>> -> memref<1x!tpu.dma_semaphore, #tpu.memory_space<semaphore_mem>>
      %dma_start3A_45 = tpu.memref_squeeze %dma_start3A_44 : memref<1x!tpu.dma_semaphore, #tpu.memory_space<semaphore_mem>> -> memref<!tpu.dma_semaphore, #tpu.memory_space<semaphore_mem>>
      %dma_start3A_46 = arith.constant 0 : i32
      %dma_start3A_47 = arith.constant 0 : i32
      %dma_start3A_48 = tpu.memref_slice %arg13[%dma_start3A_42, %dma_start3A_46, %dma_start3A_47] : memref<2x768x768xf32, #tpu.memory_space<vmem>> -> memref<1x768x768xf32, #tpu.memory_space<vmem>>
      %dma_start3A_49 = tpu.memref_squeeze %dma_start3A_48 : memref<1x768x768xf32, #tpu.memory_space<vmem>> -> memref<768x768xf32, #tpu.memory_space<vmem>>
      %dma_start3A_50 = arith.constant 0 : i32
      %dma_start3A_51 = arith.constant 0 : i32
      %dma_start3A_52 = tpu.memref_slice %arg8[%get3A_1, %dma_start3A_50, %dma_start3A_51] : memref<8x768x768xf32, #tpu.memory_space<hbm>> -> memref<1x768x768xf32, #tpu.memory_space<hbm>>
      %dma_start3A_53 = tpu.memref_squeeze %dma_start3A_52 : memref<1x768x768xf32, #tpu.memory_space<hbm>> -> memref<768x768xf32, #tpu.memory_space<hbm>>
      tpu.enqueue_dma source(%dma_start3A_53 : memref<768x768xf32, #tpu.memory_space<hbm>>) target(%dma_start3A_49 : memref<768x768xf32, #tpu.memory_space<vmem>>) target_semaphore(%dma_start3A_45 : memref<!tpu.dma_semaphore, #tpu.memory_space<semaphore_mem>>)
    } else {
    }
    %get3A_7 = arith.index_cast %arg0 : i32 to index
    %get3A_8 = arith.constant 1 : index
    %get3A_9 = memref.load %arg1[%get3A_7, %get3A_8] : memref<16x7xi32, #tpu.memory_space<smem>>
    %eq3A_10 = arith.constant 1 : i32
    %eq3A_11 = arith.cmpi eq, %get3A_9, %eq3A_10 : i32
    %convert_element_type3A_12 = arith.extui %eq3A_11 : i1 to i32
    %cond3A_13 = arith.constant 0 : i32
    %cond3A_14 = arith.cmpi ne, %convert_element_type3A_12, %cond3A_13 : i32
    scf.if %cond3A_14 {
      %dma_wait3A = tpu.memref_slice %arg14[%get3A_4] : memref<2x!tpu.dma_semaphore, #tpu.memory_space<semaphore_mem>> -> memref<1x!tpu.dma_semaphore, #tpu.memory_space<semaphore_mem>>
      %dma_wait3A_19 = tpu.memref_squeeze %dma_wait3A : memref<1x!tpu.dma_semaphore, #tpu.memory_space<semaphore_mem>> -> memref<!tpu.dma_semaphore, #tpu.memory_space<semaphore_mem>>
      %dma_wait3A_20 = arith.constant 0 : i32
      %dma_wait3A_21 = arith.constant 0 : i32
      %dma_wait3A_22 = tpu.memref_slice %arg11[%get3A_4, %dma_wait3A_20, %dma_wait3A_21] : memref<2x768x768xf32, #tpu.memory_space<vmem>> -> memref<1x768x768xf32, #tpu.memory_space<vmem>>
      %dma_wait3A_23 = tpu.memref_squeeze %dma_wait3A_22 : memref<1x768x768xf32, #tpu.memory_space<vmem>> -> memref<768x768xf32, #tpu.memory_space<vmem>>
      %dma_wait3A_24 = arith.constant 0 : i32
      %dma_wait3A_25 = arith.constant 0 : i32
      %dma_wait3A_26 = tpu.memref_slice %arg4[%get3A_1, %dma_wait3A_24, %dma_wait3A_25] : memref<8x768x768xf32, #tpu.memory_space<hbm>> -> memref<1x768x768xf32, #tpu.memory_space<hbm>>
      %dma_wait3A_27 = tpu.memref_squeeze %dma_wait3A_26 : memref<1x768x768xf32, #tpu.memory_space<hbm>> -> memref<768x768xf32, #tpu.memory_space<hbm>>
      tpu.wait_dma2 semaphore(%dma_wait3A_19 : memref<!tpu.dma_semaphore, #tpu.memory_space<semaphore_mem>>) src(%dma_wait3A_27 : memref<768x768xf32, #tpu.memory_space<hbm>>) dst(%dma_wait3A_23 : memref<768x768xf32, #tpu.memory_space<vmem>>)
      %dma_wait3A_28 = tpu.memref_slice %arg15[%get3A_4] : memref<2x!tpu.dma_semaphore, #tpu.memory_space<semaphore_mem>> -> memref<1x!tpu.dma_semaphore, #tpu.memory_space<semaphore_mem>>
      %dma_wait3A_29 = tpu.memref_squeeze %dma_wait3A_28 : memref<1x!tpu.dma_semaphore, #tpu.memory_space<semaphore_mem>> -> memref<!tpu.dma_semaphore, #tpu.memory_space<semaphore_mem>>
      %dma_wait3A_30 = arith.constant 0 : i32
      %dma_wait3A_31 = arith.constant 0 : i32
      %dma_wait3A_32 = tpu.memref_slice %arg12[%get3A_4, %dma_wait3A_30, %dma_wait3A_31] : memref<2x768x768xf32, #tpu.memory_space<vmem>> -> memref<1x768x768xf32, #tpu.memory_space<vmem>>
      %dma_wait3A_33 = tpu.memref_squeeze %dma_wait3A_32 : memref<1x768x768xf32, #tpu.memory_space<vmem>> -> memref<768x768xf32, #tpu.memory_space<vmem>>
      %dma_wait3A_34 = arith.constant 0 : i32
      %dma_wait3A_35 = arith.constant 0 : i32
      %dma_wait3A_36 = tpu.memref_slice %arg6[%get3A_1, %dma_wait3A_34, %dma_wait3A_35] : memref<8x768x768xf32, #tpu.memory_space<hbm>> -> memref<1x768x768xf32, #tpu.memory_space<hbm>>
      %dma_wait3A_37 = tpu.memref_squeeze %dma_wait3A_36 : memref<1x768x768xf32, #tpu.memory_space<hbm>> -> memref<768x768xf32, #tpu.memory_space<hbm>>
      tpu.wait_dma2 semaphore(%dma_wait3A_29 : memref<!tpu.dma_semaphore, #tpu.memory_space<semaphore_mem>>) src(%dma_wait3A_37 : memref<768x768xf32, #tpu.memory_space<hbm>>) dst(%dma_wait3A_33 : memref<768x768xf32, #tpu.memory_space<vmem>>)
      %dma_wait3A_38 = tpu.memref_slice %arg16[%get3A_4] : memref<2x!tpu.dma_semaphore, #tpu.memory_space<semaphore_mem>> -> memref<1x!tpu.dma_semaphore, #tpu.memory_space<semaphore_mem>>
      %dma_wait3A_39 = tpu.memref_squeeze %dma_wait3A_38 : memref<1x!tpu.dma_semaphore, #tpu.memory_space<semaphore_mem>> -> memref<!tpu.dma_semaphore, #tpu.memory_space<semaphore_mem>>
      %dma_wait3A_40 = arith.constant 0 : i32
      %dma_wait3A_41 = arith.constant 0 : i32
      %dma_wait3A_42 = tpu.memref_slice %arg13[%get3A_4, %dma_wait3A_40, %dma_wait3A_41] : memref<2x768x768xf32, #tpu.memory_space<vmem>> -> memref<1x768x768xf32, #tpu.memory_space<vmem>>
      %dma_wait3A_43 = tpu.memref_squeeze %dma_wait3A_42 : memref<1x768x768xf32, #tpu.memory_space<vmem>> -> memref<768x768xf32, #tpu.memory_space<vmem>>
      %dma_wait3A_44 = arith.constant 0 : i32
      %dma_wait3A_45 = arith.constant 0 : i32
      %dma_wait3A_46 = tpu.memref_slice %arg8[%get3A_1, %dma_wait3A_44, %dma_wait3A_45] : memref<8x768x768xf32, #tpu.memory_space<hbm>> -> memref<1x768x768xf32, #tpu.memory_space<hbm>>
      %dma_wait3A_47 = tpu.memref_squeeze %dma_wait3A_46 : memref<1x768x768xf32, #tpu.memory_space<hbm>> -> memref<768x768xf32, #tpu.memory_space<hbm>>
      tpu.wait_dma2 semaphore(%dma_wait3A_39 : memref<!tpu.dma_semaphore, #tpu.memory_space<semaphore_mem>>) src(%dma_wait3A_47 : memref<768x768xf32, #tpu.memory_space<hbm>>) dst(%dma_wait3A_43 : memref<768x768xf32, #tpu.memory_space<vmem>>)
      %get3A_48 = arith.index_cast %arg0 : i32 to index
      %get3A_49 = arith.constant 3 : index
      %get3A_50 = memref.load %arg1[%get3A_48, %get3A_49] : memref<16x7xi32, #tpu.memory_space<smem>>
      %eq3A_51 = arith.constant 1 : i32
      %eq3A_52 = arith.cmpi eq, %get3A_50, %eq3A_51 : i32
      %convert_element_type3A_53 = arith.extui %eq3A_52 : i1 to i32
      %cond3A_54 = arith.constant 0 : i32
      %cond3A_55 = arith.cmpi ne, %convert_element_type3A_53, %cond3A_54 : i32
      scf.if %cond3A_55 {
        %get3A_56 = arith.index_cast %arg0 : i32 to index
        %get3A_57 = arith.constant 4 : index
        %get3A_58 = memref.load %arg1[%get3A_56, %get3A_57] : memref<16x7xi32, #tpu.memory_space<smem>>
        %sub3A = arith.constant 1 : i32
        %sub3A_59 = arith.subi %sub3A, %get3A_4 : i32
        %dma_start3A = tpu.memref_slice %arg14[%sub3A_59] : memref<2x!tpu.dma_semaphore, #tpu.memory_space<semaphore_mem>> -> memref<1x!tpu.dma_semaphore, #tpu.memory_space<semaphore_mem>>
        %dma_start3A_60 = tpu.memref_squeeze %dma_start3A : memref<1x!tpu.dma_semaphore, #tpu.memory_space<semaphore_mem>> -> memref<!tpu.dma_semaphore, #tpu.memory_space<semaphore_mem>>
        %dma_start3A_61 = arith.constant 0 : i32
        %dma_start3A_62 = arith.constant 0 : i32
        %dma_start3A_63 = tpu.memref_slice %arg11[%sub3A_59, %dma_start3A_61, %dma_start3A_62] : memref<2x768x768xf32, #tpu.memory_space<vmem>> -> memref<1x768x768xf32, #tpu.memory_space<vmem>>
        %dma_start3A_64 = tpu.memref_squeeze %dma_start3A_63 : memref<1x768x768xf32, #tpu.memory_space<vmem>> -> memref<768x768xf32, #tpu.memory_space<vmem>>
        %dma_start3A_65 = arith.constant 0 : i32
        %dma_start3A_66 = arith.constant 0 : i32
        %dma_start3A_67 = tpu.memref_slice %arg4[%get3A_58, %dma_start3A_65, %dma_start3A_66] : memref<8x768x768xf32, #tpu.memory_space<hbm>> -> memref<1x768x768xf32, #tpu.memory_space<hbm>>
        %dma_start3A_68 = tpu.memref_squeeze %dma_start3A_67 : memref<1x768x768xf32, #tpu.memory_space<hbm>> -> memref<768x768xf32, #tpu.memory_space<hbm>>
        tpu.enqueue_dma source(%dma_start3A_68 : memref<768x768xf32, #tpu.memory_space<hbm>>) target(%dma_start3A_64 : memref<768x768xf32, #tpu.memory_space<vmem>>) target_semaphore(%dma_start3A_60 : memref<!tpu.dma_semaphore, #tpu.memory_space<semaphore_mem>>)
        %dma_start3A_69 = tpu.memref_slice %arg15[%sub3A_59] : memref<2x!tpu.dma_semaphore, #tpu.memory_space<semaphore_mem>> -> memref<1x!tpu.dma_semaphore, #tpu.memory_space<semaphore_mem>>
        %dma_start3A_70 = tpu.memref_squeeze %dma_start3A_69 : memref<1x!tpu.dma_semaphore, #tpu.memory_space<semaphore_mem>> -> memref<!tpu.dma_semaphore, #tpu.memory_space<semaphore_mem>>
        %dma_start3A_71 = arith.constant 0 : i32
        %dma_start3A_72 = arith.constant 0 : i32
        %dma_start3A_73 = tpu.memref_slice %arg12[%sub3A_59, %dma_start3A_71, %dma_start3A_72] : memref<2x768x768xf32, #tpu.memory_space<vmem>> -> memref<1x768x768xf32, #tpu.memory_space<vmem>>
        %dma_start3A_74 = tpu.memref_squeeze %dma_start3A_73 : memref<1x768x768xf32, #tpu.memory_space<vmem>> -> memref<768x768xf32, #tpu.memory_space<vmem>>
        %dma_start3A_75 = arith.constant 0 : i32
        %dma_start3A_76 = arith.constant 0 : i32
        %dma_start3A_77 = tpu.memref_slice %arg6[%get3A_58, %dma_start3A_75, %dma_start3A_76] : memref<8x768x768xf32, #tpu.memory_space<hbm>> -> memref<1x768x768xf32, #tpu.memory_space<hbm>>
        %dma_start3A_78 = tpu.memref_squeeze %dma_start3A_77 : memref<1x768x768xf32, #tpu.memory_space<hbm>> -> memref<768x768xf32, #tpu.memory_space<hbm>>
        tpu.enqueue_dma source(%dma_start3A_78 : memref<768x768xf32, #tpu.memory_space<hbm>>) target(%dma_start3A_74 : memref<768x768xf32, #tpu.memory_space<vmem>>) target_semaphore(%dma_start3A_70 : memref<!tpu.dma_semaphore, #tpu.memory_space<semaphore_mem>>)
        %dma_start3A_79 = tpu.memref_slice %arg16[%sub3A_59] : memref<2x!tpu.dma_semaphore, #tpu.memory_space<semaphore_mem>> -> memref<1x!tpu.dma_semaphore, #tpu.memory_space<semaphore_mem>>
        %dma_start3A_80 = tpu.memref_squeeze %dma_start3A_79 : memref<1x!tpu.dma_semaphore, #tpu.memory_space<semaphore_mem>> -> memref<!tpu.dma_semaphore, #tpu.memory_space<semaphore_mem>>
        %dma_start3A_81 = arith.constant 0 : i32
        %dma_start3A_82 = arith.constant 0 : i32
        %dma_start3A_83 = tpu.memref_slice %arg13[%sub3A_59, %dma_start3A_81, %dma_start3A_82] : memref<2x768x768xf32, #tpu.memory_space<vmem>> -> memref<1x768x768xf32, #tpu.memory_space<vmem>>
        %dma_start3A_84 = tpu.memref_squeeze %dma_start3A_83 : memref<1x768x768xf32, #tpu.memory_space<vmem>> -> memref<768x768xf32, #tpu.memory_space<vmem>>
        %dma_start3A_85 = arith.constant 0 : i32
        %dma_start3A_86 = arith.constant 0 : i32
        %dma_start3A_87 = tpu.memref_slice %arg8[%get3A_58, %dma_start3A_85, %dma_start3A_86] : memref<8x768x768xf32, #tpu.memory_space<hbm>> -> memref<1x768x768xf32, #tpu.memory_space<hbm>>
        %dma_start3A_88 = tpu.memref_squeeze %dma_start3A_87 : memref<1x768x768xf32, #tpu.memory_space<hbm>> -> memref<768x768xf32, #tpu.memory_space<hbm>>
        tpu.enqueue_dma source(%dma_start3A_88 : memref<768x768xf32, #tpu.memory_space<hbm>>) target(%dma_start3A_84 : memref<768x768xf32, #tpu.memory_space<vmem>>) target_semaphore(%dma_start3A_80 : memref<!tpu.dma_semaphore, #tpu.memory_space<semaphore_mem>>)
      } else {
      }
    } else {
    }
    %lt3A = arith.constant 8 : i32
    %lt3A_15 = arith.cmpi slt, %get3A_1, %lt3A : i32
    %convert_element_type3A_16 = arith.extui %lt3A_15 : i1 to i32
    %cond3A_17 = arith.constant 0 : i32
    %cond3A_18 = arith.cmpi ne, %convert_element_type3A_16, %cond3A_17 : i32
    scf.if %cond3A_18 {
      %get3A_19 = arith.constant 0 : index
      %get3A_20 = arith.constant 0 : index
      %get3A_21 = vector.load %arg2[%get3A_19, %get3A_20] : memref<512x768xf32, #tpu.memory_space<vmem>>, vector<512x768xf32>
      %get3A_22 = arith.index_cast %get3A_4 : i32 to index
      %get3A_23 = arith.constant 0 : index
      %get3A_24 = arith.constant 0 : index
      %get3A_25 = vector.load %arg11[%get3A_22, %get3A_23, %get3A_24] : memref<2x768x768xf32, #tpu.memory_space<vmem>>, vector<1x768x768xf32>
      %get3A_26 = vector.shape_cast %get3A_25 : vector<1x768x768xf32> to vector<768x768xf32>
      %dot_general3A = arith.constant dense<0.000000e+00> : vector<512x768xf32>
      %dot_general3A_27 = tpu.matmul %get3A_21, %get3A_26, %dot_general3A {dimension_numbers = #tpu.dot_dimension_numbers<[1], [1], [0], [0], [0, 0, 1, 0], [], []>, transpose_lhs_hint = false} : vector<512x768xf32>, vector<768x768xf32>, vector<512x768xf32> -> vector<512x768xf32>
      %get3A_28 = arith.constant 0 : index
      %get3A_29 = arith.constant 0 : index
      %get3A_30 = arith.constant 0 : index
      %get3A_31 = vector.load %arg5[%get3A_28, %get3A_29, %get3A_30] : memref<1x1x768xf32, #tpu.memory_space<vmem>>, vector<1x1x768xf32>
      %get3A_32 = vector.shape_cast %get3A_31 : vector<1x1x768xf32> to vector<1x768xf32>
      %add3A = vector.broadcast %get3A_32 : vector<1x768xf32> to vector<512x768xf32>
      %add3A_33 = arith.addf %dot_general3A_27, %add3A : vector<512x768xf32>
      %get3A_34 = arith.index_cast %get3A_4 : i32 to index
      %get3A_35 = arith.constant 0 : index
      %get3A_36 = arith.constant 0 : index
      %get3A_37 = vector.load %arg12[%get3A_34, %get3A_35, %get3A_36] : memref<2x768x768xf32, #tpu.memory_space<vmem>>, vector<1x768x768xf32>
      %get3A_38 = vector.shape_cast %get3A_37 : vector<1x768x768xf32> to vector<768x768xf32>
      %dot_general3A_39 = arith.constant dense<0.000000e+00> : vector<512x768xf32>
      %dot_general3A_40 = tpu.matmul %add3A_33, %get3A_38, %dot_general3A_39 {dimension_numbers = #tpu.dot_dimension_numbers<[1], [1], [0], [0], [0, 0, 1, 0], [], []>, transpose_lhs_hint = false} : vector<512x768xf32>, vector<768x768xf32>, vector<512x768xf32> -> vector<512x768xf32>
      %get3A_41 = arith.constant 0 : index
      %get3A_42 = arith.constant 0 : index
      %get3A_43 = arith.constant 0 : index
      %get3A_44 = vector.load %arg7[%get3A_41, %get3A_42, %get3A_43] : memref<1x1x768xf32, #tpu.memory_space<vmem>>, vector<1x1x768xf32>
      %get3A_45 = vector.shape_cast %get3A_44 : vector<1x1x768xf32> to vector<1x768xf32>
      %add3A_46 = vector.broadcast %get3A_45 : vector<1x768xf32> to vector<512x768xf32>
      %add3A_47 = arith.addf %dot_general3A_40, %add3A_46 : vector<512x768xf32>
      %max3A = arith.constant 0.000000e+00 : f32
      %max3A_48 = vector.broadcast %max3A : f32 to vector<512x768xf32>
      %max3A_49 = arith.maximumf %add3A_47, %max3A_48 : vector<512x768xf32>
      %get3A_50 = arith.index_cast %get3A_4 : i32 to index
      %get3A_51 = arith.constant 0 : index
      %get3A_52 = arith.constant 0 : index
      %get3A_53 = vector.load %arg13[%get3A_50, %get3A_51, %get3A_52] : memref<2x768x768xf32, #tpu.memory_space<vmem>>, vector<1x768x768xf32>
      %get3A_54 = vector.shape_cast %get3A_53 : vector<1x768x768xf32> to vector<768x768xf32>
      %dot_general3A_55 = arith.constant dense<0.000000e+00> : vector<512x768xf32>
      %dot_general3A_56 = tpu.matmul %max3A_49, %get3A_54, %dot_general3A_55 {dimension_numbers = #tpu.dot_dimension_numbers<[1], [1], [0], [0], [0, 0, 1, 0], [], []>, transpose_lhs_hint = false} : vector<512x768xf32>, vector<768x768xf32>, vector<512x768xf32> -> vector<512x768xf32>
      %get3A_57 = arith.constant 0 : index
      %get3A_58 = arith.constant 0 : index
      %get3A_59 = arith.constant 0 : index
      %get3A_60 = vector.load %arg9[%get3A_57, %get3A_58, %get3A_59] : memref<1x1x768xf32, #tpu.memory_space<vmem>>, vector<1x1x768xf32>
      %get3A_61 = vector.shape_cast %get3A_60 : vector<1x1x768xf32> to vector<1x768xf32>
      %add3A_62 = vector.broadcast %get3A_61 : vector<1x768xf32> to vector<512x768xf32>
      %add3A_63 = arith.addf %dot_general3A_56, %add3A_62 : vector<512x768xf32>
      %get3A_64 = arith.constant 0 : index
      %get3A_65 = arith.constant 0 : index
      %get3A_66 = vector.load %arg3[%get3A_64, %get3A_65] : memref<512x128xf32, #tpu.memory_space<vmem>>, vector<512x1xf32>
      %mul3A = vector.broadcast %get3A_66 : vector<512x1xf32> to vector<512x768xf32>
      %mul3A_67 = arith.mulf %add3A_63, %mul3A : vector<512x768xf32>
      %swap3A = arith.constant 0 : index
      %swap3A_68 = arith.constant 0 : index
      %swap3A_69 = vector.load %arg10[%swap3A, %swap3A_68] : memref<512x768xf32, #tpu.memory_space<vmem>>, vector<512x768xf32>
      tpu.vector_store %arg10[%swap3A, %swap3A_68], %mul3A_67 {strides = array<i32>} : memref<512x768xf32, #tpu.memory_space<vmem>>, vector<512x768xf32>,
    } else {
    }
    return
  }
  func.func @transform_0(%arg0: i32, %arg1: memref<16x7xi32, #tpu.memory_space<smem>>) -> (i32, i32) {
    %c0_i32 = arith.constant 0 : i32
    %c0_i32_0 = arith.constant 0 : i32
    return %arg0, %c0_i32 : i32, i32
  }
  func.func @transform_1(%arg0: i32, %arg1: memref<16x7xi32, #tpu.memory_space<smem>>) -> (i32, i32) {
    %c0_i32 = arith.constant 0 : i32
    %c0_i32_0 = arith.constant 0 : i32
    return %arg0, %c0_i32 : i32, i32
  }
  func.func @transform_3(%arg0: i32, %arg1: memref<16x7xi32, #tpu.memory_space<smem>>) -> (i32, i32, i32) {
    %get3A = arith.index_cast %arg0 : i32 to index
    %get3A_0 = arith.constant 0 : index
    %get3A_1 = memref.load %arg1[%get3A, %get3A_0] : memref<16x7xi32, #tpu.memory_space<smem>>
    %min3A = arith.constant 7 : i32
    %min3A_2 = arith.minsi %get3A_1, %min3A : i32
    %c0_i32 = arith.constant 0 : i32
    %c0_i32_3 = arith.constant 0 : i32
    %c0_i32_4 = arith.constant 0 : i32
    return %min3A_2, %c0_i32, %c0_i32_3 : i32, i32, i32
  }
  func.func @transform_5(%arg0: i32, %arg1: memref<16x7xi32, #tpu.memory_space<smem>>) -> (i32, i32, i32) {
    %get3A = arith.index_cast %arg0 : i32 to index
    %get3A_0 = arith.constant 0 : index
    %get3A_1 = memref.load %arg1[%get3A, %get3A_0] : memref<16x7xi32, #tpu.memory_space<smem>>
    %min3A = arith.constant 7 : i32
    %min3A_2 = arith.minsi %get3A_1, %min3A : i32
    %c0_i32 = arith.constant 0 : i32
    %c0_i32_3 = arith.constant 0 : i32
    %c0_i32_4 = arith.constant 0 : i32
    return %min3A_2, %c0_i32, %c0_i32_3 : i32, i32, i32
  }
  func.func @transform_7(%arg0: i32, %arg1: memref<16x7xi32, #tpu.memory_space<smem>>) -> (i32, i32, i32) {
    %get3A = arith.index_cast %arg0 : i32 to index
    %get3A_0 = arith.constant 0 : index
    %get3A_1 = memref.load %arg1[%get3A, %get3A_0] : memref<16x7xi32, #tpu.memory_space<smem>>
    %min3A = arith.constant 7 : i32
    %min3A_2 = arith.minsi %get3A_1, %min3A : i32
    %c0_i32 = arith.constant 0 : i32
    %c0_i32_3 = arith.constant 0 : i32
    %c0_i32_4 = arith.constant 0 : i32
    return %min3A_2, %c0_i32, %c0_i32_3 : i32, i32, i32
  }
  func.func @transform_8(%arg0: i32, %arg1: memref<16x7xi32, #tpu.memory_space<smem>>) -> (i32, i32) {
    %c0_i32 = arith.constant 0 : i32
    %c0_i32_0 = arith.constant 0 : i32
    return %arg0, %c0_i32 : i32, i32
  }
}

</mosaic_0001>

<sc_bundles>
// kernel: kernel.6.cloned.1.call-start
scs
__scs_entry_jumppad:
0x0: {  	(pc) =	sbr.rel $0x88, $3  }
0x1: {  	(tag) =	ssettag $0x0;
	lr =	simm.s32 $0x1  }
0x2: {  	[smem:$0x3F98] =	sst lr;
	_ =	strace $0xD0000000  }
0x3: {  	_ = 	snop  }
0x4: {  	_ = 	snop  }
0x5: {  	_ = 	snop  }
0x6: {  	_ = 	snop  }
0x7: {  	_ = 	snop  }
__scs_overlays_trampoline_lowered:
0x8: {  	[smem:$0x3FA7] =	sst s0  }
0x9: {  	[smem:$0x3FA8] =	sst s1  }
0xa: {  	[smem:$0x3FA9] =	sst s2  }
0xb: {  	[smem:$0x3FAA] =	sst s3  }
0xc: {  	[smem:$0x3FAB] =	sst s4  }
0xd: {  	[smem:$0x3FAC] =	sst s5  }
0xe: {  	[smem:$0x3FAD] =	sst s6  }
0xf: {  	[smem:$0x3FAE] =	sst s7  }
0x10: {  	[smem:$0x3FAF] =	sst s8  }
0x11: {  	[smem:$0x3FB0] =	sst s9;
	s0 =	simm.s32 @!p0 $0x0  }
0x12: {  	s1 =	sld [smem:$0x3F96];
	s0 =	simm.s32 @p0 $0x1  }
0x13: {  	[smem:$0x3FB1] =	sst s0;
	s0 =	simm.s32 @!p1 $0x0  }
0x14: {  	s2 =	sld [smem:$0x3F95];
	s0 =	simm.s32 @p1 $0x1  }
0x15: {  	[smem:$0x3FB2] =	sst s0;
	s0 =	simm.s32 @!p2 $0x0  }
0x16: {  	s3 =	sld [smem:$0x3FDB];
	s0 =	simm.s32 @p2 $0x1  }
0x17: {  	s4 =	simm.s32 $0x1BF5;
	[smem:$0x3FB4] =	sst s0  }
0x18: {  	s0 =	sld [smem:$0x3F97];
	_ =	swait.ge [sflag:s4], $0x0  }
0x19: {  	s7 =	sld [smem:$0x3F98]  }
0x1a: {  	s8 =	sadd.s32 $0xFFFFE003, lr  }
0x1b: {  	s9 =	sadd.s32 $0xFFFFFEF7, lr;
	s5 =	simm.s32 $0xFFFFFFFF;
	p2 =	slt.u32 s8, $0xFFFFF086  }
0x1c: {  	p1 =	slt.u32 s9, $0xF7A;
	s5 =	simm.s32 @!p2 $0x0  }
0x1d: {  	s5 =	simm.s32 @p1 $0x1;
	p0 =	seq.s32 s7, s2  }
0x1e: {  	s7 =	smul.u32 @!p0 $0xF7A, s2;
	p2 =	seq.s32 @!p0 s5, $0x0  }
0x1f: {  	s9 =	smul.u32 $0xF7A, s1;
	s8 =	simm.s32 @!p0 $0x1BF5;
	p2 =	por !p2, p0  }
0x20: {  	[sflag:s8] =	ssyncset.s32 @!p0 $0xFFFFF086;
	s6 =	sadd.s32 @!p0 s3, s7;
	s7 =	simm.s32 @!p0 $0x108  }
0x21: {  	s3 =	sadd.s32 s3, s9;
	s6 =	sadd.s32 @!p0 $0x88, s6;
	s7 =	simm.s32 @p2 $0x1082  }
0x22: {  	[simem:s7], [sflag:s8] =	dma.local @!p0 [hbm:s6], $0xF7A  }
0x23: {  	s9 =	sor.u32 $0xD0000000, s2;
	s6 =	simm.s32 $0x108;
	_ =	swait.ge @!p0 [sflag:s8], $0x0  }
0x24: {  	s3 =	sadd.s32 $0x88, s3;
	s6 =	simm.s32 @!p1 $0x1082;
	[sflag:s4] =	ssyncset.s32 $0xFFFFF086  }
0x25: {  	[simem:s6], [sflag:s4] =	dma.local [hbm:s3], $0xF7A  }
0x26: {  	[smem:$0x3F98] =	sst s1;
	(tag) =	ssettag s2;
	_ =	strace s9  }
0x27: {  	s1 =	sld [smem:$0x3FA8]  }
0x28: {  	s2 =	sld [smem:$0x3FA9]  }
0x29: {  	s4 =	sld [smem:$0x3FAB]  }
0x2a: {  	p0 =	seq.s32 s5, $0x0;
	s5 =	sld [smem:$0x3FAC]  }
0x2b: {  	s6 =	sld [smem:$0x3FAD]  }
0x2c: {  	s7 =	sld [smem:$0x3FAE]  }
0x2d: {  	s3 =	simm.s32 $0x108;
	s8 =	sld [smem:$0x3FAF]  }
0x2e: {  	s3 =	simm.s32 @!p0 $0x1082;
	s9 =	sld [smem:$0x3FB0]  }
0x2f: {  	lr =	sadd.s32 s0, s3;
	s0 =	sld [smem:$0x3FA7]  }
0x30: {  	s3 =	sld [smem:$0x3FAA]  }
0x31: {  	[smem:$0x3FB3] =	sst s10  }
0x32: {  	s10 =	sld [smem:$0x3FB1];
	_ =	sdelay $0x3  }
0x33: {  	p0 =	seq.s32 s10, $0x1;
	s10 =	sld [smem:$0x3FB3];
	_ =	sdelay $0x3  }
0x34: {  	[smem:$0x3FB3] =	sst s10  }
0x35: {  	s10 =	sld [smem:$0x3FB2];
	_ =	sdelay $0x3  }
0x36: {  	p1 =	seq.s32 s10, $0x1;
	s10 =	sld [smem:$0x3FB3];
	_ =	sdelay $0x3  }
0x37: {  	[smem:$0x3FB3] =	sst s10  }
0x38: {  	s10 =	sld [smem:$0x3FB4]  }
0x39: {  	_ = 	snop;
	(pc) =	sbr.ind lr, $3  }
0x3a: {  	_ = 	snop  }
0x3b: {  	_ = 	snop  }
0x3c: {  	p2 =	seq.s32 s10, $0x1;
	s10 =	sld [smem:$0x3FB3]  }
0x3d: {  	_ =	shalt  }
0x3e: {  	_ =	shalt  }
0x3f: {  	_ =	shalt  }
0x40: {  	_ =	shalt  }
0x41: {  	_ =	shalt  }
0x42: {  	_ =	shalt  }
0x43: {  	_ =	shalt  }
0x44: {  	_ =	shalt  }
0x45: {  	_ =	shalt  }
0x46: {  	_ =	shalt  }
0x47: {  	_ =	shalt  }
0x48: {  	_ =	shalt  }
0x49: {  	_ =	shalt  }
0x4a: {  	_ =	shalt  }
0x4b: {  	_ =	shalt  }
0x4c: {  	_ =	shalt  }
0x4d: {  	_ =	shalt  }
0x4e: {  	_ =	shalt  }
0x4f: {  	_ =	shalt  }
0x50: {  	_ =	shalt  }
0x51: {  	_ =	shalt  }
0x52: {  	_ =	shalt  }
0x53: {  	_ =	shalt  }
0x54: {  	_ =	shalt  }
0x55: {  	_ =	shalt  }
0x56: {  	_ =	shalt  }
0x57: {  	_ =	shalt  }
0x58: {  	_ =	shalt  }
0x59: {  	_ =	shalt  }
0x5a: {  	_ =	shalt  }
0x5b: {  	_ =	shalt  }
0x5c: {  	_ =	shalt  }
0x5d: {  	_ =	shalt  }
0x5e: {  	_ =	shalt  }
0x5f: {  	_ =	shalt  }
0x60: {  	_ =	shalt  }
0x61: {  	_ =	shalt  }
0x62: {  	_ =	shalt  }
0x63: {  	_ =	shalt  }
0x64: {  	_ =	shalt  }
0x65: {  	_ =	shalt  }
0x66: {  	_ =	shalt  }
0x67: {  	_ =	shalt  }
0x68: {  	_ =	shalt  }
0x69: {  	_ =	shalt  }
0x6a: {  	_ =	shalt  }
0x6b: {  	_ =	shalt  }
0x6c: {  	_ =	shalt  }
0x6d: {  	_ =	shalt  }
0x6e: {  	_ =	shalt  }
0x6f: {  	_ =	shalt  }
0x70: {  	_ =	shalt  }
0x71: {  	_ =	shalt  }
0x72: {  	_ =	shalt  }
0x73: {  	_ =	shalt  }
0x74: {  	_ =	shalt  }
0x75: {  	_ =	shalt  }
0x76: {  	_ =	shalt  }
0x77: {  	_ =	shalt  }
0x78: {  	_ =	shalt  }
0x79: {  	_ =	shalt  }
0x7a: {  	_ =	shalt  }
0x7b: {  	_ =	shalt  }
0x7c: {  	_ =	shalt  }
0x7d: {  	_ =	shalt  }
0x7e: {  	_ =	shalt  }
0x7f: {  	_ =	shalt  }
0x80: {  	_ =	shalt  }
0x81: {  	_ =	shalt  }
0x82: {  	_ =	shalt  }
0x83: {  	_ =	shalt  }
0x84: {  	_ =	shalt  }
0x85: {  	_ =	shalt  }
0x86: {  	_ =	shalt  }
0x87: {  	_ =	shalt  }
.Lfunc_end0:
.L_simem_size_0:
called_computation_lowered:
.L_overlay_start_0:
0x88: {  	s2 =	sld [smem:$0x3FD9]  }
0x89: {  	s3 =	sld [smem:$0x3FFE];
	_ =	sdelay $0x1  }
0x8a: {  	s1 =	srdreg.scid  }
0x8b: {  	s0 =	sand.u32 $0x1, s1  }
0x8c: {  	s17 =	sshll.u32 s0, $0xA;
	s2 =	sadd.s32 s3, s2  }
0x8d: {  	s2 =	sadd.s32 s2, s17  }
0x8e: {  	[smem:$0x3FBF] =	sst s2  }
0x8f: {  	_ = 	snop  }
0x90: {  	s2 =	sld [smem:$0x3FC9]  }
0x91: {  	s18 =	sld [smem:$0x3FD0];
	(tm) =	ssettm $0x1  }
0x92: {  	s4 =	sld [smem:$0x3FFB];
	_ =	sdelay $0x3  }
0x93: {  	_ =	strace s4  }
0x94: {  	s4 =	sld [smem:$0x3FFC];
	_ =	sdelay $0x3  }
0x95: {  	_ =	strace s4  }
0x96: {  	s4 =	sld [smem:$0x3FFD];
	_ =	sdelay $0x3  }
0x97: {  	_ =	strace s4  }
0x98: {  	_ =	strace $0x8FFFFFFF  }
0x99: {  	s19 =	sld [smem:$0x3FDB];
	_ =	sdelay $0x1  }
0x9a: {  	s5 =	simm.s32 $_scs_section_size  }
0x9b: {  	s6 =	simm.s32 $_size__tile_overlayer_lowered;
	s7 =	simm.s32 $_tile_overlayer_lowered  }
0x9c: {  	s22 =	simm.s32 $0x1BFF;
	s21 =	sshll.u32 s7, $0x1;
	s4 =	sadd.s32 s5, s19  }
0x9d: {  	s8 =	simm.s32 $0x0;
	s20 =	sshll.u32 s6, $0x1;
	s6 =	sadd.s32 s21, s4  }
0x9e: {  	[timem:s8], [sflag:s22] =	dma.local [hbm:s6], s20  }
0x9f: {  	_ =	swait.ge [sflag:s22], s20  }
0xa0: {  	s5 =	ssub.s32 $0x0, s20;
	[sflag:s22] =	ssyncset.done $0x0  }
0xa1: {  	[sflag:s22] =	ssyncadd.s32 s5;
	_ =	sdelay $0x1  }
0xa2: {  	s23 =	simm.s32 $0x1B8B  }
0xa3: {  	_ =	swait.ge [sflag:s23], $0x1  }
0xa4: {  	[sflag:s23] =	ssyncset.done $0x0  }
0xa5: {  	s25 =	simm.s32 $0x1B8E;
	s24 =	sld [smem:$0x3FFE];
	[sflag:s23] =	ssyncadd.s32 $0xFFFFFFFF  }
0xa6: {  	s26 =	simm.s32 $execute0_lowered;
	[smem:$0x3FD2] =	sst s25  }
0xa7: {  	s6 =	sshll.u32 s26, $0x1;
	_ =	strace $0x80000046;
	[dreg:$0x1] =	wrdreg $0xFFFFFFFF  }
0xa8: {  	s28 =	simm.s32 $_size_execute0_lowered;
	s4 =	sadd.s32 s4, s6;
	[dreg:$0x0] =	wrdreg $0x0  }
0xa9: {  	s6 =	sshll.u32 s28, $0x1;
	[dreg:$0x2] =	wrdreg s4  }
0xaa: {  	[dreg:$0x3] =	wrdreg s6  }
0xab: {  	[dreg:$0x4] =	wrdreg $0xC0  }
0xac: {  	_ =	task [dreg:s8], $0x5FFFF  }
0xad: {  	[dreg:$0x1] =	wrdreg $0xFFFFFFFF  }
0xae: {  	[dreg:$0x0] =	wrdreg $0x60  }
0xaf: {  	[dreg:$0x2] =	wrdreg s2  }
0xb0: {  	[dreg:$0x3] =	wrdreg s24  }
0xb1: {  	[dreg:$0x4] =	wrdreg s18  }
0xb2: {  	[dreg:$0x5] =	wrdreg $0x9  }
0xb3: {  	_ =	task.clear_ibuf [dreg:s8], $0x6FFFF;
	_ =	strace $0x90000046  }
0xb4: {  	s29 =	simm.s32 $0x9;
	_ =	strace $0x80000048  }
0xb5: {  	_ =	swait.ge [sflag:s29], $0x1  }
0xb6: {  	[sflag:s29] =	ssyncadd.s32 $0xFFFFFFFF  }
0xb7: {  	_ =	strace $0x90000048  }
0xb8: {  	_ =	sfence  }
0xb9: {  	s30 =	sld [smem:$0x0];
	_ =	sdelay $0x2  }
0xba: {  	s31 =	sshll.u32 s1, $0xD;
	s1 =	sshrl.u32 s1, $0x2  }
0xbb: {  	s3 =	sand.u32 $0x4000, s31;
	s1 =	sadd.s32 s1, s30  }
0xbc: {  	s0 =	sor.u32 s3, s0;
	s1 =	sshll.u32 s1, $0x11  }
0xbd: {  	s0 =	sor.u32 s1, s0  }
0xbe: {  	s0 =	sadd.s32 $0x8F2B, s0  }
0xbf: {  	[sflag:s0] =	ssyncadd.remote.s32 $0x1  }
0xc0: {  	_ =	sfence.sel $0xFFFF  }
0xc1: {  	[dreg:$0x0] =	wrdreg $0xFFFFFFFF;
	(pc) =	sbr.abs _section_cstart, $3  }
0xc2: {  	[dreg:$0x1] =	wrdreg $0xFFFFFFFF  }
0xc3: {  	_ =	task.clear_ibuf [dreg:s8], $0x2FFFF;
	_ =	strace $0x9FFFFFFF  }
0xc4: {  	(tm) =	ssettm $0x7FFFFFFF  }
0xc5: {  	_ =	shalt  }
tec
execute0_lowered:
.L_overlay_start_1:
0x0: {  	(tag) =	ssettag $0x1  }
0x1: {  	s0 =	srdreg.scid;
	s1 =	rddreg [dreg:$0x0]  }
0x2: {  	s3 =	stileid.u32;
	s2 =	rddreg [dreg:$0x1]  }
0x3: {  	s9 =	simm.s32 $0x5;
	s20 =	simm.s32 $0xC100;
	s21 =	simm.s32 $0xE100  }
0x4: {  	s28 =	simm.s32 $0x3800;
	s29 =	simm.s32 $0x4000;
	s30 =	simm.s32 $0x4800  }
0x5: {  	s31 =	simm.s32 $0x5000;
	s10 =	simm.s32 $0x7800;
	s11 =	simm.s32 $0x8000  }
0x6: {  	s12 =	simm.s32 $0x8800;
	s13 =	simm.s32 $0x9000;
	s14 =	simm.s32 $0x9800  }
0x7: {  	s15 =	simm.s32 $0xA000;
	s16 =	simm.s32 $0xA800;
	s18 =	simm.s32 $0xB000  }
0x8: {  	s19 =	simm.s32 $0xB800;
	s0 =	sand.u32 $0x1, s0;
	s3 =	sshll.u32 s3, $0x7  }
0x9: {  	s7 =	sadd.s32 $0x10600, s2;
	s4 =	sshll.u32 s0, $0x6;
	s0 =	ssub.s32 $0x2, s0  }
0xa: {  	s4 =	sor.u32 s4, s3;
	s3 =	simm.s32 $0x0;
	s25 =	sshrl.u32 s0, $0x1  }
0xb: {  	s5 =	sshrl.u32 s4, $0x3;
	[smem:$0x7FF] =	sst s3;
	s4 =	sshll.u32 s4, $0x4  }
0xc: {  	s0 =	ssub.s32 s0, s25;
	s25 =	simm.s32 $0x2800;
	s6 =	smul.u32 $0x300, s5  }
0xd: {  	_ =	strace $0x80000047;
	s5 =	sadd.s32 s5, s2;
	s24 =	sadd.s32 s2, s4  }
0xe: {  	s8 =	smax.u32 s0, $0x1;
	s22 =	sadd.s32 $0x10200, s5;
	[dreg:$0x8] =	wrdreg s24  }
0xf: {  	s4 =	simm.s32 $0x7000;
	s23 =	sadd.s32 $0x10000, s5;
	[dreg:$0x5] =	wrdreg s22  }
0x10: {  	s26 =	sadd.s32 $0x8000, s24;
	s5 =	sadd.s32 $0x10400, s2;
	[dreg:$0x6] =	wrdreg s23  }
0x11: {  	v2 =	vlaneseq.u32;
	s24 =	simm.s32 $0x2000;
	s1 =	sadd.s32 s1, s6;
	[dreg:$0x7] =	wrdreg s26  }
0x12: {  	vm0 =	vmmov $0xffff;
	v1 =	vshrl.u32 v2, $0x3;
	s6 =	sadd.s32 $0x10500, s2;
	s22 =	simm.s32 $0x1000;
	s23 =	simm.s32 $0x1800  }
0x13: {  	v0 =	vand.u32 $0x7, v2;
	v2 =	vor.u32 $0x8, v2;
	v1 =	vmul.u32 $0x8, v1;
	s26 =	simm.s32 $0x3000;
	s2 =	simm.s32 $0x6800;
	[dreg:$0x4] =	wrdreg s1  }
.LBB2_1:
0x14: {  	s17 =	rddreg [dreg:$0x4]  }
0x15: {  	[tilespmem:s3], [sflag:$0x5] =	stream.linear.gather [hbm4b:s17+s3], $0xC000, $0x38;
	[tilespmem:$0x10100] =	vst v63  }
0x16: {  	_ =	swait.ge [sflag:s9], $0xC000  }
0x17: {  	[sflag:s9] =	ssyncset.done $0x0  }
0x18: {  	s0 =	simm.s32 $0xC000;
	s1 =	rddreg [dreg:$0x5];
	[sflag:s9] =	ssyncadd.s32 $0xFFFF4000  }
0x19: {  	[tilespmem:s0], [sflag:$0x5] =	stream.linear.gather [hbm4b:s1+s3], $0x40, $0x38;
	[tilespmem:$0x10100] =	vst v63  }
0x1a: {  	_ =	swait.ge [sflag:s9], $0x40  }
0x1b: {  	[sflag:s9] =	ssyncset.done $0x0  }
0x1c: {  	s1 =	simm.s32 $0xC080;
	s0 =	rddreg [dreg:$0x6];
	[sflag:s9] =	ssyncadd.s32 $0xFFFFFFC0  }
0x1d: {  	[tilespmem:s1], [sflag:$0x5] =	stream.linear.gather [hbm4b:s0+s3], $0x40, $0x38;
	[tilespmem:$0x10100] =	vst v63  }
0x1e: {  	_ =	swait.ge [sflag:s9], $0x40  }
0x1f: {  	[sflag:s9] =	ssyncset.done $0x0  }
0x20: {  	s1 =	rddreg [dreg:$0x8];
	[sflag:s9] =	ssyncadd.s32 $0xFFFFFFC0  }
0x21: {  	[tilespmem:s20], [sflag:$0x5] =	stream.linear.gather [hbm4b:s1+s3], $0x2000, $0x38;
	[tilespmem:$0x10100] =	vst v63  }
0x22: {  	_ =	swait.ge [sflag:s9], $0x2000  }
0x23: {  	[sflag:s9] =	ssyncset.done $0x0  }
0x24: {  	s0 =	rddreg [dreg:$0x7];
	[sflag:s9] =	ssyncadd.s32 $0xFFFFE000  }
0x25: {  	[tilespmem:s21], [sflag:$0x5] =	stream.linear.gather [hbm4b:s0+s3], $0x2000, $0x38;
	[tilespmem:$0x10100] =	vst v63  }
0x26: {  	_ =	swait.ge [sflag:s9], $0x2000  }
0x27: {  	[sflag:s9] =	ssyncset.done $0x0  }
0x28: {  	[sflag:s9] =	ssyncadd.s32 $0xFFFFE000  }
0x29: {  	v3 =	vld [tilespmem:$0xC000];
	_ =	sdelay $0x4  }
0x2a: {  	v4 =	vshrl.u32 v3, $0x3  }
0x2b: {  	v4 =	vmul.u32 $0x30, v4  }
0x2c: {  	v3 =	vand.u32 $0x7, v3  }
0x2d: {  	v3 =	vor.u32 v3, v4  }
0x2e: {  	v4 =	vperm.xlane v3, v0;
	_ =	sdelay $0x1  }
0x2f: {  	v4 =	vadd.s32 v1, v4;
	_ =	sdelay $0x3  }
0x30: {  	v3 =	vperm.xlane v3, v2  }
0x31: {  	[hbm4b:s5+s3] =	stream.indirect_vreg.scatter [tilespmem:s3], [sflag:$0x1], $0x80, v4, vm0, $0xb8;
	[tilespmem:$0x10100] =	vst v63  }
0x32: {  	s17 =	simm.s32 $0x800;
	v3 =	vadd.s32 v1, v3  }
0x33: {  	[hbm4b:s6+s3] =	stream.indirect_vreg.scatter [tilespmem:s17], [sflag:$0x1], $0x80, v4, vm0, $0xb8;
	[tilespmem:$0x10100] =	vst v63  }
0x34: {  	_ = 	snop  }
0x35: {  	[hbm4b:s7+s3] =	stream.indirect_vreg.scatter [tilespmem:s22], [sflag:$0x1], $0x80, v4, vm0, $0xb8;
	[tilespmem:$0x10100] =	vst v63  }
0x36: {  	_ = 	snop  }
0x37: {  	[hbm4b:s5+s3] =	stream.indirect_vreg.scatter [tilespmem:s23], [sflag:$0x1], $0x80, v3, vm0, $0xb8;
	[tilespmem:$0x10100] =	vst v63  }
0x38: {  	_ = 	snop  }
0x39: {  	[hbm4b:s6+s3] =	stream.indirect_vreg.scatter [tilespmem:s24], [sflag:$0x1], $0x80, v3, vm0, $0xb8;
	[tilespmem:$0x10100] =	vst v63  }
0x3a: {  	_ = 	snop  }
0x3b: {  	[hbm4b:s7+s3] =	stream.indirect_vreg.scatter [tilespmem:s25], [sflag:$0x1], $0x80, v3, vm0, $0xb8;
	[tilespmem:$0x10100] =	vst v63  }
0x3c: {  	v3 =	vld [tilespmem:$0xC010];
	_ =	sdelay $0x4  }
0x3d: {  	v57 =	vshrl.u32 v3, $0x3  }
0x3e: {  	v4 =	vmul.u32 $0x30, v57  }
0x3f: {  	v3 =	vand.u32 $0x7, v3  }
0x40: {  	v3 =	vor.u32 v3, v4  }
0x41: {  	v4 =	vperm.xlane v3, v0;
	_ =	sdelay $0x1  }
0x42: {  	v4 =	vadd.s32 v1, v4;
	_ =	sdelay $0x3  }
0x43: {  	v3 =	vperm.xlane v3, v2  }
0x44: {  	[hbm4b:s5+s3] =	stream.indirect_vreg.scatter [tilespmem:s26], [sflag:$0x1], $0x80, v4, vm0, $0xb8;
	[tilespmem:$0x10100] =	vst v63  }
0x45: {  	v3 =	vadd.s32 v1, v3  }
0x46: {  	[hbm4b:s6+s3] =	stream.indirect_vreg.scatter [tilespmem:s28], [sflag:$0x1], $0x80, v4, vm0, $0xb8;
	[tilespmem:$0x10100] =	vst v63  }
0x47: {  	_ = 	snop  }
0x48: {  	[hbm4b:s7+s3] =	stream.indirect_vreg.scatter [tilespmem:s29], [sflag:$0x1], $0x80, v4, vm0, $0xb8;
	[tilespmem:$0x10100] =	vst v63  }
0x49: {  	_ = 	snop  }
0x4a: {  	[hbm4b:s5+s3] =	stream.indirect_vreg.scatter [tilespmem:s30], [sflag:$0x1], $0x80, v3, vm0, $0xb8;
	[tilespmem:$0x10100] =	vst v63  }
0x4b: {  	_ = 	snop  }
0x4c: {  	[hbm4b:s6+s3] =	stream.indirect_vreg.scatter [tilespmem:s31], [sflag:$0x1], $0x80, v3, vm0, $0xb8;
	[tilespmem:$0x10100] =	vst v63  }
0x4d: {  	s1 =	simm.s32 $0x5800  }
0x4e: {  	[hbm4b:s7+s3] =	stream.indirect_vreg.scatter [tilespmem:s1], [sflag:$0x1], $0x80, v3, vm0, $0xb8;
	[tilespmem:$0x10100] =	vst v63  }
0x4f: {  	v3 =	vld [tilespmem:$0xC020];
	_ =	sdelay $0x4  }
0x50: {  	v58 =	vshrl.u32 v3, $0x3  }
0x51: {  	v4 =	vmul.u32 $0x30, v58  }
0x52: {  	v3 =	vand.u32 $0x7, v3  }
0x53: {  	v3 =	vor.u32 v3, v4  }
0x54: {  	v4 =	vperm.xlane v3, v0;
	_ =	sdelay $0x1  }
0x55: {  	v4 =	vadd.s32 v1, v4;
	_ =	sdelay $0x3  }
0x56: {  	s0 =	simm.s32 $0x6000;
	v3 =	vperm.xlane v3, v2  }
0x57: {  	[hbm4b:s5+s3] =	stream.indirect_vreg.scatter [tilespmem:s0], [sflag:$0x1], $0x80, v4, vm0, $0xb8;
	[tilespmem:$0x10100] =	vst v63  }
0x58: {  	v3 =	vadd.s32 v1, v3  }
0x59: {  	[hbm4b:s6+s3] =	stream.indirect_vreg.scatter [tilespmem:s2], [sflag:$0x1], $0x80, v4, vm0, $0xb8;
	[tilespmem:$0x10100] =	vst v63  }
0x5a: {  	_ = 	snop  }
0x5b: {  	[hbm4b:s7+s3] =	stream.indirect_vreg.scatter [tilespmem:s4], [sflag:$0x1], $0x80, v4, vm0, $0xb8;
	[tilespmem:$0x10100] =	vst v63  }
0x5c: {  	_ = 	snop  }
0x5d: {  	[hbm4b:s5+s3] =	stream.indirect_vreg.scatter [tilespmem:s10], [sflag:$0x1], $0x80, v3, vm0, $0xb8;
	[tilespmem:$0x10100] =	vst v63  }
0x5e: {  	_ = 	snop  }
0x5f: {  	[hbm4b:s6+s3] =	stream.indirect_vreg.scatter [tilespmem:s11], [sflag:$0x1], $0x80, v3, vm0, $0xb8;
	[tilespmem:$0x10100] =	vst v63  }
0x60: {  	_ = 	snop  }
0x61: {  	[hbm4b:s7+s3] =	stream.indirect_vreg.scatter [tilespmem:s12], [sflag:$0x1], $0x80, v3, vm0, $0xb8;
	[tilespmem:$0x10100] =	vst v63  }
0x62: {  	v3 =	vld [tilespmem:$0xC030];
	_ =	sdelay $0x4  }
0x63: {  	v59 =	vshrl.u32 v3, $0x3  }
0x64: {  	v4 =	vmul.u32 $0x30, v59  }
0x65: {  	v3 =	vand.u32 $0x7, v3  }
0x66: {  	v3 =	vor.u32 v3, v4  }
0x67: {  	v4 =	vperm.xlane v3, v0;
	_ =	sdelay $0x1  }
0x68: {  	v4 =	vadd.s32 v1, v4;
	_ =	sdelay $0x3  }
0x69: {  	v3 =	vperm.xlane v3, v2  }
0x6a: {  	[hbm4b:s5+s3] =	stream.indirect_vreg.scatter [tilespmem:s13], [sflag:$0x1], $0x80, v4, vm0, $0xb8;
	[tilespmem:$0x10100] =	vst v63  }
0x6b: {  	v3 =	vadd.s32 v1, v3  }
0x6c: {  	[hbm4b:s6+s3] =	stream.indirect_vreg.scatter [tilespmem:s14], [sflag:$0x1], $0x80, v4, vm0, $0xb8;
	[tilespmem:$0x10100] =	vst v63  }
0x6d: {  	_ = 	snop  }
0x6e: {  	[hbm4b:s7+s3] =	stream.indirect_vreg.scatter [tilespmem:s15], [sflag:$0x1], $0x80, v4, vm0, $0xb8;
	[tilespmem:$0x10100] =	vst v63  }
0x6f: {  	_ = 	snop  }
0x70: {  	[hbm4b:s5+s3] =	stream.indirect_vreg.scatter [tilespmem:s16], [sflag:$0x1], $0x80, v3, vm0, $0xb8;
	[tilespmem:$0x10100] =	vst v63  }
0x71: {  	_ = 	snop  }
0x72: {  	[hbm4b:s6+s3] =	stream.indirect_vreg.scatter [tilespmem:s18], [sflag:$0x1], $0x80, v3, vm0, $0xb8;
	[tilespmem:$0x10100] =	vst v63  }
0x73: {  	_ = 	snop  }
0x74: {  	[hbm4b:s7+s3] =	stream.indirect_vreg.scatter [tilespmem:s19], [sflag:$0x1], $0x80, v3, vm0, $0xb8;
	[tilespmem:$0x10100] =	vst v63  }
0x75: {  	v3 =	vld [tilespmem:$0xC080];
	_ =	sdelay $0x4  }
0x76: {  	v60 =	vshrl.u32 v3, $0x3  }
0x77: {  	v4 =	vmul.u32 $0x30, v60  }
0x78: {  	v3 =	vand.u32 $0x7, v3  }
0x79: {  	v3 =	vor.u32 v3, v4  }
0x7a: {  	v4 =	vperm.xlane v3, v0;
	_ =	sdelay $0x1  }
0x7b: {  	v4 =	vadd.s32 v1, v4;
	_ =	sdelay $0x3  }
0x7c: {  	v3 =	vperm.xlane v3, v2  }
0x7d: {  	[hbm4b:s5+s3] =	stream.indirect_vreg.scatter [tilespmem:s3], [sflag:$0x2], $0x80, v4, vm0, $0xb8;
	[tilespmem:$0x10100] =	vst v63  }
0x7e: {  	v3 =	vadd.s32 v1, v3  }
0x7f: {  	[hbm4b:s6+s3] =	stream.indirect_vreg.scatter [tilespmem:s17], [sflag:$0x2], $0x80, v4, vm0, $0xb8;
	[tilespmem:$0x10100] =	vst v63  }
0x80: {  	_ = 	snop  }
0x81: {  	[hbm4b:s7+s3] =	stream.indirect_vreg.scatter [tilespmem:s22], [sflag:$0x2], $0x80, v4, vm0, $0xb8;
	[tilespmem:$0x10100] =	vst v63  }
0x82: {  	_ = 	snop  }
0x83: {  	[hbm4b:s5+s3] =	stream.indirect_vreg.scatter [tilespmem:s23], [sflag:$0x2], $0x80, v3, vm0, $0xb8;
	[tilespmem:$0x10100] =	vst v63  }
0x84: {  	_ = 	snop  }
0x85: {  	[hbm4b:s6+s3] =	stream.indirect_vreg.scatter [tilespmem:s24], [sflag:$0x2], $0x80, v3, vm0, $0xb8;
	[tilespmem:$0x10100] =	vst v63  }
0x86: {  	_ = 	snop  }
0x87: {  	[hbm4b:s7+s3] =	stream.indirect_vreg.scatter [tilespmem:s25], [sflag:$0x2], $0x80, v3, vm0, $0xb8;
	[tilespmem:$0x10100] =	vst v63  }
0x88: {  	v3 =	vld [tilespmem:$0xC090];
	_ =	sdelay $0x4  }
0x89: {  	v61 =	vshrl.u32 v3, $0x3  }
0x8a: {  	v4 =	vmul.u32 $0x30, v61  }
0x8b: {  	v3 =	vand.u32 $0x7, v3  }
0x8c: {  	v3 =	vor.u32 v3, v4  }
0x8d: {  	v4 =	vperm.xlane v3, v0;
	_ =	sdelay $0x1  }
0x8e: {  	v4 =	vadd.s32 v1, v4;
	_ =	sdelay $0x3  }
0x8f: {  	v3 =	vperm.xlane v3, v2  }
0x90: {  	[hbm4b:s5+s3] =	stream.indirect_vreg.scatter [tilespmem:s26], [sflag:$0x2], $0x80, v4, vm0, $0xb8;
	[tilespmem:$0x10100] =	vst v63  }
0x91: {  	v3 =	vadd.s32 v1, v3  }
0x92: {  	[hbm4b:s6+s3] =	stream.indirect_vreg.scatter [tilespmem:s28], [sflag:$0x2], $0x80, v4, vm0, $0xb8;
	[tilespmem:$0x10100] =	vst v63  }
0x93: {  	_ = 	snop  }
0x94: {  	[hbm4b:s7+s3] =	stream.indirect_vreg.scatter [tilespmem:s29], [sflag:$0x2], $0x80, v4, vm0, $0xb8;
	[tilespmem:$0x10100] =	vst v63  }
0x95: {  	_ = 	snop  }
0x96: {  	[hbm4b:s5+s3] =	stream.indirect_vreg.scatter [tilespmem:s30], [sflag:$0x2], $0x80, v3, vm0, $0xb8;
	[tilespmem:$0x10100] =	vst v63  }
0x97: {  	_ = 	snop  }
0x98: {  	[hbm4b:s6+s3] =	stream.indirect_vreg.scatter [tilespmem:s31], [sflag:$0x2], $0x80, v3, vm0, $0xb8;
	[tilespmem:$0x10100] =	vst v63  }
0x99: {  	_ = 	snop  }
0x9a: {  	[hbm4b:s7+s3] =	stream.indirect_vreg.scatter [tilespmem:s1], [sflag:$0x2], $0x80, v3, vm0, $0xb8;
	[tilespmem:$0x10100] =	vst v63  }
0x9b: {  	v3 =	vld [tilespmem:$0xC0A0];
	_ =	sdelay $0x4  }
0x9c: {  	v62 =	vshrl.u32 v3, $0x3  }
0x9d: {  	v4 =	vmul.u32 $0x30, v62  }
0x9e: {  	v3 =	vand.u32 $0x7, v3  }
0x9f: {  	v3 =	vor.u32 v3, v4  }
0xa0: {  	v4 =	vperm.xlane v3, v0;
	_ =	sdelay $0x1  }
0xa1: {  	v4 =	vadd.s32 v1, v4;
	_ =	sdelay $0x3  }
0xa2: {  	v3 =	vperm.xlane v3, v2  }
0xa3: {  	[hbm4b:s5+s3] =	stream.indirect_vreg.scatter [tilespmem:s0], [sflag:$0x2], $0x80, v4, vm0, $0xb8;
	[tilespmem:$0x10100] =	vst v63  }
0xa4: {  	v3 =	vadd.s32 v1, v3  }
0xa5: {  	[hbm4b:s6+s3] =	stream.indirect_vreg.scatter [tilespmem:s2], [sflag:$0x2], $0x80, v4, vm0, $0xb8;
	[tilespmem:$0x10100] =	vst v63  }
0xa6: {  	_ = 	snop  }
0xa7: {  	[hbm4b:s7+s3] =	stream.indirect_vreg.scatter [tilespmem:s4], [sflag:$0x2], $0x80, v4, vm0, $0xb8;
	[tilespmem:$0x10100] =	vst v63  }
0xa8: {  	_ = 	snop  }
0xa9: {  	[hbm4b:s5+s3] =	stream.indirect_vreg.scatter [tilespmem:s10], [sflag:$0x2], $0x80, v3, vm0, $0xb8;
	[tilespmem:$0x10100] =	vst v63  }
0xaa: {  	_ = 	snop  }
0xab: {  	[hbm4b:s6+s3] =	stream.indirect_vreg.scatter [tilespmem:s11], [sflag:$0x2], $0x80, v3, vm0, $0xb8;
	[tilespmem:$0x10100] =	vst v63  }
0xac: {  	_ = 	snop  }
0xad: {  	[hbm4b:s7+s3] =	stream.indirect_vreg.scatter [tilespmem:s12], [sflag:$0x2], $0x80, v3, vm0, $0xb8;
	[tilespmem:$0x10100] =	vst v63  }
0xae: {  	v3 =	vld [tilespmem:$0xC0B0];
	_ =	sdelay $0x4  }
0xaf: {  	v63 =	vshrl.u32 v3, $0x3  }
0xb0: {  	v4 =	vmul.u32 $0x30, v63  }
0xb1: {  	v3 =	vand.u32 $0x7, v3  }
0xb2: {  	v3 =	vor.u32 v3, v4  }
0xb3: {  	v4 =	vperm.xlane v3, v0;
	_ =	sdelay $0x1  }
0xb4: {  	v4 =	vadd.s32 v1, v4;
	_ =	sdelay $0x3  }
0xb5: {  	v3 =	vperm.xlane v3, v2  }
0xb6: {  	[hbm4b:s5+s3] =	stream.indirect_vreg.scatter [tilespmem:s13], [sflag:$0x2], $0x80, v4, vm0, $0xb8;
	[tilespmem:$0x10100] =	vst v63  }
0xb7: {  	v3 =	vadd.s32 v1, v3  }
0xb8: {  	[hbm4b:s6+s3] =	stream.indirect_vreg.scatter [tilespmem:s14], [sflag:$0x2], $0x80, v4, vm0, $0xb8;
	[tilespmem:$0x10100] =	vst v63  }
0xb9: {  	_ = 	snop  }
0xba: {  	[hbm4b:s7+s3] =	stream.indirect_vreg.scatter [tilespmem:s15], [sflag:$0x2], $0x80, v4, vm0, $0xb8;
	[tilespmem:$0x10100] =	vst v63  }
0xbb: {  	_ = 	snop  }
0xbc: {  	[hbm4b:s5+s3] =	stream.indirect_vreg.scatter [tilespmem:s16], [sflag:$0x2], $0x80, v3, vm0, $0xb8;
	[tilespmem:$0x10100] =	vst v63  }
0xbd: {  	_ = 	snop  }
0xbe: {  	[hbm4b:s6+s3] =	stream.indirect_vreg.scatter [tilespmem:s18], [sflag:$0x2], $0x80, v3, vm0, $0xb8;
	[tilespmem:$0x10100] =	vst v63  }
0xbf: {  	_ = 	snop  }
0xc0: {  	[hbm4b:s7+s3] =	stream.indirect_vreg.scatter [tilespmem:s19], [sflag:$0x2], $0x80, v3, vm0, $0xb8;
	[tilespmem:$0x10100] =	vst v63  }
0xc1: {  	s17 =	rddreg [dreg:$0x2];
	s1 =	simm.s32 $0xC000;
	s0 =	simm.s32 $0x40  }
0xc2: {  	[hbm4b:s17+s0] =	stream.indirect.scatter [tilespmem:s20], [sflag:$0x3], $0x80, s1, s0, $0xb8;
	[tilespmem:$0x10100] =	vst v63  }
0xc3: {  	s1 =	simm.s32 $0xC080  }
0xc4: {  	[hbm4b:s17+s0] =	stream.indirect.scatter [tilespmem:s21], [sflag:$0x4], $0x80, s1, s0, $0xb8;
	[tilespmem:$0x10100] =	vst v63  }
0xc5: {  	s1 =	simm.s32 $0x1  }
0xc6: {  	_ =	swait.ge [sflag:s1], $0xC000  }
0xc7: {  	[sflag:s1] =	ssyncset.done $0x0  }
0xc8: {  	s17 =	simm.s32 $0x2;
	[sflag:s1] =	ssyncadd.s32 $0xFFFF4000  }
0xc9: {  	_ =	swait.ge [sflag:s17], $0xC000  }
0xca: {  	[sflag:s17] =	ssyncset.done $0x0  }
0xcb: {  	s1 =	simm.s32 $0x3;
	[sflag:s17] =	ssyncadd.s32 $0xFFFF4000  }
0xcc: {  	p0 =	sne.s32 s8, $0x1;
	_ =	swait.ge [sflag:s1], $0x2000  }
.Ltmp0:
0xcd: {  	[sflag:s1] =	ssyncset.done $0x0;
	(pc) =	sbr.rel @p0 .LBB2_1-.Ltmp0, $4  }
0xce: {  	s17 =	simm.s32 $0x4;
	[sflag:s1] =	ssyncadd.s32 $0xFFFFE000  }
0xcf: {  	_ =	swait.ge [sflag:s17], $0x2000  }
0xd0: {  	[sflag:s17] =	ssyncset.done $0x0  }
0xd1: {  	s8 =	sadd.s32 $0xFFFFFFFF, s8;
	[sflag:s17] =	ssyncadd.s32 $0xFFFFE000  }
0xd2: {  	_ =	sfence.sel $0x180000  }
0xd3: {  	[bflag:$0x0] =	sbarrier.arrive $0xFFFF  }
0xd4: {  	_ =	strace $0x90000047  }
0xd5: {  	s0 =	stileid.u32;
	[bflag:$0x2] =	sbarrier.arrive $0xFFFF  }
0xd6: {  	p0 =	sne.s32 s0, $0x0;
	s0 =	rddreg [dreg:$0x3]  }
0xd7: {  	s0 =	sadd.s32 @!p0 $0x100000, s0  }
0xd8: {  	[sflag:s0] =	ssyncadd.tile.s32 @!p0 $0x1;
	_ =	shalt  }
.Lfunc_end2:
_tile_overlayer_lowered:
.L_overlay_start_2:
0xd9: {  	(tag) =	ssettag $0x2  }
0xda: {  	s0 =	rddreg [dreg:$0x0];
	s2 =	stileid.u32  }
0xdb: {  	s1 =	rddreg [dreg:$0x1];
	p0 =	sne.s32 s2, $0x0  }
0xdc: {  	s3 =	rddreg [dreg:$0x2];
	[bflag:$0x3] =	sbarrier.arrive $0xFFFF;
	s2 =	simm.s32 @!p0 $0x1C05  }
0xdd: {  	[timem:s3], [sflag:s2] =	dma.local @!p0 [hbm:s0], s1  }
0xde: {  	s0 =	simm.s32 @!p0 $0x5  }
0xdf: {  	_ =	swait.ge @!p0 [sflag:s0], s1  }
0xe0: {  	s1 =	ssub.s32 @!p0 $0x0, s1;
	[sflag:s0] =	ssyncset.done @!p0 $0x0  }
0xe1: {  	[sflag:s0] =	ssyncadd.s32 @!p0 s1  }
0xe2: {  	[bflag:$0x3] =	sbarrier.arrive $0xFFFF  }
0xe3: {  	_ =	shalt  }

// kernel: kernel.9.cloned.1.call-start
scs
__scs_entry_jumppad:
0x0: {  	(pc) =	sbr.rel $0x88, $3  }
0x1: {  	(tag) =	ssettag $0x0;
	lr =	simm.s32 $0x1  }
0x2: {  	[smem:$0x3F98] =	sst lr;
	_ =	strace $0xD0000000  }
0x3: {  	_ = 	snop  }
0x4: {  	_ = 	snop  }
0x5: {  	_ = 	snop  }
0x6: {  	_ = 	snop  }
0x7: {  	_ = 	snop  }
__scs_overlays_trampoline_lowered:
0x8: {  	[smem:$0x3FA7] =	sst s0  }
0x9: {  	[smem:$0x3FA8] =	sst s1  }
0xa: {  	[smem:$0x3FA9] =	sst s2  }
0xb: {  	[smem:$0x3FAA] =	sst s3  }
0xc: {  	[smem:$0x3FAB] =	sst s4  }
0xd: {  	[smem:$0x3FAC] =	sst s5  }
0xe: {  	[smem:$0x3FAD] =	sst s6  }
0xf: {  	[smem:$0x3FAE] =	sst s7  }
0x10: {  	[smem:$0x3FAF] =	sst s8  }
0x11: {  	[smem:$0x3FB0] =	sst s9;
	s0 =	simm.s32 @!p0 $0x0  }
0x12: {  	s1 =	sld [smem:$0x3F96];
	s0 =	simm.s32 @p0 $0x1  }
0x13: {  	[smem:$0x3FB1] =	sst s0;
	s0 =	simm.s32 @!p1 $0x0  }
0x14: {  	s2 =	sld [smem:$0x3F95];
	s0 =	simm.s32 @p1 $0x1  }
0x15: {  	[smem:$0x3FB2] =	sst s0;
	s0 =	simm.s32 @!p2 $0x0  }
0x16: {  	s3 =	sld [smem:$0x3FDB];
	s0 =	simm.s32 @p2 $0x1  }
0x17: {  	s4 =	simm.s32 $0x1BF5;
	[smem:$0x3FB4] =	sst s0  }
0x18: {  	s0 =	sld [smem:$0x3F97];
	_ =	swait.ge [sflag:s4], $0x0  }
0x19: {  	s7 =	sld [smem:$0x3F98]  }
0x1a: {  	s8 =	sadd.s32 $0xFFFFE003, lr  }
0x1b: {  	s9 =	sadd.s32 $0xFFFFFEF7, lr;
	s5 =	simm.s32 $0xFFFFFFFF;
	p2 =	slt.u32 s8, $0xFFFFF086  }
0x1c: {  	p1 =	slt.u32 s9, $0xF7A;
	s5 =	simm.s32 @!p2 $0x0  }
0x1d: {  	s5 =	simm.s32 @p1 $0x1;
	p0 =	seq.s32 s7, s2  }
0x1e: {  	s7 =	smul.u32 @!p0 $0xF7A, s2;
	p2 =	seq.s32 @!p0 s5, $0x0  }
0x1f: {  	s9 =	smul.u32 $0xF7A, s1;
	s8 =	simm.s32 @!p0 $0x1BF5;
	p2 =	por !p2, p0  }
0x20: {  	[sflag:s8] =	ssyncset.s32 @!p0 $0xFFFFF086;
	s6 =	sadd.s32 @!p0 s3, s7;
	s7 =	simm.s32 @!p0 $0x108  }
0x21: {  	s3 =	sadd.s32 s3, s9;
	s6 =	sadd.s32 @!p0 $0x88, s6;
	s7 =	simm.s32 @p2 $0x1082  }
0x22: {  	[simem:s7], [sflag:s8] =	dma.local @!p0 [hbm:s6], $0xF7A  }
0x23: {  	s9 =	sor.u32 $0xD0000000, s2;
	s6 =	simm.s32 $0x108;
	_ =	swait.ge @!p0 [sflag:s8], $0x0  }
0x24: {  	s3 =	sadd.s32 $0x88, s3;
	s6 =	simm.s32 @!p1 $0x1082;
	[sflag:s4] =	ssyncset.s32 $0xFFFFF086  }
0x25: {  	[simem:s6], [sflag:s4] =	dma.local [hbm:s3], $0xF7A  }
0x26: {  	[smem:$0x3F98] =	sst s1;
	(tag) =	ssettag s2;
	_ =	strace s9  }
0x27: {  	s1 =	sld [smem:$0x3FA8]  }
0x28: {  	s2 =	sld [smem:$0x3FA9]  }
0x29: {  	s4 =	sld [smem:$0x3FAB]  }
0x2a: {  	p0 =	seq.s32 s5, $0x0;
	s5 =	sld [smem:$0x3FAC]  }
0x2b: {  	s6 =	sld [smem:$0x3FAD]  }
0x2c: {  	s7 =	sld [smem:$0x3FAE]  }
0x2d: {  	s3 =	simm.s32 $0x108;
	s8 =	sld [smem:$0x3FAF]  }
0x2e: {  	s3 =	simm.s32 @!p0 $0x1082;
	s9 =	sld [smem:$0x3FB0]  }
0x2f: {  	lr =	sadd.s32 s0, s3;
	s0 =	sld [smem:$0x3FA7]  }
0x30: {  	s3 =	sld [smem:$0x3FAA]  }
0x31: {  	[smem:$0x3FB3] =	sst s10  }
0x32: {  	s10 =	sld [smem:$0x3FB1];
	_ =	sdelay $0x3  }
0x33: {  	p0 =	seq.s32 s10, $0x1;
	s10 =	sld [smem:$0x3FB3];
	_ =	sdelay $0x3  }
0x34: {  	[smem:$0x3FB3] =	sst s10  }
0x35: {  	s10 =	sld [smem:$0x3FB2];
	_ =	sdelay $0x3  }
0x36: {  	p1 =	seq.s32 s10, $0x1;
	s10 =	sld [smem:$0x3FB3];
	_ =	sdelay $0x3  }
0x37: {  	[smem:$0x3FB3] =	sst s10  }
0x38: {  	s10 =	sld [smem:$0x3FB4]  }
0x39: {  	_ = 	snop;
	(pc) =	sbr.ind lr, $3  }
0x3a: {  	_ = 	snop  }
0x3b: {  	_ = 	snop  }
0x3c: {  	p2 =	seq.s32 s10, $0x1;
	s10 =	sld [smem:$0x3FB3]  }
0x3d: {  	_ =	shalt  }
0x3e: {  	_ =	shalt  }
0x3f: {  	_ =	shalt  }
0x40: {  	_ =	shalt  }
0x41: {  	_ =	shalt  }
0x42: {  	_ =	shalt  }
0x43: {  	_ =	shalt  }
0x44: {  	_ =	shalt  }
0x45: {  	_ =	shalt  }
0x46: {  	_ =	shalt  }
0x47: {  	_ =	shalt  }
0x48: {  	_ =	shalt  }
0x49: {  	_ =	shalt  }
0x4a: {  	_ =	shalt  }
0x4b: {  	_ =	shalt  }
0x4c: {  	_ =	shalt  }
0x4d: {  	_ =	shalt  }
0x4e: {  	_ =	shalt  }
0x4f: {  	_ =	shalt  }
0x50: {  	_ =	shalt  }
0x51: {  	_ =	shalt  }
0x52: {  	_ =	shalt  }
0x53: {  	_ =	shalt  }
0x54: {  	_ =	shalt  }
0x55: {  	_ =	shalt  }
0x56: {  	_ =	shalt  }
0x57: {  	_ =	shalt  }
0x58: {  	_ =	shalt  }
0x59: {  	_ =	shalt  }
0x5a: {  	_ =	shalt  }
0x5b: {  	_ =	shalt  }
0x5c: {  	_ =	shalt  }
0x5d: {  	_ =	shalt  }
0x5e: {  	_ =	shalt  }
0x5f: {  	_ =	shalt  }
0x60: {  	_ =	shalt  }
0x61: {  	_ =	shalt  }
0x62: {  	_ =	shalt  }
0x63: {  	_ =	shalt  }
0x64: {  	_ =	shalt  }
0x65: {  	_ =	shalt  }
0x66: {  	_ =	shalt  }
0x67: {  	_ =	shalt  }
0x68: {  	_ =	shalt  }
0x69: {  	_ =	shalt  }
0x6a: {  	_ =	shalt  }
0x6b: {  	_ =	shalt  }
0x6c: {  	_ =	shalt  }
0x6d: {  	_ =	shalt  }
0x6e: {  	_ =	shalt  }
0x6f: {  	_ =	shalt  }
0x70: {  	_ =	shalt  }
0x71: {  	_ =	shalt  }
0x72: {  	_ =	shalt  }
0x73: {  	_ =	shalt  }
0x74: {  	_ =	shalt  }
0x75: {  	_ =	shalt  }
0x76: {  	_ =	shalt  }
0x77: {  	_ =	shalt  }
0x78: {  	_ =	shalt  }
0x79: {  	_ =	shalt  }
0x7a: {  	_ =	shalt  }
0x7b: {  	_ =	shalt  }
0x7c: {  	_ =	shalt  }
0x7d: {  	_ =	shalt  }
0x7e: {  	_ =	shalt  }
0x7f: {  	_ =	shalt  }
0x80: {  	_ =	shalt  }
0x81: {  	_ =	shalt  }
0x82: {  	_ =	shalt  }
0x83: {  	_ =	shalt  }
0x84: {  	_ =	shalt  }
0x85: {  	_ =	shalt  }
0x86: {  	_ =	shalt  }
0x87: {  	_ =	shalt  }
.Lfunc_end0:
.L_simem_size_0:
called_computation.1_lowered:
.L_overlay_start_0:
0x88: {  	s2 =	sld [smem:$0x3FD9]  }
0x89: {  	s3 =	sld [smem:$0x3FFE];
	_ =	sdelay $0x1  }
0x8a: {  	s1 =	srdreg.scid  }
0x8b: {  	s0 =	sand.u32 $0x1, s1  }
0x8c: {  	s17 =	sshll.u32 s0, $0xA;
	s2 =	sadd.s32 s3, s2  }
0x8d: {  	s2 =	sadd.s32 s2, s17  }
0x8e: {  	[smem:$0x3FBF] =	sst s2  }
0x8f: {  	_ = 	snop  }
0x90: {  	s2 =	sld [smem:$0x3FD0];
	(tm) =	ssettm $0x1  }
0x91: {  	s18 =	sld [smem:$0x3FFB];
	_ =	sdelay $0x3  }
0x92: {  	_ =	strace s18  }
0x93: {  	s3 =	sld [smem:$0x3FFC];
	_ =	sdelay $0x3  }
0x94: {  	_ =	strace s3  }
0x95: {  	s3 =	sld [smem:$0x3FFD];
	_ =	sdelay $0x3  }
0x96: {  	_ =	strace s3  }
0x97: {  	_ =	strace $0x8FFFFFFF  }
0x98: {  	s19 =	sld [smem:$0x3FDB];
	_ =	sdelay $0x1  }
0x99: {  	s4 =	simm.s32 $_scs_section_size  }
0x9a: {  	s5 =	simm.s32 $_size__tile_overlayer_lowered;
	s6 =	simm.s32 $_tile_overlayer_lowered  }
0x9b: {  	s22 =	simm.s32 $0x1BFF;
	s21 =	sshll.u32 s6, $0x1;
	s3 =	sadd.s32 s4, s19  }
0x9c: {  	s7 =	simm.s32 $0x0;
	s20 =	sshll.u32 s5, $0x1;
	s5 =	sadd.s32 s21, s3  }
0x9d: {  	[timem:s7], [sflag:s22] =	dma.local [hbm:s5], s20  }
0x9e: {  	_ =	swait.ge [sflag:s22], s20  }
0x9f: {  	s4 =	ssub.s32 $0x0, s20;
	[sflag:s22] =	ssyncset.done $0x0  }
0xa0: {  	[sflag:s22] =	ssyncadd.s32 s4;
	_ =	sdelay $0x1  }
0xa1: {  	s23 =	simm.s32 $0x1B8B  }
0xa2: {  	_ =	swait.ge [sflag:s23], $0x1  }
0xa3: {  	[sflag:s23] =	ssyncset.done $0x0  }
0xa4: {  	s25 =	simm.s32 $0x1B8E;
	s24 =	sld [smem:$0x3FFE];
	[sflag:s23] =	ssyncadd.s32 $0xFFFFFFFF  }
0xa5: {  	s26 =	simm.s32 $execute0_lowered;
	[smem:$0x3FD2] =	sst s25  }
0xa6: {  	s5 =	sshll.u32 s26, $0x1;
	_ =	strace $0x80000049;
	[dreg:$0x1] =	wrdreg $0xFFFFFFFF  }
0xa7: {  	s28 =	simm.s32 $_size_execute0_lowered;
	s3 =	sadd.s32 s3, s5;
	[dreg:$0x0] =	wrdreg $0x0  }
0xa8: {  	s5 =	sshll.u32 s28, $0x1;
	[dreg:$0x2] =	wrdreg s3  }
0xa9: {  	[dreg:$0x3] =	wrdreg s5  }
0xaa: {  	[dreg:$0x4] =	wrdreg $0xC0  }
0xab: {  	_ =	task [dreg:s7], $0x5FFFF  }
0xac: {  	[dreg:$0x1] =	wrdreg $0xFFFFFFFF  }
0xad: {  	[dreg:$0x0] =	wrdreg $0x60  }
0xae: {  	[dreg:$0x2] =	wrdreg s24  }
0xaf: {  	[dreg:$0x3] =	wrdreg s2  }
0xb0: {  	[dreg:$0x4] =	wrdreg $0x9  }
0xb1: {  	_ =	task.clear_ibuf [dreg:s7], $0x5FFFF;
	_ =	strace $0x90000049  }
0xb2: {  	s29 =	simm.s32 $0x9;
	_ =	strace $0x8000004B  }
0xb3: {  	_ =	swait.ge [sflag:s29], $0x1  }
0xb4: {  	[sflag:s29] =	ssyncadd.s32 $0xFFFFFFFF  }
0xb5: {  	_ =	strace $0x9000004B  }
0xb6: {  	_ =	sfence  }
0xb7: {  	s30 =	sld [smem:$0x0];
	_ =	sdelay $0x2  }
0xb8: {  	s31 =	sshll.u32 s1, $0xD;
	s1 =	sshrl.u32 s1, $0x2  }
0xb9: {  	s3 =	sand.u32 $0x4000, s31;
	s1 =	sadd.s32 s1, s30  }
0xba: {  	s0 =	sor.u32 s3, s0;
	s1 =	sshll.u32 s1, $0x11  }
0xbb: {  	s0 =	sor.u32 s1, s0  }
0xbc: {  	s0 =	sadd.s32 $0x8F2B, s0  }
0xbd: {  	[sflag:s0] =	ssyncadd.remote.s32 $0x1  }
0xbe: {  	_ =	sfence.sel $0xFFFF  }
0xbf: {  	[dreg:$0x0] =	wrdreg $0xFFFFFFFF;
	(pc) =	sbr.abs _section_cstart, $3  }
0xc0: {  	[dreg:$0x1] =	wrdreg $0xFFFFFFFF  }
0xc1: {  	_ =	task.clear_ibuf [dreg:s7], $0x2FFFF;
	_ =	strace $0x9FFFFFFF  }
0xc2: {  	(tm) =	ssettm $0x7FFFFFFF  }
0xc3: {  	_ =	shalt  }
tec
execute0_lowered:
.L_overlay_start_1:
0x0: {  	(tag) =	ssettag $0x1  }
0x1: {  	s0 =	rddreg [dreg:$0x0]  }
0x2: {  	s1 =	rddreg [dreg:$0x1];
	s3 =	srdreg.scid;
	s2 =	simm.s32 $0x0  }
0x3: {  	s5 =	stileid.u32;
	s14 =	simm.s32 $0x4;
	s28 =	simm.s32 $0x3000  }
0x4: {  	s20 =	simm.s32 $0x6000;
	s13 =	simm.s32 $0x9000;
	s21 =	simm.s32 $0x15000  }
0x5: {  	s22 =	simm.s32 $0x15800;
	s23 =	simm.s32 $0x16000;
	s29 =	simm.s32 $0x1  }
0x6: {  	s30 =	simm.s32 $0x2;
	s31 =	simm.s32 $0x3;
	s4 =	sand.u32 $0x1, s3  }
0x7: {  	[smem:$0x7FF] =	sst s2;
	s24 =	sshll.u32 s5, $0x4;
	s3 =	sadd.s32 $0xD0400, s0  }
0x8: {  	s25 =	sshll.u32 s4, $0x3;
	_ =	strace $0x8000004A;
	s4 =	ssub.s32 $0x2, s4  }
0x9: {  	s5 =	sor.u32 s25, s24;
	s8 =	sshrl.u32 s4, $0x1;
	s24 =	simm.s32 $0x16800  }
0xa: {  	s25 =	simm.s32 $0x17000;
	s7 =	smul.u32 $0x300, s5;
	s6 =	sadd.s32 s5, s0  }
0xb: {  	s9 =	smul.u32 $0x1800, s5;
	s12 =	ssub.s32 s4, s8;
	s8 =	sadd.s32 $0xD0600, s0  }
0xc: {  	s4 =	sadd.s32 $0x10200, s6;
	s5 =	sadd.s32 $0x10000, s6;
	s6 =	sadd.s32 $0xD0500, s0  }
0xd: {  	v2 =	vlaneseq.u32;
	s12 =	smax.u32 s12, $0x1;
	s7 =	sadd.s32 s1, s7;
	s10 =	sshrl.u32 s9, $0x3  }
0xe: {  	vm0 =	vmmov $0xffff;
	v1 =	vshrl.u32 v2, $0x3;
	s0 =	simm.s32 $0x0;
	s9 =	sadd.s32 $0x600, s7;
	s26 =	sadd.s32 s1, s10  }
0xf: {  	v0 =	vand.u32 $0x7, v2;
	v2 =	vor.u32 $0x8, v2;
	v1 =	vmul.u32 $0x8, v1;
	s10 =	sadd.s32 $0xC00, s26;
	s11 =	sadd.s32 $0x1200, s26;
	s26 =	simm.s32 $0x17800  }
.LBB2_1:
0x10: {  	s1 =	simm.s32 $0x18000  }
0x11: {  	[tilespmem:s1], [sflag:$0x4] =	stream.linear.gather [hbm4b:s4+s2], $0x40, $0x38;
	[tilespmem:$0x18100] =	vst v63  }
0x12: {  	_ =	swait.ge [sflag:s14], $0x40  }
0x13: {  	[sflag:s14] =	ssyncset.done $0x0  }
0x14: {  	s16 =	simm.s32 $0x18080;
	[sflag:s14] =	ssyncadd.s32 $0xFFFFFFC0  }
0x15: {  	[tilespmem:s16], [sflag:$0x4] =	stream.linear.gather [hbm4b:s5+s2], $0x40, $0x38;
	[tilespmem:$0x18100] =	vst v63  }
0x16: {  	_ =	swait.ge [sflag:s14], $0x40  }
0x17: {  	[sflag:s14] =	ssyncset.done $0x0  }
0x18: {  	[sflag:s14] =	ssyncadd.s32 $0xFFFFFFC0  }
0x19: {  	v3 =	vld [tilespmem:$0x18000];
	_ =	sdelay $0x4  }
0x1a: {  	v4 =	vshrl.u32 v3, $0x3  }
0x1b: {  	v4 =	vmul.u32 $0x30, v4  }
0x1c: {  	v3 =	vand.u32 $0x7, v3  }
0x1d: {  	v3 =	vor.u32 v3, v4  }
0x1e: {  	v4 =	vperm.xlane v3, v0;
	_ =	sdelay $0x1  }
0x1f: {  	v4 =	vadd.s32 v1, v4;
	_ =	sdelay $0x3  }
0x20: {  	v3 =	vperm.xlane v3, v2  }
0x21: {  	[tilespmem:s2], [sflag:$0x1] =	stream.indirect_vreg.gather [hbm4b:s3+s2], $0x80, v4, vm0, $0xb8;
	[tilespmem:$0x18100] =	vst v63  }
0x22: {  	s17 =	simm.s32 $0x800;
	v3 =	vadd.s32 v1, v3  }
0x23: {  	[tilespmem:s17], [sflag:$0x1] =	stream.indirect_vreg.gather [hbm4b:s6+s2], $0x80, v4, vm0, $0xb8;
	[tilespmem:$0x18100] =	vst v63  }
0x24: {  	s18 =	simm.s32 $0x1000  }
0x25: {  	[tilespmem:s18], [sflag:$0x1] =	stream.indirect_vreg.gather [hbm4b:s8+s2], $0x80, v4, vm0, $0xb8;
	[tilespmem:$0x18100] =	vst v63  }
0x26: {  	s19 =	simm.s32 $0x1800  }
0x27: {  	[tilespmem:s19], [sflag:$0x1] =	stream.indirect_vreg.gather [hbm4b:s3+s2], $0x80, v3, vm0, $0xb8;
	[tilespmem:$0x18100] =	vst v63  }
0x28: {  	s15 =	simm.s32 $0x2000  }
0x29: {  	[tilespmem:s15], [sflag:$0x1] =	stream.indirect_vreg.gather [hbm4b:s6+s2], $0x80, v3, vm0, $0xb8;
	[tilespmem:$0x18100] =	vst v63  }
0x2a: {  	s16 =	simm.s32 $0x2800  }
0x2b: {  	[tilespmem:s16], [sflag:$0x1] =	stream.indirect_vreg.gather [hbm4b:s8+s2], $0x80, v3, vm0, $0xb8;
	[tilespmem:$0x18100] =	vst v63  }
0x2c: {  	v3 =	vld [tilespmem:$0x18080];
	_ =	sdelay $0x4  }
0x2d: {  	v57 =	vshrl.u32 v3, $0x3  }
0x2e: {  	v4 =	vmul.u32 $0x30, v57  }
0x2f: {  	v3 =	vand.u32 $0x7, v3  }
0x30: {  	v3 =	vor.u32 v3, v4  }
0x31: {  	v4 =	vperm.xlane v3, v0;
	_ =	sdelay $0x1  }
0x32: {  	v4 =	vadd.s32 v1, v4;
	_ =	sdelay $0x3  }
0x33: {  	s17 =	simm.s32 $0xC000;
	v3 =	vperm.xlane v3, v2  }
0x34: {  	[tilespmem:s17], [sflag:$0x2] =	stream.indirect_vreg.gather [hbm4b:s3+s2], $0x80, v4, vm0, $0xb8;
	[tilespmem:$0x18100] =	vst v63  }
0x35: {  	s18 =	simm.s32 $0xC800;
	v3 =	vadd.s32 v1, v3  }
0x36: {  	[tilespmem:s18], [sflag:$0x2] =	stream.indirect_vreg.gather [hbm4b:s6+s2], $0x80, v4, vm0, $0xb8;
	[tilespmem:$0x18100] =	vst v63  }
0x37: {  	s19 =	simm.s32 $0xD000  }
0x38: {  	[tilespmem:s19], [sflag:$0x2] =	stream.indirect_vreg.gather [hbm4b:s8+s2], $0x80, v4, vm0, $0xb8;
	[tilespmem:$0x18100] =	vst v63  }
0x39: {  	s15 =	simm.s32 $0xD800  }
0x3a: {  	[tilespmem:s15], [sflag:$0x2] =	stream.indirect_vreg.gather [hbm4b:s3+s2], $0x80, v3, vm0, $0xb8;
	[tilespmem:$0x18100] =	vst v63  }
0x3b: {  	s16 =	simm.s32 $0xE000  }
0x3c: {  	[tilespmem:s16], [sflag:$0x2] =	stream.indirect_vreg.gather [hbm4b:s6+s2], $0x80, v3, vm0, $0xb8;
	[tilespmem:$0x18100] =	vst v63  }
0x3d: {  	s17 =	simm.s32 $0xE800  }
0x3e: {  	[tilespmem:s17], [sflag:$0x2] =	stream.indirect_vreg.gather [hbm4b:s8+s2], $0x80, v3, vm0, $0xb8;
	[tilespmem:$0x18100] =	vst v63  }
0x3f: {  	v3 =	vld [tilespmem:$0x18010];
	_ =	sdelay $0x4  }
0x40: {  	v58 =	vshrl.u32 v3, $0x3  }
0x41: {  	v4 =	vmul.u32 $0x30, v58  }
0x42: {  	v3 =	vand.u32 $0x7, v3  }
0x43: {  	v3 =	vor.u32 v3, v4  }
0x44: {  	v4 =	vperm.xlane v3, v0;
	_ =	sdelay $0x1  }
0x45: {  	v4 =	vadd.s32 v1, v4;
	_ =	sdelay $0x3  }
0x46: {  	v3 =	vperm.xlane v3, v2  }
0x47: {  	[tilespmem:s28], [sflag:$0x1] =	stream.indirect_vreg.gather [hbm4b:s3+s2], $0x80, v4, vm0, $0xb8;
	[tilespmem:$0x18100] =	vst v63  }
0x48: {  	s18 =	simm.s32 $0x3800;
	v3 =	vadd.s32 v1, v3  }
0x49: {  	[tilespmem:s18], [sflag:$0x1] =	stream.indirect_vreg.gather [hbm4b:s6+s2], $0x80, v4, vm0, $0xb8;
	[tilespmem:$0x18100] =	vst v63  }
0x4a: {  	s19 =	simm.s32 $0x4000  }
0x4b: {  	[tilespmem:s19], [sflag:$0x1] =	stream.indirect_vreg.gather [hbm4b:s8+s2], $0x80, v4, vm0, $0xb8;
	[tilespmem:$0x18100] =	vst v63  }
0x4c: {  	s15 =	simm.s32 $0x4800  }
0x4d: {  	[tilespmem:s15], [sflag:$0x1] =	stream.indirect_vreg.gather [hbm4b:s3+s2], $0x80, v3, vm0, $0xb8;
	[tilespmem:$0x18100] =	vst v63  }
0x4e: {  	s16 =	simm.s32 $0x5000  }
0x4f: {  	[tilespmem:s16], [sflag:$0x1] =	stream.indirect_vreg.gather [hbm4b:s6+s2], $0x80, v3, vm0, $0xb8;
	[tilespmem:$0x18100] =	vst v63  }
0x50: {  	s17 =	simm.s32 $0x5800  }
0x51: {  	[tilespmem:s17], [sflag:$0x1] =	stream.indirect_vreg.gather [hbm4b:s8+s2], $0x80, v3, vm0, $0xb8;
	[tilespmem:$0x18100] =	vst v63  }
0x52: {  	v3 =	vld [tilespmem:$0x18090];
	_ =	sdelay $0x4  }
0x53: {  	v59 =	vshrl.u32 v3, $0x3  }
0x54: {  	v4 =	vmul.u32 $0x30, v59  }
0x55: {  	v3 =	vand.u32 $0x7, v3  }
0x56: {  	v3 =	vor.u32 v3, v4  }
0x57: {  	v4 =	vperm.xlane v3, v0;
	_ =	sdelay $0x1  }
0x58: {  	v4 =	vadd.s32 v1, v4;
	_ =	sdelay $0x3  }
0x59: {  	s18 =	simm.s32 $0xF000;
	v3 =	vperm.xlane v3, v2  }
0x5a: {  	[tilespmem:s18], [sflag:$0x2] =	stream.indirect_vreg.gather [hbm4b:s3+s2], $0x80, v4, vm0, $0xb8;
	[tilespmem:$0x18100] =	vst v63  }
0x5b: {  	s19 =	simm.s32 $0xF800;
	v3 =	vadd.s32 v1, v3  }
0x5c: {  	[tilespmem:s19], [sflag:$0x2] =	stream.indirect_vreg.gather [hbm4b:s6+s2], $0x80, v4, vm0, $0xb8;
	[tilespmem:$0x18100] =	vst v63  }
0x5d: {  	s15 =	simm.s32 $0x10000  }
0x5e: {  	[tilespmem:s15], [sflag:$0x2] =	stream.indirect_vreg.gather [hbm4b:s8+s2], $0x80, v4, vm0, $0xb8;
	[tilespmem:$0x18100] =	vst v63  }
0x5f: {  	s16 =	simm.s32 $0x10800  }
0x60: {  	[tilespmem:s16], [sflag:$0x2] =	stream.indirect_vreg.gather [hbm4b:s3+s2], $0x80, v3, vm0, $0xb8;
	[tilespmem:$0x18100] =	vst v63  }
0x61: {  	s17 =	simm.s32 $0x11000  }
0x62: {  	[tilespmem:s17], [sflag:$0x2] =	stream.indirect_vreg.gather [hbm4b:s6+s2], $0x80, v3, vm0, $0xb8;
	[tilespmem:$0x18100] =	vst v63  }
0x63: {  	s18 =	simm.s32 $0x11800  }
0x64: {  	[tilespmem:s18], [sflag:$0x2] =	stream.indirect_vreg.gather [hbm4b:s8+s2], $0x80, v3, vm0, $0xb8;
	[tilespmem:$0x18100] =	vst v63  }
0x65: {  	v3 =	vld [tilespmem:$0x18020];
	_ =	sdelay $0x4  }
0x66: {  	v60 =	vshrl.u32 v3, $0x3  }
0x67: {  	v4 =	vmul.u32 $0x30, v60  }
0x68: {  	v3 =	vand.u32 $0x7, v3  }
0x69: {  	v3 =	vor.u32 v3, v4  }
0x6a: {  	v4 =	vperm.xlane v3, v0;
	_ =	sdelay $0x1  }
0x6b: {  	v4 =	vadd.s32 v1, v4;
	_ =	sdelay $0x3  }
0x6c: {  	v3 =	vperm.xlane v3, v2  }
0x6d: {  	[tilespmem:s20], [sflag:$0x1] =	stream.indirect_vreg.gather [hbm4b:s3+s2], $0x80, v4, vm0, $0xb8;
	[tilespmem:$0x18100] =	vst v63  }
0x6e: {  	s19 =	simm.s32 $0x6800;
	v3 =	vadd.s32 v1, v3  }
0x6f: {  	[tilespmem:s19], [sflag:$0x1] =	stream.indirect_vreg.gather [hbm4b:s6+s2], $0x80, v4, vm0, $0xb8;
	[tilespmem:$0x18100] =	vst v63  }
0x70: {  	s15 =	simm.s32 $0x7000  }
0x71: {  	[tilespmem:s15], [sflag:$0x1] =	stream.indirect_vreg.gather [hbm4b:s8+s2], $0x80, v4, vm0, $0xb8;
	[tilespmem:$0x18100] =	vst v63  }
0x72: {  	s16 =	simm.s32 $0x7800  }
0x73: {  	[tilespmem:s16], [sflag:$0x1] =	stream.indirect_vreg.gather [hbm4b:s3+s2], $0x80, v3, vm0, $0xb8;
	[tilespmem:$0x18100] =	vst v63  }
0x74: {  	s17 =	simm.s32 $0x8000  }
0x75: {  	[tilespmem:s17], [sflag:$0x1] =	stream.indirect_vreg.gather [hbm4b:s6+s2], $0x80, v3, vm0, $0xb8;
	[tilespmem:$0x18100] =	vst v63  }
0x76: {  	s18 =	simm.s32 $0x8800  }
0x77: {  	[tilespmem:s18], [sflag:$0x1] =	stream.indirect_vreg.gather [hbm4b:s8+s2], $0x80, v3, vm0, $0xb8;
	[tilespmem:$0x18100] =	vst v63  }
0x78: {  	v3 =	vld [tilespmem:$0x180A0];
	_ =	sdelay $0x4  }
0x79: {  	v61 =	vshrl.u32 v3, $0x3  }
0x7a: {  	v4 =	vmul.u32 $0x30, v61  }
0x7b: {  	v3 =	vand.u32 $0x7, v3  }
0x7c: {  	v3 =	vor.u32 v3, v4  }
0x7d: {  	v4 =	vperm.xlane v3, v0;
	_ =	sdelay $0x1  }
0x7e: {  	v4 =	vadd.s32 v1, v4;
	_ =	sdelay $0x3  }
0x7f: {  	s19 =	simm.s32 $0x12000;
	v3 =	vperm.xlane v3, v2  }
0x80: {  	[tilespmem:s19], [sflag:$0x2] =	stream.indirect_vreg.gather [hbm4b:s3+s2], $0x80, v4, vm0, $0xb8;
	[tilespmem:$0x18100] =	vst v63  }
0x81: {  	s15 =	simm.s32 $0x12800;
	v3 =	vadd.s32 v1, v3  }
0x82: {  	[tilespmem:s15], [sflag:$0x2] =	stream.indirect_vreg.gather [hbm4b:s6+s2], $0x80, v4, vm0, $0xb8;
	[tilespmem:$0x18100] =	vst v63  }
0x83: {  	s16 =	simm.s32 $0x13000  }
0x84: {  	[tilespmem:s16], [sflag:$0x2] =	stream.indirect_vreg.gather [hbm4b:s8+s2], $0x80, v4, vm0, $0xb8;
	[tilespmem:$0x18100] =	vst v63  }
0x85: {  	s17 =	simm.s32 $0x13800  }
0x86: {  	[tilespmem:s17], [sflag:$0x2] =	stream.indirect_vreg.gather [hbm4b:s3+s2], $0x80, v3, vm0, $0xb8;
	[tilespmem:$0x18100] =	vst v63  }
0x87: {  	s18 =	simm.s32 $0x14000  }
0x88: {  	[tilespmem:s18], [sflag:$0x2] =	stream.indirect_vreg.gather [hbm4b:s6+s2], $0x80, v3, vm0, $0xb8;
	[tilespmem:$0x18100] =	vst v63  }
0x89: {  	s19 =	simm.s32 $0x14800  }
0x8a: {  	[tilespmem:s19], [sflag:$0x2] =	stream.indirect_vreg.gather [hbm4b:s8+s2], $0x80, v3, vm0, $0xb8;
	[tilespmem:$0x18100] =	vst v63  }
0x8b: {  	v3 =	vld [tilespmem:$0x18030];
	_ =	sdelay $0x4  }
0x8c: {  	v62 =	vshrl.u32 v3, $0x3  }
0x8d: {  	v4 =	vmul.u32 $0x30, v62  }
0x8e: {  	v3 =	vand.u32 $0x7, v3  }
0x8f: {  	v3 =	vor.u32 v3, v4  }
0x90: {  	v4 =	vperm.xlane v3, v0;
	_ =	sdelay $0x1  }
0x91: {  	v4 =	vadd.s32 v1, v4;
	_ =	sdelay $0x3  }
0x92: {  	v3 =	vperm.xlane v3, v2  }
0x93: {  	[tilespmem:s13], [sflag:$0x1] =	stream.indirect_vreg.gather [hbm4b:s3+s2], $0x80, v4, vm0, $0xb8;
	[tilespmem:$0x18100] =	vst v63  }
0x94: {  	s15 =	simm.s32 $0x9800;
	v3 =	vadd.s32 v1, v3  }
0x95: {  	[tilespmem:s15], [sflag:$0x1] =	stream.indirect_vreg.gather [hbm4b:s6+s2], $0x80, v4, vm0, $0xb8;
	[tilespmem:$0x18100] =	vst v63  }
0x96: {  	s16 =	simm.s32 $0xA000  }
0x97: {  	[tilespmem:s16], [sflag:$0x1] =	stream.indirect_vreg.gather [hbm4b:s8+s2], $0x80, v4, vm0, $0xb8;
	[tilespmem:$0x18100] =	vst v63  }
0x98: {  	s17 =	simm.s32 $0xA800  }
0x99: {  	[tilespmem:s17], [sflag:$0x1] =	stream.indirect_vreg.gather [hbm4b:s3+s2], $0x80, v3, vm0, $0xb8;
	[tilespmem:$0x18100] =	vst v63  }
0x9a: {  	s18 =	simm.s32 $0xB000  }
0x9b: {  	[tilespmem:s18], [sflag:$0x1] =	stream.indirect_vreg.gather [hbm4b:s6+s2], $0x80, v3, vm0, $0xb8;
	[tilespmem:$0x18100] =	vst v63  }
0x9c: {  	s19 =	simm.s32 $0xB800  }
0x9d: {  	[tilespmem:s19], [sflag:$0x1] =	stream.indirect_vreg.gather [hbm4b:s8+s2], $0x80, v3, vm0, $0xb8;
	[tilespmem:$0x18100] =	vst v63  }
0x9e: {  	v3 =	vld [tilespmem:$0x180B0];
	_ =	sdelay $0x4  }
0x9f: {  	v63 =	vshrl.u32 v3, $0x3  }
0xa0: {  	v4 =	vmul.u32 $0x30, v63  }
0xa1: {  	v3 =	vand.u32 $0x7, v3  }
0xa2: {  	v3 =	vor.u32 v3, v4  }
0xa3: {  	v4 =	vperm.xlane v3, v0;
	_ =	sdelay $0x1  }
0xa4: {  	v4 =	vadd.s32 v1, v4;
	_ =	sdelay $0x3  }
0xa5: {  	v3 =	vperm.xlane v3, v2  }
0xa6: {  	[tilespmem:s21], [sflag:$0x2] =	stream.indirect_vreg.gather [hbm4b:s3+s2], $0x80, v4, vm0, $0xb8;
	[tilespmem:$0x18100] =	vst v63  }
0xa7: {  	v3 =	vadd.s32 v1, v3  }
0xa8: {  	[tilespmem:s22], [sflag:$0x2] =	stream.indirect_vreg.gather [hbm4b:s6+s2], $0x80, v4, vm0, $0xb8;
	[tilespmem:$0x18100] =	vst v63  }
0xa9: {  	_ = 	snop  }
0xaa: {  	[tilespmem:s23], [sflag:$0x2] =	stream.indirect_vreg.gather [hbm4b:s8+s2], $0x80, v4, vm0, $0xb8;
	[tilespmem:$0x18100] =	vst v63  }
0xab: {  	_ = 	snop  }
0xac: {  	[tilespmem:s24], [sflag:$0x2] =	stream.indirect_vreg.gather [hbm4b:s3+s2], $0x80, v3, vm0, $0xb8;
	[tilespmem:$0x18100] =	vst v63  }
0xad: {  	_ = 	snop  }
0xae: {  	[tilespmem:s25], [sflag:$0x2] =	stream.indirect_vreg.gather [hbm4b:s6+s2], $0x80, v3, vm0, $0xb8;
	[tilespmem:$0x18100] =	vst v63  }
0xaf: {  	_ = 	snop  }
0xb0: {  	[tilespmem:s26], [sflag:$0x2] =	stream.indirect_vreg.gather [hbm4b:s8+s2], $0x80, v3, vm0, $0xb8;
	[tilespmem:$0x18100] =	vst v63  }
0xb1: {  	_ =	swait.ge [sflag:s29], $0x3000  }
0xb2: {  	[sflag:s29] =	ssyncset.done $0x0  }
0xb3: {  	[sflag:s29] =	ssyncadd.s32 $0xFFFFD000  }
0xb4: {  	_ =	swait.ge [sflag:s30], $0x3000  }
0xb5: {  	[sflag:s30] =	ssyncset.done $0x0  }
0xb6: {  	s1 =	simm.s32 $0x0;
	s15 =	simm.s32 $0x0;
	[sflag:s30] =	ssyncadd.s32 $0xFFFFD000  }
.LBB2_2:
0xb7: {  	s16 =	sshrl.u32 s15, $0x3  }
0xb8: {  	s17 =	sand.u32 $0x7, s1;
	s16 =	smul.u32 $0x6000, s16  }
0xb9: {  	s17 =	sshll.u32 s17, $0x9  }
0xba: {  	s16 =	sor.u32 s17, s16  }
0xbb: {  	s17 =	sshra.s32 s16, $0x2  }
0xbc: {  	s16 =	sor.u32 $0x40, s17  }
0xbd: {  	s17 =	sadd.s32 $0xC040, s17;
	v3 =	vld [tilespmem:s16+$0xFFFFFFC0]  }
0xbe: {  	v4 =	vld [tilespmem:s17+$0xFFFFFFC0];
	_ =	sdelay $0x4  }
0xbf: {  	v3 =	vadd.f32 v4, v3;
	_ =	sdelay $0x1  }
0xc0: {  	[tilespmem:s16+$0xFFFFFFC0] =	vst v3;
	v3 =	vld [tilespmem:s16+$0xFFFFFFD0]  }
0xc1: {  	v4 =	vld [tilespmem:s17+$0xFFFFFFD0];
	_ =	sdelay $0x4  }
0xc2: {  	v3 =	vadd.f32 v4, v3;
	_ =	sdelay $0x1  }
0xc3: {  	[tilespmem:s16+$0xFFFFFFD0] =	vst v3;
	v3 =	vld [tilespmem:s16+$0xFFFFFFE0]  }
0xc4: {  	v4 =	vld [tilespmem:s17+$0xFFFFFFE0];
	_ =	sdelay $0x4  }
0xc5: {  	v3 =	vadd.f32 v4, v3;
	_ =	sdelay $0x1  }
0xc6: {  	[tilespmem:s16+$0xFFFFFFE0] =	vst v3;
	v3 =	vld [tilespmem:s16+$0xFFFFFFF0]  }
0xc7: {  	v4 =	vld [tilespmem:s17+$0xFFFFFFF0];
	_ =	sdelay $0x4  }
0xc8: {  	v3 =	vadd.f32 v4, v3;
	_ =	sdelay $0x1  }
0xc9: {  	[tilespmem:s16+$0xFFFFFFF0] =	vst v3;
	v3 =	vld [tilespmem:s16+$0x0]  }
0xca: {  	v4 =	vld [tilespmem:s17+$0x0];
	_ =	sdelay $0x4  }
0xcb: {  	v3 =	vadd.f32 v4, v3;
	_ =	sdelay $0x1  }
0xcc: {  	[tilespmem:s16+$0x0] =	vst v3;
	v3 =	vld [tilespmem:s16+$0x10]  }
0xcd: {  	v4 =	vld [tilespmem:s17+$0x10];
	_ =	sdelay $0x4  }
0xce: {  	v3 =	vadd.f32 v4, v3;
	_ =	sdelay $0x1  }
0xcf: {  	[tilespmem:s16+$0x10] =	vst v3;
	v3 =	vld [tilespmem:s16+$0x20]  }
0xd0: {  	v4 =	vld [tilespmem:s17+$0x20];
	_ =	sdelay $0x4  }
0xd1: {  	v3 =	vadd.f32 v4, v3;
	_ =	sdelay $0x1  }
0xd2: {  	[tilespmem:s16+$0x20] =	vst v3;
	v3 =	vld [tilespmem:s16+$0x30]  }
0xd3: {  	v4 =	vld [tilespmem:s17+$0x30];
	_ =	sdelay $0x4  }
0xd4: {  	v3 =	vadd.f32 v4, v3  }
0xd5: {  	s18 =	simm.s32 $0x0;
	s19 =	sadd.s32 $0x400, s16  }
.LBB2_3:
0xd6: {  	v4 =	vld [tilespmem:s19+$0xFFFFFFC0];
	[tilespmem:s16+$0x30] =	vst v3;
	s17 =	sadd.s32 $0x400, s17;
	s16 =	smov.u32 s19  }
0xd7: {  	s18 =	sadd.s32 $0x8, s18;
	v3 =	vld [tilespmem:s17+$0xFFFFFFC0]  }
0xd8: {  	p0 =	slt.u32 s18, $0x28;
	_ =	sdelay $0x3  }
0xd9: {  	v3 =	vadd.f32 v3, v4;
	_ =	sdelay $0x1  }
0xda: {  	[tilespmem:s19+$0xFFFFFFC0] =	vst v3;
	v3 =	vld [tilespmem:s19+$0xFFFFFFD0]  }
0xdb: {  	v4 =	vld [tilespmem:s17+$0xFFFFFFD0];
	_ =	sdelay $0x4  }
0xdc: {  	v3 =	vadd.f32 v4, v3;
	_ =	sdelay $0x1  }
0xdd: {  	[tilespmem:s19+$0xFFFFFFD0] =	vst v3;
	v3 =	vld [tilespmem:s19+$0xFFFFFFE0]  }
0xde: {  	v4 =	vld [tilespmem:s17+$0xFFFFFFE0];
	_ =	sdelay $0x4  }
0xdf: {  	v3 =	vadd.f32 v4, v3;
	_ =	sdelay $0x1  }
0xe0: {  	[tilespmem:s19+$0xFFFFFFE0] =	vst v3;
	v3 =	vld [tilespmem:s19+$0xFFFFFFF0]  }
0xe1: {  	v4 =	vld [tilespmem:s17+$0xFFFFFFF0];
	_ =	sdelay $0x4  }
0xe2: {  	v3 =	vadd.f32 v4, v3;
	_ =	sdelay $0x1  }
0xe3: {  	[tilespmem:s19+$0xFFFFFFF0] =	vst v3;
	v3 =	vld [tilespmem:s19+$0x0]  }
0xe4: {  	v4 =	vld [tilespmem:s17+$0x0];
	_ =	sdelay $0x4  }
0xe5: {  	v3 =	vadd.f32 v4, v3;
	_ =	sdelay $0x1  }
0xe6: {  	[tilespmem:s19+$0x0] =	vst v3;
	v3 =	vld [tilespmem:s19+$0x10]  }
0xe7: {  	v4 =	vld [tilespmem:s17+$0x10];
	_ =	sdelay $0x4  }
0xe8: {  	v3 =	vadd.f32 v4, v3;
	_ =	sdelay $0x1  }
0xe9: {  	[tilespmem:s19+$0x10] =	vst v3;
	v3 =	vld [tilespmem:s19+$0x20]  }
0xea: {  	v4 =	vld [tilespmem:s17+$0x20];
	_ =	sdelay $0x4  }
0xeb: {  	v3 =	vadd.f32 v4, v3;
	_ =	sdelay $0x1  }
0xec: {  	[tilespmem:s19+$0x20] =	vst v3;
	v3 =	vld [tilespmem:s19+$0x30]  }
0xed: {  	v4 =	vld [tilespmem:s17+$0x30];
	_ =	sdelay $0x1  }
.Ltmp0:
0xee: {  	(pc) =	sbr.rel @p0 .LBB2_3-.Ltmp0, $3  }
0xef: {  	_ =	sdelay $0x1  }
0xf0: {  	v3 =	vadd.f32 v4, v3  }
0xf1: {  	s19 =	sadd.s32 $0x400, s19  }
0xf2: {  	s15 =	sadd.s32 $0x1, s15  }
0xf3: {  	p0 =	sne.s32 s15, $0x10  }
.Ltmp1:
0xf4: {  	_ = 	snop;
	(pc) =	sbr.rel @p0 .LBB2_2-.Ltmp1, $2  }
0xf5: {  	_ =	sdelay $0x2  }
0xf6: {  	[tilespmem:s16+$0x30] =	vst v3;
	s1 =	sadd.s32 $0x1, s1  }
0xf7: {  	s1 =	simm.s32 $0x0  }
0xf8: {  	[hbm4b:s7+s1] =	stream.linear.scatter [tilespmem:s1], [sflag:$0x3], $0x3000, $0x38;
	[tilespmem:$0x18100] =	vst v63  }
0xf9: {  	_ =	swait.ge [sflag:s29], $0x3000  }
0xfa: {  	[sflag:s29] =	ssyncset.done $0x0  }
0xfb: {  	[sflag:s29] =	ssyncadd.s32 $0xFFFFD000  }
0xfc: {  	_ =	swait.ge [sflag:s30], $0x3000  }
0xfd: {  	[sflag:s30] =	ssyncset.done $0x0  }
0xfe: {  	s15 =	simm.s32 $0x10;
	[sflag:s30] =	ssyncadd.s32 $0xFFFFD000  }
.LBB2_6:
0xff: {  	s16 =	sshrl.u32 s15, $0x3  }
0x100: {  	s17 =	sand.u32 $0x7, s1;
	s16 =	smul.u32 $0x6000, s16  }
0x101: {  	s17 =	sshll.u32 s17, $0x9  }
0x102: {  	s16 =	sor.u32 s17, s16  }
0x103: {  	s17 =	sshra.s32 s16, $0x2  }
0x104: {  	s16 =	sor.u32 $0x40, s17  }
0x105: {  	s17 =	sadd.s32 $0xC040, s17;
	v3 =	vld [tilespmem:s16+$0xFFFFFFC0]  }
0x106: {  	v4 =	vld [tilespmem:s17+$0xFFFFFFC0];
	_ =	sdelay $0x4  }
0x107: {  	v3 =	vadd.f32 v4, v3;
	_ =	sdelay $0x1  }
0x108: {  	[tilespmem:s16+$0xFFFFFFC0] =	vst v3;
	v3 =	vld [tilespmem:s16+$0xFFFFFFD0]  }
0x109: {  	v4 =	vld [tilespmem:s17+$0xFFFFFFD0];
	_ =	sdelay $0x4  }
0x10a: {  	v3 =	vadd.f32 v4, v3;
	_ =	sdelay $0x1  }
0x10b: {  	[tilespmem:s16+$0xFFFFFFD0] =	vst v3;
	v3 =	vld [tilespmem:s16+$0xFFFFFFE0]  }
0x10c: {  	v4 =	vld [tilespmem:s17+$0xFFFFFFE0];
	_ =	sdelay $0x4  }
0x10d: {  	v3 =	vadd.f32 v4, v3;
	_ =	sdelay $0x1  }
0x10e: {  	[tilespmem:s16+$0xFFFFFFE0] =	vst v3;
	v3 =	vld [tilespmem:s16+$0xFFFFFFF0]  }
0x10f: {  	v4 =	vld [tilespmem:s17+$0xFFFFFFF0];
	_ =	sdelay $0x4  }
0x110: {  	v3 =	vadd.f32 v4, v3;
	_ =	sdelay $0x1  }
0x111: {  	[tilespmem:s16+$0xFFFFFFF0] =	vst v3;
	v3 =	vld [tilespmem:s16+$0x0]  }
0x112: {  	v4 =	vld [tilespmem:s17+$0x0];
	_ =	sdelay $0x4  }
0x113: {  	v3 =	vadd.f32 v4, v3;
	_ =	sdelay $0x1  }
0x114: {  	[tilespmem:s16+$0x0] =	vst v3;
	v3 =	vld [tilespmem:s16+$0x10]  }
0x115: {  	v4 =	vld [tilespmem:s17+$0x10];
	_ =	sdelay $0x4  }
0x116: {  	v3 =	vadd.f32 v4, v3;
	_ =	sdelay $0x1  }
0x117: {  	[tilespmem:s16+$0x10] =	vst v3;
	v3 =	vld [tilespmem:s16+$0x20]  }
0x118: {  	v4 =	vld [tilespmem:s17+$0x20];
	_ =	sdelay $0x4  }
0x119: {  	v3 =	vadd.f32 v4, v3;
	_ =	sdelay $0x1  }
0x11a: {  	[tilespmem:s16+$0x20] =	vst v3;
	v3 =	vld [tilespmem:s16+$0x30]  }
0x11b: {  	v4 =	vld [tilespmem:s17+$0x30];
	_ =	sdelay $0x4  }
0x11c: {  	v3 =	vadd.f32 v4, v3  }
0x11d: {  	s18 =	simm.s32 $0x0;
	s19 =	sadd.s32 $0x400, s16  }
.LBB2_7:
0x11e: {  	v4 =	vld [tilespmem:s19+$0xFFFFFFC0];
	[tilespmem:s16+$0x30] =	vst v3;
	s17 =	sadd.s32 $0x400, s17;
	s16 =	smov.u32 s19  }
0x11f: {  	s18 =	sadd.s32 $0x8, s18;
	v3 =	vld [tilespmem:s17+$0xFFFFFFC0]  }
0x120: {  	p0 =	slt.u32 s18, $0x28;
	_ =	sdelay $0x3  }
0x121: {  	v3 =	vadd.f32 v3, v4;
	_ =	sdelay $0x1  }
0x122: {  	[tilespmem:s19+$0xFFFFFFC0] =	vst v3;
	v3 =	vld [tilespmem:s19+$0xFFFFFFD0]  }
0x123: {  	v4 =	vld [tilespmem:s17+$0xFFFFFFD0];
	_ =	sdelay $0x4  }
0x124: {  	v3 =	vadd.f32 v4, v3;
	_ =	sdelay $0x1  }
0x125: {  	[tilespmem:s19+$0xFFFFFFD0] =	vst v3;
	v3 =	vld [tilespmem:s19+$0xFFFFFFE0]  }
0x126: {  	v4 =	vld [tilespmem:s17+$0xFFFFFFE0];
	_ =	sdelay $0x4  }
0x127: {  	v3 =	vadd.f32 v4, v3;
	_ =	sdelay $0x1  }
0x128: {  	[tilespmem:s19+$0xFFFFFFE0] =	vst v3;
	v3 =	vld [tilespmem:s19+$0xFFFFFFF0]  }
0x129: {  	v4 =	vld [tilespmem:s17+$0xFFFFFFF0];
	_ =	sdelay $0x4  }
0x12a: {  	v3 =	vadd.f32 v4, v3;
	_ =	sdelay $0x1  }
0x12b: {  	[tilespmem:s19+$0xFFFFFFF0] =	vst v3;
	v3 =	vld [tilespmem:s19+$0x0]  }
0x12c: {  	v4 =	vld [tilespmem:s17+$0x0];
	_ =	sdelay $0x4  }
0x12d: {  	v3 =	vadd.f32 v4, v3;
	_ =	sdelay $0x1  }
0x12e: {  	[tilespmem:s19+$0x0] =	vst v3;
	v3 =	vld [tilespmem:s19+$0x10]  }
0x12f: {  	v4 =	vld [tilespmem:s17+$0x10];
	_ =	sdelay $0x4  }
0x130: {  	v3 =	vadd.f32 v4, v3;
	_ =	sdelay $0x1  }
0x131: {  	[tilespmem:s19+$0x10] =	vst v3;
	v3 =	vld [tilespmem:s19+$0x20]  }
0x132: {  	v4 =	vld [tilespmem:s17+$0x20];
	_ =	sdelay $0x4  }
0x133: {  	v3 =	vadd.f32 v4, v3;
	_ =	sdelay $0x1  }
0x134: {  	[tilespmem:s19+$0x20] =	vst v3;
	v3 =	vld [tilespmem:s19+$0x30]  }
0x135: {  	v4 =	vld [tilespmem:s17+$0x30];
	_ =	sdelay $0x1  }
.Ltmp2:
0x136: {  	(pc) =	sbr.rel @p0 .LBB2_7-.Ltmp2, $3  }
0x137: {  	_ =	sdelay $0x1  }
0x138: {  	v3 =	vadd.f32 v4, v3  }
0x139: {  	s19 =	sadd.s32 $0x400, s19  }
0x13a: {  	s15 =	sadd.s32 $0x1, s15  }
0x13b: {  	p0 =	sne.s32 s15, $0x20  }
.Ltmp3:
0x13c: {  	_ = 	snop;
	(pc) =	sbr.rel @p0 .LBB2_6-.Ltmp3, $2  }
0x13d: {  	_ =	sdelay $0x2  }
0x13e: {  	[tilespmem:s16+$0x30] =	vst v3;
	s1 =	sadd.s32 $0x1, s1  }
0x13f: {  	s1 =	simm.s32 $0x0  }
0x140: {  	[hbm4b:s9+s1] =	stream.linear.scatter [tilespmem:s28], [sflag:$0x3], $0x3000, $0x38;
	[tilespmem:$0x18100] =	vst v63  }
0x141: {  	_ =	swait.ge [sflag:s29], $0x3000  }
0x142: {  	[sflag:s29] =	ssyncset.done $0x0  }
0x143: {  	[sflag:s29] =	ssyncadd.s32 $0xFFFFD000  }
0x144: {  	_ =	swait.ge [sflag:s30], $0x3000  }
0x145: {  	[sflag:s30] =	ssyncset.done $0x0  }
0x146: {  	s15 =	simm.s32 $0x20;
	[sflag:s30] =	ssyncadd.s32 $0xFFFFD000  }
.LBB2_10:
0x147: {  	s16 =	sshrl.u32 s15, $0x3  }
0x148: {  	s17 =	sand.u32 $0x7, s1;
	s16 =	smul.u32 $0x6000, s16  }
0x149: {  	s17 =	sshll.u32 s17, $0x9  }
0x14a: {  	s16 =	sor.u32 s17, s16  }
0x14b: {  	s17 =	sshra.s32 s16, $0x2  }
0x14c: {  	s16 =	sor.u32 $0x40, s17  }
0x14d: {  	s17 =	sadd.s32 $0xC040, s17;
	v3 =	vld [tilespmem:s16+$0xFFFFFFC0]  }
0x14e: {  	v4 =	vld [tilespmem:s17+$0xFFFFFFC0];
	_ =	sdelay $0x4  }
0x14f: {  	v3 =	vadd.f32 v4, v3;
	_ =	sdelay $0x1  }
0x150: {  	[tilespmem:s16+$0xFFFFFFC0] =	vst v3;
	v3 =	vld [tilespmem:s16+$0xFFFFFFD0]  }
0x151: {  	v4 =	vld [tilespmem:s17+$0xFFFFFFD0];
	_ =	sdelay $0x4  }
0x152: {  	v3 =	vadd.f32 v4, v3;
	_ =	sdelay $0x1  }
0x153: {  	[tilespmem:s16+$0xFFFFFFD0] =	vst v3;
	v3 =	vld [tilespmem:s16+$0xFFFFFFE0]  }
0x154: {  	v4 =	vld [tilespmem:s17+$0xFFFFFFE0];
	_ =	sdelay $0x4  }
0x155: {  	v3 =	vadd.f32 v4, v3;
	_ =	sdelay $0x1  }
0x156: {  	[tilespmem:s16+$0xFFFFFFE0] =	vst v3;
	v3 =	vld [tilespmem:s16+$0xFFFFFFF0]  }
0x157: {  	v4 =	vld [tilespmem:s17+$0xFFFFFFF0];
	_ =	sdelay $0x4  }
0x158: {  	v3 =	vadd.f32 v4, v3;
	_ =	sdelay $0x1  }
0x159: {  	[tilespmem:s16+$0xFFFFFFF0] =	vst v3;
	v3 =	vld [tilespmem:s16+$0x0]  }
0x15a: {  	v4 =	vld [tilespmem:s17+$0x0];
	_ =	sdelay $0x4  }
0x15b: {  	v3 =	vadd.f32 v4, v3;
	_ =	sdelay $0x1  }
0x15c: {  	[tilespmem:s16+$0x0] =	vst v3;
	v3 =	vld [tilespmem:s16+$0x10]  }
0x15d: {  	v4 =	vld [tilespmem:s17+$0x10];
	_ =	sdelay $0x4  }
0x15e: {  	v3 =	vadd.f32 v4, v3;
	_ =	sdelay $0x1  }
0x15f: {  	[tilespmem:s16+$0x10] =	vst v3;
	v3 =	vld [tilespmem:s16+$0x20]  }
0x160: {  	v4 =	vld [tilespmem:s17+$0x20];
	_ =	sdelay $0x4  }
0x161: {  	v3 =	vadd.f32 v4, v3;
	_ =	sdelay $0x1  }
0x162: {  	[tilespmem:s16+$0x20] =	vst v3;
	v3 =	vld [tilespmem:s16+$0x30]  }
0x163: {  	v4 =	vld [tilespmem:s17+$0x30];
	_ =	sdelay $0x4  }
0x164: {  	v3 =	vadd.f32 v4, v3  }
0x165: {  	s18 =	simm.s32 $0x0;
	s19 =	sadd.s32 $0x400, s16  }
.LBB2_11:
0x166: {  	v4 =	vld [tilespmem:s19+$0xFFFFFFC0];
	[tilespmem:s16+$0x30] =	vst v3;
	s17 =	sadd.s32 $0x400, s17;
	s16 =	smov.u32 s19  }
0x167: {  	s18 =	sadd.s32 $0x8, s18;
	v3 =	vld [tilespmem:s17+$0xFFFFFFC0]  }
0x168: {  	p0 =	slt.u32 s18, $0x28;
	_ =	sdelay $0x3  }
0x169: {  	v3 =	vadd.f32 v3, v4;
	_ =	sdelay $0x1  }
0x16a: {  	[tilespmem:s19+$0xFFFFFFC0] =	vst v3;
	v3 =	vld [tilespmem:s19+$0xFFFFFFD0]  }
0x16b: {  	v4 =	vld [tilespmem:s17+$0xFFFFFFD0];
	_ =	sdelay $0x4  }
0x16c: {  	v3 =	vadd.f32 v4, v3;
	_ =	sdelay $0x1  }
0x16d: {  	[tilespmem:s19+$0xFFFFFFD0] =	vst v3;
	v3 =	vld [tilespmem:s19+$0xFFFFFFE0]  }
0x16e: {  	v4 =	vld [tilespmem:s17+$0xFFFFFFE0];
	_ =	sdelay $0x4  }
0x16f: {  	v3 =	vadd.f32 v4, v3;
	_ =	sdelay $0x1  }
0x170: {  	[tilespmem:s19+$0xFFFFFFE0] =	vst v3;
	v3 =	vld [tilespmem:s19+$0xFFFFFFF0]  }
0x171: {  	v4 =	vld [tilespmem:s17+$0xFFFFFFF0];
	_ =	sdelay $0x4  }
0x172: {  	v3 =	vadd.f32 v4, v3;
	_ =	sdelay $0x1  }
0x173: {  	[tilespmem:s19+$0xFFFFFFF0] =	vst v3;
	v3 =	vld [tilespmem:s19+$0x0]  }
0x174: {  	v4 =	vld [tilespmem:s17+$0x0];
	_ =	sdelay $0x4  }
0x175: {  	v3 =	vadd.f32 v4, v3;
	_ =	sdelay $0x1  }
0x176: {  	[tilespmem:s19+$0x0] =	vst v3;
	v3 =	vld [tilespmem:s19+$0x10]  }
0x177: {  	v4 =	vld [tilespmem:s17+$0x10];
	_ =	sdelay $0x4  }
0x178: {  	v3 =	vadd.f32 v4, v3;
	_ =	sdelay $0x1  }
0x179: {  	[tilespmem:s19+$0x10] =	vst v3;
	v3 =	vld [tilespmem:s19+$0x20]  }
0x17a: {  	v4 =	vld [tilespmem:s17+$0x20];
	_ =	sdelay $0x4  }
0x17b: {  	v3 =	vadd.f32 v4, v3;
	_ =	sdelay $0x1  }
0x17c: {  	[tilespmem:s19+$0x20] =	vst v3;
	v3 =	vld [tilespmem:s19+$0x30]  }
0x17d: {  	v4 =	vld [tilespmem:s17+$0x30];
	_ =	sdelay $0x1  }
.Ltmp4:
0x17e: {  	(pc) =	sbr.rel @p0 .LBB2_11-.Ltmp4, $3  }
0x17f: {  	_ =	sdelay $0x1  }
0x180: {  	v3 =	vadd.f32 v4, v3  }
0x181: {  	s19 =	sadd.s32 $0x400, s19  }
0x182: {  	s15 =	sadd.s32 $0x1, s15  }
0x183: {  	p0 =	sne.s32 s15, $0x30  }
.Ltmp5:
0x184: {  	_ = 	snop;
	(pc) =	sbr.rel @p0 .LBB2_10-.Ltmp5, $2  }
0x185: {  	_ =	sdelay $0x2  }
0x186: {  	[tilespmem:s16+$0x30] =	vst v3;
	s1 =	sadd.s32 $0x1, s1  }
0x187: {  	s1 =	simm.s32 $0x0  }
0x188: {  	[hbm4b:s10+s1] =	stream.linear.scatter [tilespmem:s20], [sflag:$0x3], $0x3000, $0x38;
	[tilespmem:$0x18100] =	vst v63  }
0x189: {  	_ =	swait.ge [sflag:s29], $0x3000  }
0x18a: {  	[sflag:s29] =	ssyncset.done $0x0  }
0x18b: {  	[sflag:s29] =	ssyncadd.s32 $0xFFFFD000  }
0x18c: {  	_ =	swait.ge [sflag:s30], $0x3000  }
0x18d: {  	[sflag:s30] =	ssyncset.done $0x0  }
0x18e: {  	s15 =	simm.s32 $0x30;
	[sflag:s30] =	ssyncadd.s32 $0xFFFFD000  }
.LBB2_14:
0x18f: {  	s16 =	sshrl.u32 s15, $0x3  }
0x190: {  	s17 =	sand.u32 $0x7, s1;
	s16 =	smul.u32 $0x6000, s16  }
0x191: {  	s17 =	sshll.u32 s17, $0x9  }
0x192: {  	s16 =	sor.u32 s17, s16  }
0x193: {  	s17 =	sshra.s32 s16, $0x2  }
0x194: {  	s16 =	sor.u32 $0x40, s17  }
0x195: {  	s17 =	sadd.s32 $0xC040, s17;
	v3 =	vld [tilespmem:s16+$0xFFFFFFC0]  }
0x196: {  	v4 =	vld [tilespmem:s17+$0xFFFFFFC0];
	_ =	sdelay $0x4  }
0x197: {  	v3 =	vadd.f32 v4, v3;
	_ =	sdelay $0x1  }
0x198: {  	[tilespmem:s16+$0xFFFFFFC0] =	vst v3;
	v3 =	vld [tilespmem:s16+$0xFFFFFFD0]  }
0x199: {  	v4 =	vld [tilespmem:s17+$0xFFFFFFD0];
	_ =	sdelay $0x4  }
0x19a: {  	v3 =	vadd.f32 v4, v3;
	_ =	sdelay $0x1  }
0x19b: {  	[tilespmem:s16+$0xFFFFFFD0] =	vst v3;
	v3 =	vld [tilespmem:s16+$0xFFFFFFE0]  }
0x19c: {  	v4 =	vld [tilespmem:s17+$0xFFFFFFE0];
	_ =	sdelay $0x4  }
0x19d: {  	v3 =	vadd.f32 v4, v3;
	_ =	sdelay $0x1  }
0x19e: {  	[tilespmem:s16+$0xFFFFFFE0] =	vst v3;
	v3 =	vld [tilespmem:s16+$0xFFFFFFF0]  }
0x19f: {  	v4 =	vld [tilespmem:s17+$0xFFFFFFF0];
	_ =	sdelay $0x4  }
0x1a0: {  	v3 =	vadd.f32 v4, v3;
	_ =	sdelay $0x1  }
0x1a1: {  	[tilespmem:s16+$0xFFFFFFF0] =	vst v3;
	v3 =	vld [tilespmem:s16+$0x0]  }
0x1a2: {  	v4 =	vld [tilespmem:s17+$0x0];
	_ =	sdelay $0x4  }
0x1a3: {  	v3 =	vadd.f32 v4, v3;
	_ =	sdelay $0x1  }
0x1a4: {  	[tilespmem:s16+$0x0] =	vst v3;
	v3 =	vld [tilespmem:s16+$0x10]  }
0x1a5: {  	v4 =	vld [tilespmem:s17+$0x10];
	_ =	sdelay $0x4  }
0x1a6: {  	v3 =	vadd.f32 v4, v3;
	_ =	sdelay $0x1  }
0x1a7: {  	[tilespmem:s16+$0x10] =	vst v3;
	v3 =	vld [tilespmem:s16+$0x20]  }
0x1a8: {  	v4 =	vld [tilespmem:s17+$0x20];
	_ =	sdelay $0x4  }
0x1a9: {  	v3 =	vadd.f32 v4, v3;
	_ =	sdelay $0x1  }
0x1aa: {  	[tilespmem:s16+$0x20] =	vst v3;
	v3 =	vld [tilespmem:s16+$0x30]  }
0x1ab: {  	v4 =	vld [tilespmem:s17+$0x30];
	_ =	sdelay $0x4  }
0x1ac: {  	v3 =	vadd.f32 v4, v3  }
0x1ad: {  	s18 =	simm.s32 $0x0;
	s19 =	sadd.s32 $0x400, s16  }
.LBB2_15:
0x1ae: {  	v4 =	vld [tilespmem:s19+$0xFFFFFFC0];
	[tilespmem:s16+$0x30] =	vst v3;
	s17 =	sadd.s32 $0x400, s17;
	s16 =	smov.u32 s19  }
0x1af: {  	s18 =	sadd.s32 $0x8, s18;
	v3 =	vld [tilespmem:s17+$0xFFFFFFC0]  }
0x1b0: {  	p0 =	slt.u32 s18, $0x28;
	_ =	sdelay $0x3  }
0x1b1: {  	v3 =	vadd.f32 v3, v4;
	_ =	sdelay $0x1  }
0x1b2: {  	[tilespmem:s19+$0xFFFFFFC0] =	vst v3;
	v3 =	vld [tilespmem:s19+$0xFFFFFFD0]  }
0x1b3: {  	v4 =	vld [tilespmem:s17+$0xFFFFFFD0];
	_ =	sdelay $0x4  }
0x1b4: {  	v3 =	vadd.f32 v4, v3;
	_ =	sdelay $0x1  }
0x1b5: {  	[tilespmem:s19+$0xFFFFFFD0] =	vst v3;
	v3 =	vld [tilespmem:s19+$0xFFFFFFE0]  }
0x1b6: {  	v4 =	vld [tilespmem:s17+$0xFFFFFFE0];
	_ =	sdelay $0x4  }
0x1b7: {  	v3 =	vadd.f32 v4, v3;
	_ =	sdelay $0x1  }
0x1b8: {  	[tilespmem:s19+$0xFFFFFFE0] =	vst v3;
	v3 =	vld [tilespmem:s19+$0xFFFFFFF0]  }
0x1b9: {  	v4 =	vld [tilespmem:s17+$0xFFFFFFF0];
	_ =	sdelay $0x4  }
0x1ba: {  	v3 =	vadd.f32 v4, v3;
	_ =	sdelay $0x1  }
0x1bb: {  	[tilespmem:s19+$0xFFFFFFF0] =	vst v3;
	v3 =	vld [tilespmem:s19+$0x0]  }
0x1bc: {  	v4 =	vld [tilespmem:s17+$0x0];
	_ =	sdelay $0x4  }
0x1bd: {  	v3 =	vadd.f32 v4, v3;
	_ =	sdelay $0x1  }
0x1be: {  	[tilespmem:s19+$0x0] =	vst v3;
	v3 =	vld [tilespmem:s19+$0x10]  }
0x1bf: {  	v4 =	vld [tilespmem:s17+$0x10];
	_ =	sdelay $0x4  }
0x1c0: {  	v3 =	vadd.f32 v4, v3;
	_ =	sdelay $0x1  }
0x1c1: {  	[tilespmem:s19+$0x10] =	vst v3;
	v3 =	vld [tilespmem:s19+$0x20]  }
0x1c2: {  	v4 =	vld [tilespmem:s17+$0x20];
	_ =	sdelay $0x4  }
0x1c3: {  	v3 =	vadd.f32 v4, v3;
	_ =	sdelay $0x1  }
0x1c4: {  	[tilespmem:s19+$0x20] =	vst v3;
	v3 =	vld [tilespmem:s19+$0x30]  }
0x1c5: {  	v4 =	vld [tilespmem:s17+$0x30];
	_ =	sdelay $0x1  }
.Ltmp6:
0x1c6: {  	(pc) =	sbr.rel @p0 .LBB2_15-.Ltmp6, $3  }
0x1c7: {  	_ =	sdelay $0x1  }
0x1c8: {  	v3 =	vadd.f32 v4, v3  }
0x1c9: {  	s19 =	sadd.s32 $0x400, s19  }
0x1ca: {  	s15 =	sadd.s32 $0x1, s15  }
0x1cb: {  	p0 =	sne.s32 s15, $0x40  }
.Ltmp7:
0x1cc: {  	_ = 	snop;
	(pc) =	sbr.rel @p0 .LBB2_14-.Ltmp7, $2  }
0x1cd: {  	_ =	sdelay $0x2  }
0x1ce: {  	[tilespmem:s16+$0x30] =	vst v3;
	s1 =	sadd.s32 $0x1, s1  }
0x1cf: {  	[hbm4b:s11+s2] =	stream.linear.scatter [tilespmem:s13], [sflag:$0x3], $0x3000, $0x38;
	[tilespmem:$0x18100] =	vst v63  }
0x1d0: {  	_ =	swait.ge [sflag:s31], $0x3000  }
0x1d1: {  	[sflag:s31] =	ssyncset.done $0x0  }
0x1d2: {  	[sflag:s31] =	ssyncadd.s32 $0xFFFFD000  }
0x1d3: {  	_ =	swait.ge [sflag:s31], $0x3000  }
0x1d4: {  	[sflag:s31] =	ssyncset.done $0x0  }
0x1d5: {  	s0 =	sadd.s32 $0x1, s0;
	[sflag:s31] =	ssyncadd.s32 $0xFFFFD000  }
0x1d6: {  	p0 =	sne.s32 s0, s12;
	_ =	swait.ge [sflag:s31], $0x3000  }
.Ltmp8:
0x1d7: {  	[sflag:s31] =	ssyncset.done $0x0;
	(pc) =	sbr.rel @p0 .LBB2_1-.Ltmp8, $4  }
0x1d8: {  	[sflag:s31] =	ssyncadd.s32 $0xFFFFD000  }
0x1d9: {  	_ =	swait.ge [sflag:s31], $0x3000  }
0x1da: {  	[sflag:s31] =	ssyncset.done $0x0  }
0x1db: {  	[sflag:s31] =	ssyncadd.s32 $0xFFFFD000  }
0x1dc: {  	_ =	sfence.sel $0x180000  }
0x1dd: {  	[bflag:$0x0] =	sbarrier.arrive $0xFFFF  }
0x1de: {  	_ =	strace $0x9000004A  }
0x1df: {  	s0 =	stileid.u32;
	[bflag:$0x2] =	sbarrier.arrive $0xFFFF  }
0x1e0: {  	p0 =	sne.s32 s0, $0x0;
	s0 =	rddreg [dreg:$0x2]  }
0x1e1: {  	s0 =	sadd.s32 @!p0 $0x100000, s0  }
0x1e2: {  	[sflag:s0] =	ssyncadd.tile.s32 @!p0 $0x1;
	_ =	shalt  }
.Lfunc_end2:
_tile_overlayer_lowered:
.L_overlay_start_2:
0x1e3: {  	(tag) =	ssettag $0x2  }
0x1e4: {  	s0 =	rddreg [dreg:$0x0];
	s2 =	stileid.u32  }
0x1e5: {  	s1 =	rddreg [dreg:$0x1];
	p0 =	sne.s32 s2, $0x0  }
0x1e6: {  	s3 =	rddreg [dreg:$0x2];
	[bflag:$0x3] =	sbarrier.arrive $0xFFFF;
	s2 =	simm.s32 @!p0 $0x1C04  }
0x1e7: {  	[timem:s3], [sflag:s2] =	dma.local @!p0 [hbm:s0], s1  }
0x1e8: {  	s0 =	simm.s32 @!p0 $0x4  }
0x1e9: {  	_ =	swait.ge @!p0 [sflag:s0], s1  }
0x1ea: {  	s1 =	ssub.s32 @!p0 $0x0, s1;
	[sflag:s0] =	ssyncset.done @!p0 $0x0  }
0x1eb: {  	[sflag:s0] =	ssyncadd.s32 @!p0 s1  }
0x1ec: {  	[bflag:$0x3] =	sbarrier.arrive $0xFFFF  }
0x1ed: {  	_ =	shalt  }

</sc_bundles>
